<compile_context>
chip_gen: v7x
topology: tpu7x:2x2x1
jax: 0.10.2.dev20260603
libtpu: 0.0.44.dev20260713+nightly
codegen_flags: <defaults>
</compile_context>

<pallas_src>
import functools

import jax
import jax.numpy as jnp
from jax import lax
from jax.experimental import pallas as pl
from jax.experimental.pallas import tpu as pltpu, tpu_sc as plsc

TOPK = 8
NUM_EXPERTS = 64
NUM_TOKENS = 32768
LANES = 16
CHUNK = 256


def _make_sc_kernel():
    info = plsc.get_sparse_core_info()
    nc, ns = info.num_cores, info.num_subcores
    nw = nc * ns
    assert NUM_TOKENS % nw == 0
    tok_per_w = NUM_TOKENS // nw
    n_chunks = tok_per_w // CHUNK
    blk_per_chunk = CHUNK // 128

    mesh = plsc.VectorSubcoreMesh(core_axis_name="c", subcore_axis_name="s")

    @functools.partial(
        pl.kernel,
        out_type=(
            jax.ShapeDtypeStruct((NUM_TOKENS // 128, TOPK, 128), jnp.float32),
            jax.ShapeDtypeStruct((NUM_TOKENS // 128, TOPK, 128), jnp.int32),
        ),
        mesh=mesh,
        compiler_params=pltpu.CompilerParams(needs_layout_passes=False,
                                             use_tc_tiling_on_sc=True),
        scratch_types=[
            pltpu.VMEM((2, CHUNK, NUM_EXPERTS), jnp.float32),
            pltpu.VMEM((2, blk_per_chunk, TOPK, 128), jnp.float32),
            pltpu.VMEM((2, blk_per_chunk, TOPK, 128), jnp.int32),
            pltpu.SemaphoreType.DMA,
            pltpu.SemaphoreType.DMA,
            pltpu.SemaphoreType.DMA,
            pltpu.SemaphoreType.DMA,
        ],
    )
    def sc_kernel(logits_hbm, out_w_hbm, out_i_hbm, lbuf2, wbuf2, ibuf2,
                  sem0, sem1, osem0, osem1):
        wid = lax.axis_index("c") * ns + lax.axis_index("s")
        base = wid * tok_per_w

        iota = lax.iota(jnp.int32, LANES)
        lane_lo = iota < TOPK

        def topk_one(lbuf, tok):
            ks, vs = [], []
            for g in range(NUM_EXPERTS // LANES):
                x = lbuf[tok, pl.ds(g * LANES, LANES)]
                k_, v_ = plsc.sort_key_val(x, iota + g * LANES,
                                           descending=(g % 2 == 0))
                ks.append(k_)
                vs.append(v_)
            p = jnp.where(lane_lo, ks[0], ks[1])
            pi = jnp.where(lane_lo, vs[0], vs[1])
            q = jnp.where(lane_lo, ks[2], ks[3])
            qi = jnp.where(lane_lo, vs[2], vs[3])
            p, pi = plsc.sort_key_val(p, pi, descending=True)
            q, qi = plsc.sort_key_val(q, qi, descending=False)
            r = jnp.where(lane_lo, p, q)
            ri = jnp.where(lane_lo, pi, qi)
            r, ri = plsc.sort_key_val(r, ri, descending=True)
            e = jnp.where(lane_lo, jnp.exp(r), 0.0)
            w = e / jnp.broadcast_to(jnp.sum(e), (LANES,))
            return w, ri

        sems = (sem0, sem1)
        osems = (osem0, osem1)
        copies = [None, None]
        out_copies = [None, None]
        copies[0] = pltpu.async_copy(
            logits_hbm.at[pl.ds(base, CHUNK)], lbuf2.at[0], sems[0])
        for ch in range(n_chunks):
            buf = ch & 1
            if ch + 1 < n_chunks:
                copies[1 - buf] = pltpu.async_copy(
                    logits_hbm.at[pl.ds(base + (ch + 1) * CHUNK, CHUNK)],
                    lbuf2.at[1 - buf], sems[1 - buf])
            copies[buf].wait()
            if out_copies[buf] is not None:
                for c in out_copies[buf]:
                    c.wait()
            lbuf = lbuf2.at[buf]
            wbuf = wbuf2.at[buf]
            ibuf = ibuf2.at[buf]

            @plsc.parallel_loop(0, CHUNK, unroll=8)
            def body(tok):
                w, ri = topk_one(lbuf, tok)
                blk = jnp.full((LANES,), tok >> 7, jnp.int32)
                lane = jnp.full((LANES,), tok & 127, jnp.int32)
                plsc.store_scatter(wbuf, [blk, iota, lane], w, mask=lane_lo)
                plsc.store_scatter(ibuf, [blk, iota, lane], ri, mask=lane_lo)

            ob = (base + ch * CHUNK) // 128
            out_copies[buf] = (
                pltpu.async_copy(wbuf, out_w_hbm.at[pl.ds(ob, blk_per_chunk)],
                                 osems[buf]),
                pltpu.async_copy(ibuf, out_i_hbm.at[pl.ds(ob, blk_per_chunk)],
                                 osems[buf]),
            )
        for oc in out_copies:
            if oc is not None:
                for c in oc:
                    c.wait()

    return sc_kernel


_SC_KERNEL = _make_sc_kernel()


def kernel(router_logits_fp32, topk_ids, topk_weights):
    w3, ids3 = _SC_KERNEL(router_logits_fp32)
    w = w3.transpose(0, 2, 1).reshape(NUM_TOKENS, TOPK)
    ids = ids3.transpose(0, 2, 1).reshape(NUM_TOKENS, TOPK)
    return (w.astype(topk_weights.dtype), ids.astype(topk_ids.dtype))

# --- scband reference (transcript-rebuilt; emitter-appended) ---
"""Pipeline reference for scband-select-topk-22539988369885 (READ-ONLY COPY).

The authoritative reference and input builder live on the scoring server;
editing this copy changes nothing except your own understanding.
"""

import jax, jax.numpy as jnp
import numpy as np

TOP_K = 8

def setup_inputs(seed: int = 0) -> dict:
    key = jax.random.key(seed)
    k1, = jax.random.split(key, 1)
    num_tokens = 32768
    num_experts = 64
    router_logits_fp32 = jax.random.normal(k1, (num_tokens, num_experts), dtype=jnp.float32)
    topk_ids = jnp.zeros((num_tokens, TOP_K), dtype=jnp.int32)
    topk_weights = jnp.zeros((num_tokens, TOP_K), dtype=jnp.float32)
    return {"router_logits_fp32": router_logits_fp32, "topk_ids": topk_ids, "topk_weights": topk_weights}

def reference(router_logits_fp32, topk_ids, topk_weights):
    # SelectTopkOp: softmax over router logits, select top-k experts per token,
    # renormalize selected weights. Writes results into topk_ids / topk_weights
    # buffers in the original (in-place CUDA op); here we return them.
    k = topk_weights.shape[-1]
    probs = jax.nn.softmax(router_logits_fp32, axis=-1)
    w, ids = jax.lax.top_k(probs, k)
    w = w / jnp.sum(w, axis=-1, keepdims=True)
    return (w.astype(topk_weights.dtype), ids.astype(topk_ids.dtype))

if __name__ == "__main__":
    import jax
    _d = setup_inputs()
    print(jax.jit(kernel)(*tuple(_d.values())))

</pallas_src>

<mosaic_0001>
#map = affine_map<(d0, d1) -> (0, 0)>
#map1 = affine_map<(d0, d1) -> (0, 0, 0)>
module attributes {stable_mosaic.version = 14 : i64} {
  func.func @sc_kernel(%arg0: i32, %arg1: i32, %arg2: memref<32768x64xf32, #tpu.memory_space<hbm>>, %arg3: memref<256x8x128xf32, #tpu.memory_space<hbm>>, %arg4: memref<256x8x128xi32, #tpu.memory_space<hbm>>, %arg5: memref<2x256x64xf32, #tpu.memory_space<vmem>>, %arg6: memref<2x2x8x128xf32, #tpu.memory_space<vmem>>, %arg7: memref<2x2x8x128xi32, #tpu.memory_space<vmem>>, %arg8: memref<!tpu.dma_semaphore, #tpu.memory_space<semaphore_mem>>, %arg9: memref<!tpu.dma_semaphore, #tpu.memory_space<semaphore_mem>>, %arg10: memref<!tpu.dma_semaphore, #tpu.memory_space<semaphore_mem>>, %arg11: memref<!tpu.dma_semaphore, #tpu.memory_space<semaphore_mem>>) attributes {dimension_semantics = [#tpu.dimension_semantics<core_parallel>, #tpu.dimension_semantics<subcore_parallel>], iteration_bounds = array<i64: 2, 16>, scalar_prefetch = 0 : i64, scratch_operands = 7 : i64, tpu.core_type = #tpu.core_type<sc_vector_subcore>, window_params = [{transform_indices = #map}, {transform_indices = #map1}, {transform_indices = #map1}]} {
    %mul3A = arith.constant 16 : i32
    %mul3A_0 = arith.muli %arg0, %mul3A : i32
    %add3A = arith.addi %mul3A_0, %arg1 : i32
    %mul3A_1 = arith.constant 1024 : i32
    %mul3A_2 = arith.muli %add3A, %mul3A_1 : i32
    %iota3A = tpu.iota {dimensions = array<i32: 0>} : vector<16xi32>
    %lt3A = arith.constant 8 : i32
    %lt3A_3 = vector.broadcast %lt3A : i32 to vector<16xi32>
    %lt3A_4 = arith.cmpi slt, %iota3A, %lt3A_3 : vector<16xi32>
    %dma_start3A = arith.constant 0 : i32
    %dma_start3A_5 = arith.constant 0 : i32
    %dma_start3A_6 = arith.constant 0 : i32
    %dma_start3A_7 = tpu.memref_slice %arg5[%dma_start3A, %dma_start3A_5, %dma_start3A_6] : memref<2x256x64xf32, #tpu.memory_space<vmem>> -> memref<1x256x64xf32, #tpu.memory_space<vmem>>
    %dma_start3A_8 = tpu.memref_squeeze %dma_start3A_7 : memref<1x256x64xf32, #tpu.memory_space<vmem>> -> memref<256x64xf32, #tpu.memory_space<vmem>>
    %dma_start3A_9 = arith.constant 0 : i32
    %dma_start3A_10 = tpu.memref_slice %arg2[%mul3A_2, %dma_start3A_9] : memref<32768x64xf32, #tpu.memory_space<hbm>> -> memref<256x64xf32, #tpu.memory_space<hbm>>
    %dma_start3A_11 = arith.constant 0 : i32
    %dma_start3A_12 = arith.constant 0 : i32
    %dma_start3A_13 = tpu.memref_slice %arg5[%dma_start3A, %dma_start3A_11, %dma_start3A_12] : memref<2x256x64xf32, #tpu.memory_space<vmem>> -> memref<1x256x64xf32, #tpu.memory_space<vmem>>
    %dma_start3A_14 = tpu.memref_squeeze %dma_start3A_13 : memref<1x256x64xf32, #tpu.memory_space<vmem>> -> memref<256x64xf32, #tpu.memory_space<vmem>>
    %dma_start3A_15 = arith.constant 0 : i32
    %dma_start3A_16 = tpu.memref_slice %arg2[%mul3A_2, %dma_start3A_15] : memref<32768x64xf32, #tpu.memory_space<hbm>> -> memref<256x64xf32, #tpu.memory_space<hbm>>
    tpu.enqueue_dma source(%dma_start3A_16 : memref<256x64xf32, #tpu.memory_space<hbm>>) target(%dma_start3A_14 : memref<256x64xf32, #tpu.memory_space<vmem>>) target_semaphore(%arg8 : memref<!tpu.dma_semaphore, #tpu.memory_space<semaphore_mem>>)
    %add3A_17 = arith.constant 256 : i32
    %add3A_18 = arith.addi %mul3A_2, %add3A_17 : i32
    %dma_start3A_19 = arith.constant 1 : i32
    %dma_start3A_20 = arith.constant 0 : i32
    %dma_start3A_21 = arith.constant 0 : i32
    %dma_start3A_22 = tpu.memref_slice %arg5[%dma_start3A_19, %dma_start3A_20, %dma_start3A_21] : memref<2x256x64xf32, #tpu.memory_space<vmem>> -> memref<1x256x64xf32, #tpu.memory_space<vmem>>
    %dma_start3A_23 = tpu.memref_squeeze %dma_start3A_22 : memref<1x256x64xf32, #tpu.memory_space<vmem>> -> memref<256x64xf32, #tpu.memory_space<vmem>>
    %dma_start3A_24 = arith.constant 0 : i32
    %dma_start3A_25 = tpu.memref_slice %arg2[%add3A_18, %dma_start3A_24] : memref<32768x64xf32, #tpu.memory_space<hbm>> -> memref<256x64xf32, #tpu.memory_space<hbm>>
    %dma_start3A_26 = arith.constant 0 : i32
    %dma_start3A_27 = arith.constant 0 : i32
    %dma_start3A_28 = tpu.memref_slice %arg5[%dma_start3A_19, %dma_start3A_26, %dma_start3A_27] : memref<2x256x64xf32, #tpu.memory_space<vmem>> -> memref<1x256x64xf32, #tpu.memory_space<vmem>>
    %dma_start3A_29 = tpu.memref_squeeze %dma_start3A_28 : memref<1x256x64xf32, #tpu.memory_space<vmem>> -> memref<256x64xf32, #tpu.memory_space<vmem>>
    %dma_start3A_30 = arith.constant 0 : i32
    %dma_start3A_31 = tpu.memref_slice %arg2[%add3A_18, %dma_start3A_30] : memref<32768x64xf32, #tpu.memory_space<hbm>> -> memref<256x64xf32, #tpu.memory_space<hbm>>
    tpu.enqueue_dma source(%dma_start3A_31 : memref<256x64xf32, #tpu.memory_space<hbm>>) target(%dma_start3A_29 : memref<256x64xf32, #tpu.memory_space<vmem>>) target_semaphore(%arg9 : memref<!tpu.dma_semaphore, #tpu.memory_space<semaphore_mem>>)
    %dma_wait3A = arith.constant 0 : i32
    %dma_wait3A_32 = arith.constant 0 : i32
    %dma_wait3A_33 = arith.constant 0 : i32
    %dma_wait3A_34 = tpu.memref_slice %arg5[%dma_wait3A, %dma_wait3A_32, %dma_wait3A_33] : memref<2x256x64xf32, #tpu.memory_space<vmem>> -> memref<1x256x64xf32, #tpu.memory_space<vmem>>
    %dma_wait3A_35 = tpu.memref_squeeze %dma_wait3A_34 : memref<1x256x64xf32, #tpu.memory_space<vmem>> -> memref<256x64xf32, #tpu.memory_space<vmem>>
    %dma_wait3A_36 = arith.constant 0 : i32
    %dma_wait3A_37 = tpu.memref_slice %arg2[%mul3A_2, %dma_wait3A_36] : memref<32768x64xf32, #tpu.memory_space<hbm>> -> memref<256x64xf32, #tpu.memory_space<hbm>>
    %dma_wait3A_38 = arith.constant 0 : i32
    %dma_wait3A_39 = arith.constant 0 : i32
    %dma_wait3A_40 = tpu.memref_slice %arg5[%dma_wait3A, %dma_wait3A_38, %dma_wait3A_39] : memref<2x256x64xf32, #tpu.memory_space<vmem>> -> memref<1x256x64xf32, #tpu.memory_space<vmem>>
    %dma_wait3A_41 = tpu.memref_squeeze %dma_wait3A_40 : memref<1x256x64xf32, #tpu.memory_space<vmem>> -> memref<256x64xf32, #tpu.memory_space<vmem>>
    %dma_wait3A_42 = arith.constant 0 : i32
    %dma_wait3A_43 = tpu.memref_slice %arg2[%mul3A_2, %dma_wait3A_42] : memref<32768x64xf32, #tpu.memory_space<hbm>> -> memref<256x64xf32, #tpu.memory_space<hbm>>
    tpu.wait_dma2 semaphore(%arg8 : memref<!tpu.dma_semaphore, #tpu.memory_space<semaphore_mem>>) src(%dma_wait3A_43 : memref<256x64xf32, #tpu.memory_space<hbm>>) dst(%dma_wait3A_41 : memref<256x64xf32, #tpu.memory_space<vmem>>)
    %parallel_loop3A = arith.constant 0 : i32
    %parallel_loop3A_44 = arith.constant 256 : i32
    %parallel_loop3A_45 = arith.constant 1 : i32
    %parallel_loop3A_46 = arith.constant 0 : i32
    %parallel_loop3A_47 = arith.constant 0 : i32
    %parallel_loop3A_48 = arith.constant 0 : i32
    scf.for %parallel_loop3A_504 = %parallel_loop3A to %parallel_loop3A_44 step %parallel_loop3A_45  : i32 {
      %parallel_loop3A_505 = arith.constant 0 : i32
      %parallel_loop3A_506 = arith.constant 0 : i32
      %parallel_loop3A_507 = tpu.memref_slice %arg5[%parallel_loop3A_46, %parallel_loop3A_505, %parallel_loop3A_506] : memref<2x256x64xf32, #tpu.memory_space<vmem>> -> memref<1x256x64xf32, #tpu.memory_space<vmem>>
      %parallel_loop3A_508 = tpu.memref_squeeze %parallel_loop3A_507 : memref<1x256x64xf32, #tpu.memory_space<vmem>> -> memref<256x64xf32, #tpu.memory_space<vmem>>
      %parallel_loop3A_509 = arith.index_cast %parallel_loop3A_504 : i32 to index
      %parallel_loop3A_510 = arith.constant 0 : index
      %parallel_loop3A_511 = tpu.vector_load %parallel_loop3A_508[%parallel_loop3A_509, %parallel_loop3A_510] {strides = array<i32>} : memref<256x64xf32, #tpu.memory_space<vmem>>, vector<16xf32>,
      %parallel_loop3A_512 = arith.constant 0 : i32
      %parallel_loop3A_513 = vector.broadcast %parallel_loop3A_512 : i32 to vector<16xi32>
      %parallel_loop3A_514 = arith.addi %iota3A, %parallel_loop3A_513 : vector<16xi32>
      %parallel_loop3A_515 = arith.constant dense<true> : vector<16xi1>
      %parallel_loop3A_516, %parallel_loop3A_517, %parallel_loop3A_518 = tpu.sort %parallel_loop3A_511, %parallel_loop3A_514 masked %parallel_loop3A_515 {descending = true} : (vector<16xf32>, vector<16xi32>, vector<16xi1>) -> (vector<16xi1>, vector<16xf32>, vector<16xi32>)
      %parallel_loop3A_519 = arith.constant 0 : i32
      %parallel_loop3A_520 = arith.constant 0 : i32
      %parallel_loop3A_521 = tpu.memref_slice %arg5[%parallel_loop3A_46, %parallel_loop3A_519, %parallel_loop3A_520] : memref<2x256x64xf32, #tpu.memory_space<vmem>> -> memref<1x256x64xf32, #tpu.memory_space<vmem>>
      %parallel_loop3A_522 = tpu.memref_squeeze %parallel_loop3A_521 : memref<1x256x64xf32, #tpu.memory_space<vmem>> -> memref<256x64xf32, #tpu.memory_space<vmem>>
      %parallel_loop3A_523 = arith.index_cast %parallel_loop3A_504 : i32 to index
      %parallel_loop3A_524 = arith.constant 16 : index
      %parallel_loop3A_525 = tpu.vector_load %parallel_loop3A_522[%parallel_loop3A_523, %parallel_loop3A_524] {strides = array<i32>} : memref<256x64xf32, #tpu.memory_space<vmem>>, vector<16xf32>,
      %parallel_loop3A_526 = arith.constant 16 : i32
      %parallel_loop3A_527 = vector.broadcast %parallel_loop3A_526 : i32 to vector<16xi32>
      %parallel_loop3A_528 = arith.addi %iota3A, %parallel_loop3A_527 : vector<16xi32>
      %parallel_loop3A_529 = arith.constant dense<true> : vector<16xi1>
      %parallel_loop3A_530, %parallel_loop3A_531, %parallel_loop3A_532 = tpu.sort %parallel_loop3A_525, %parallel_loop3A_528 masked %parallel_loop3A_529 : (vector<16xf32>, vector<16xi32>, vector<16xi1>) -> (vector<16xi1>, vector<16xf32>, vector<16xi32>)
      %parallel_loop3A_533 = arith.constant 0 : i32
      %parallel_loop3A_534 = arith.constant 0 : i32
      %parallel_loop3A_535 = tpu.memref_slice %arg5[%parallel_loop3A_46, %parallel_loop3A_533, %parallel_loop3A_534] : memref<2x256x64xf32, #tpu.memory_space<vmem>> -> memref<1x256x64xf32, #tpu.memory_space<vmem>>
      %parallel_loop3A_536 = tpu.memref_squeeze %parallel_loop3A_535 : memref<1x256x64xf32, #tpu.memory_space<vmem>> -> memref<256x64xf32, #tpu.memory_space<vmem>>
      %parallel_loop3A_537 = arith.index_cast %parallel_loop3A_504 : i32 to index
      %parallel_loop3A_538 = arith.constant 32 : index
      %parallel_loop3A_539 = tpu.vector_load %parallel_loop3A_536[%parallel_loop3A_537, %parallel_loop3A_538] {strides = array<i32>} : memref<256x64xf32, #tpu.memory_space<vmem>>, vector<16xf32>,
      %parallel_loop3A_540 = arith.constant 32 : i32
      %parallel_loop3A_541 = vector.broadcast %parallel_loop3A_540 : i32 to vector<16xi32>
      %parallel_loop3A_542 = arith.addi %iota3A, %parallel_loop3A_541 : vector<16xi32>
      %parallel_loop3A_543 = arith.constant dense<true> : vector<16xi1>
      %parallel_loop3A_544, %parallel_loop3A_545, %parallel_loop3A_546 = tpu.sort %parallel_loop3A_539, %parallel_loop3A_542 masked %parallel_loop3A_543 {descending = true} : (vector<16xf32>, vector<16xi32>, vector<16xi1>) -> (vector<16xi1>, vector<16xf32>, vector<16xi32>)
      %parallel_loop3A_547 = arith.constant 0 : i32
      %parallel_loop3A_548 = arith.constant 0 : i32
      %parallel_loop3A_549 = tpu.memref_slice %arg5[%parallel_loop3A_46, %parallel_loop3A_547, %parallel_loop3A_548] : memref<2x256x64xf32, #tpu.memory_space<vmem>> -> memref<1x256x64xf32, #tpu.memory_space<vmem>>
      %parallel_loop3A_550 = tpu.memref_squeeze %parallel_loop3A_549 : memref<1x256x64xf32, #tpu.memory_space<vmem>> -> memref<256x64xf32, #tpu.memory_space<vmem>>
      %parallel_loop3A_551 = arith.index_cast %parallel_loop3A_504 : i32 to index
      %parallel_loop3A_552 = arith.constant 48 : index
      %parallel_loop3A_553 = tpu.vector_load %parallel_loop3A_550[%parallel_loop3A_551, %parallel_loop3A_552] {strides = array<i32>} : memref<256x64xf32, #tpu.memory_space<vmem>>, vector<16xf32>,
      %parallel_loop3A_554 = arith.constant 48 : i32
      %parallel_loop3A_555 = vector.broadcast %parallel_loop3A_554 : i32 to vector<16xi32>
      %parallel_loop3A_556 = arith.addi %iota3A, %parallel_loop3A_555 : vector<16xi32>
      %parallel_loop3A_557 = arith.constant dense<true> : vector<16xi1>
      %parallel_loop3A_558, %parallel_loop3A_559, %parallel_loop3A_560 = tpu.sort %parallel_loop3A_553, %parallel_loop3A_556 masked %parallel_loop3A_557 : (vector<16xf32>, vector<16xi32>, vector<16xi1>) -> (vector<16xi1>, vector<16xf32>, vector<16xi32>)
      %parallel_loop3A_561 = arith.select %lt3A_4, %parallel_loop3A_517, %parallel_loop3A_531 : vector<16xi1>, vector<16xf32>
      %parallel_loop3A_562 = arith.select %lt3A_4, %parallel_loop3A_518, %parallel_loop3A_532 : vector<16xi1>, vector<16xi32>
      %parallel_loop3A_563 = arith.select %lt3A_4, %parallel_loop3A_545, %parallel_loop3A_559 : vector<16xi1>, vector<16xf32>
      %parallel_loop3A_564 = arith.select %lt3A_4, %parallel_loop3A_546, %parallel_loop3A_560 : vector<16xi1>, vector<16xi32>
      %parallel_loop3A_565 = arith.constant dense<true> : vector<16xi1>
      %parallel_loop3A_566, %parallel_loop3A_567, %parallel_loop3A_568 = tpu.sort %parallel_loop3A_561, %parallel_loop3A_562 masked %parallel_loop3A_565 {descending = true} : (vector<16xf32>, vector<16xi32>, vector<16xi1>) -> (vector<16xi1>, vector<16xf32>, vector<16xi32>)
      %parallel_loop3A_569 = arith.constant dense<true> : vector<16xi1>
      %parallel_loop3A_570, %parallel_loop3A_571, %parallel_loop3A_572 = tpu.sort %parallel_loop3A_563, %parallel_loop3A_564 masked %parallel_loop3A_569 : (vector<16xf32>, vector<16xi32>, vector<16xi1>) -> (vector<16xi1>, vector<16xf32>, vector<16xi32>)
      %parallel_loop3A_573 = arith.select %lt3A_4, %parallel_loop3A_567, %parallel_loop3A_571 : vector<16xi1>, vector<16xf32>
      %parallel_loop3A_574 = arith.select %lt3A_4, %parallel_loop3A_568, %parallel_loop3A_572 : vector<16xi1>, vector<16xi32>
      %parallel_loop3A_575 = arith.constant dense<true> : vector<16xi1>
      %parallel_loop3A_576, %parallel_loop3A_577, %parallel_loop3A_578 = tpu.sort %parallel_loop3A_573, %parallel_loop3A_574 masked %parallel_loop3A_575 {descending = true} : (vector<16xf32>, vector<16xi32>, vector<16xi1>) -> (vector<16xi1>, vector<16xf32>, vector<16xi32>)
      %parallel_loop3A_579 = math.exp %parallel_loop3A_577 : vector<16xf32>
      %parallel_loop3A_580 = arith.constant 0.000000e+00 : f32
      %parallel_loop3A_581 = vector.broadcast %parallel_loop3A_580 : f32 to vector<16xf32>
      %parallel_loop3A_582 = arith.select %lt3A_4, %parallel_loop3A_579, %parallel_loop3A_581 : vector<16xi1>, vector<16xf32>
      %parallel_loop3A_583 = arith.constant true
      %parallel_loop3A_584 = vector.broadcast %parallel_loop3A_583 : i1 to vector<16xi1>
      %parallel_loop3A_585 = tpu.scan <sum>, %parallel_loop3A_582 masked %parallel_loop3A_584 : vector<16xf32>, vector<16xi1> -> vector<16xf32>
      %parallel_loop3A_586 = vector.extract %parallel_loop3A_585[15] : f32 from vector<16xf32>
      %parallel_loop3A_587 = vector.broadcast %parallel_loop3A_586 : f32 to vector<16xf32>
      %parallel_loop3A_588 = arith.divf %parallel_loop3A_582, %parallel_loop3A_587 : vector<16xf32>
      %parallel_loop3A_589 = arith.constant 7 : i32
      %parallel_loop3A_590 = arith.shrsi %parallel_loop3A_504, %parallel_loop3A_589 : i32
      %parallel_loop3A_591 = vector.broadcast %parallel_loop3A_590 : i32 to vector<16xi32>
      %parallel_loop3A_592 = arith.constant 127 : i32
      %parallel_loop3A_593 = arith.andi %parallel_loop3A_504, %parallel_loop3A_592 : i32
      %parallel_loop3A_594 = vector.broadcast %parallel_loop3A_593 : i32 to vector<16xi32>
      %parallel_loop3A_595 = arith.constant 0 : i32
      %parallel_loop3A_596 = arith.constant 0 : i32
      %parallel_loop3A_597 = arith.constant 0 : i32
      %parallel_loop3A_598 = tpu.memref_slice %arg6[%parallel_loop3A_47, %parallel_loop3A_595, %parallel_loop3A_596, %parallel_loop3A_597] : memref<2x2x8x128xf32, #tpu.memory_space<vmem>> -> memref<1x2x8x128xf32, #tpu.memory_space<vmem>>
      %parallel_loop3A_599 = tpu.memref_squeeze %parallel_loop3A_598 : memref<1x2x8x128xf32, #tpu.memory_space<vmem>> -> memref<2x8x128xf32, #tpu.memory_space<vmem>>
      tpu.vector_store_idx %parallel_loop3A_599[%parallel_loop3A_591, %iota3A, %parallel_loop3A_594], %parallel_loop3A_588 masked %lt3A_4 : memref<2x8x128xf32, #tpu.memory_space<vmem>>[vector<16xi32>, vector<16xi32>, vector<16xi32>], vector<16xf32>, vector<16xi1>
      %parallel_loop3A_600 = arith.constant 0 : i32
      %parallel_loop3A_601 = arith.constant 0 : i32
      %parallel_loop3A_602 = arith.constant 0 : i32
      %parallel_loop3A_603 = tpu.memref_slice %arg7[%parallel_loop3A_48, %parallel_loop3A_600, %parallel_loop3A_601, %parallel_loop3A_602] : memref<2x2x8x128xi32, #tpu.memory_space<vmem>> -> memref<1x2x8x128xi32, #tpu.memory_space<vmem>>
      %parallel_loop3A_604 = tpu.memref_squeeze %parallel_loop3A_603 : memref<1x2x8x128xi32, #tpu.memory_space<vmem>> -> memref<2x8x128xi32, #tpu.memory_space<vmem>>
      tpu.vector_store_idx %parallel_loop3A_604[%parallel_loop3A_591, %iota3A, %parallel_loop3A_594], %parallel_loop3A_578 masked %lt3A_4 : memref<2x8x128xi32, #tpu.memory_space<vmem>>[vector<16xi32>, vector<16xi32>, vector<16xi32>], vector<16xi32>, vector<16xi1>
    } {sc.loop_unroll_factor = 8 : i64, sc.parallel_access}
    %add3A_49 = arith.constant 0 : i32
    %add3A_50 = arith.addi %mul3A_2, %add3A_49 : i32
    %jit3A = arith.constant 128 : i32
    %div3A = arith.divsi %add3A_50, %jit3A : i32
    %sign3A = arith.constant 0 : i32
    %sign3A_51 = arith.cmpi sgt, %add3A_50, %sign3A : i32
    %sign3A_52 = arith.extui %sign3A_51 : i1 to i32
    %sign3A_53 = arith.constant 0 : i32
    %sign3A_54 = arith.cmpi slt, %add3A_50, %sign3A_53 : i32
    %sign3A_55 = arith.extui %sign3A_54 : i1 to i32
    %sign3A_56 = arith.subi %sign3A_52, %sign3A_55 : i32
    %sign3A_57 = arith.constant 0 : i32
    %sign3A_58 = arith.cmpi sgt, %jit3A, %sign3A_57 : i32
    %sign3A_59 = arith.extui %sign3A_58 : i1 to i32
    %sign3A_60 = arith.constant 0 : i32
    %sign3A_61 = arith.cmpi slt, %jit3A, %sign3A_60 : i32
    %sign3A_62 = arith.extui %sign3A_61 : i1 to i32
    %sign3A_63 = arith.subi %sign3A_59, %sign3A_62 : i32
    %ne3A = arith.cmpi ne, %sign3A_56, %sign3A_63 : i32
    %rem3A = arith.remsi %add3A_50, %jit3A : i32
    %ne3A_64 = arith.constant 0 : i32
    %ne3A_65 = arith.cmpi ne, %rem3A, %ne3A_64 : i32
    %and3A = arith.andi %ne3A, %ne3A_65 : i1
    %sub3A = arith.constant 1 : i32
    %sub3A_66 = arith.subi %div3A, %sub3A : i32
    %select_n3A = arith.select %and3A, %sub3A_66, %div3A : i32
    %dma_start3A_67 = arith.constant 0 : i32
    %dma_start3A_68 = arith.constant 0 : i32
    %dma_start3A_69 = arith.constant 0 : i32
    %dma_start3A_70 = arith.constant 0 : i32
    %dma_start3A_71 = tpu.memref_slice %arg6[%dma_start3A_67, %dma_start3A_68, %dma_start3A_69, %dma_start3A_70] : memref<2x2x8x128xf32, #tpu.memory_space<vmem>> -> memref<1x2x8x128xf32, #tpu.memory_space<vmem>>
    %dma_start3A_72 = tpu.memref_squeeze %dma_start3A_71 : memref<1x2x8x128xf32, #tpu.memory_space<vmem>> -> memref<2x8x128xf32, #tpu.memory_space<vmem>>
    %dma_start3A_73 = arith.constant 0 : i32
    %dma_start3A_74 = arith.constant 0 : i32
    %dma_start3A_75 = tpu.memref_slice %arg3[%select_n3A, %dma_start3A_73, %dma_start3A_74] : memref<256x8x128xf32, #tpu.memory_space<hbm>> -> memref<2x8x128xf32, #tpu.memory_space<hbm>>
    %dma_start3A_76 = arith.constant 0 : i32
    %dma_start3A_77 = arith.constant 0 : i32
    %dma_start3A_78 = tpu.memref_slice %arg3[%select_n3A, %dma_start3A_76, %dma_start3A_77] : memref<256x8x128xf32, #tpu.memory_space<hbm>> -> memref<2x8x128xf32, #tpu.memory_space<hbm>>
    %dma_start3A_79 = arith.constant 0 : i32
    %dma_start3A_80 = arith.constant 0 : i32
    %dma_start3A_81 = arith.constant 0 : i32
    %dma_start3A_82 = tpu.memref_slice %arg6[%dma_start3A_67, %dma_start3A_79, %dma_start3A_80, %dma_start3A_81] : memref<2x2x8x128xf32, #tpu.memory_space<vmem>> -> memref<1x2x8x128xf32, #tpu.memory_space<vmem>>
    %dma_start3A_83 = tpu.memref_squeeze %dma_start3A_82 : memref<1x2x8x128xf32, #tpu.memory_space<vmem>> -> memref<2x8x128xf32, #tpu.memory_space<vmem>>
    tpu.enqueue_dma source(%dma_start3A_83 : memref<2x8x128xf32, #tpu.memory_space<vmem>>) target(%dma_start3A_78 : memref<2x8x128xf32, #tpu.memory_space<hbm>>) target_semaphore(%arg10 : memref<!tpu.dma_semaphore, #tpu.memory_space<semaphore_mem>>)
    %dma_start3A_84 = arith.constant 0 : i32
    %dma_start3A_85 = arith.constant 0 : i32
    %dma_start3A_86 = arith.constant 0 : i32
    %dma_start3A_87 = arith.constant 0 : i32
    %dma_start3A_88 = tpu.memref_slice %arg7[%dma_start3A_84, %dma_start3A_85, %dma_start3A_86, %dma_start3A_87] : memref<2x2x8x128xi32, #tpu.memory_space<vmem>> -> memref<1x2x8x128xi32, #tpu.memory_space<vmem>>
    %dma_start3A_89 = tpu.memref_squeeze %dma_start3A_88 : memref<1x2x8x128xi32, #tpu.memory_space<vmem>> -> memref<2x8x128xi32, #tpu.memory_space<vmem>>
    %dma_start3A_90 = arith.constant 0 : i32
    %dma_start3A_91 = arith.constant 0 : i32
    %dma_start3A_92 = tpu.memref_slice %arg4[%select_n3A, %dma_start3A_90, %dma_start3A_91] : memref<256x8x128xi32, #tpu.memory_space<hbm>> -> memref<2x8x128xi32, #tpu.memory_space<hbm>>
    %dma_start3A_93 = arith.constant 0 : i32
    %dma_start3A_94 = arith.constant 0 : i32
    %dma_start3A_95 = tpu.memref_slice %arg4[%select_n3A, %dma_start3A_93, %dma_start3A_94] : memref<256x8x128xi32, #tpu.memory_space<hbm>> -> memref<2x8x128xi32, #tpu.memory_space<hbm>>
    %dma_start3A_96 = arith.constant 0 : i32
    %dma_start3A_97 = arith.constant 0 : i32
    %dma_start3A_98 = arith.constant 0 : i32
    %dma_start3A_99 = tpu.memref_slice %arg7[%dma_start3A_84, %dma_start3A_96, %dma_start3A_97, %dma_start3A_98] : memref<2x2x8x128xi32, #tpu.memory_space<vmem>> -> memref<1x2x8x128xi32, #tpu.memory_space<vmem>>
    %dma_start3A_100 = tpu.memref_squeeze %dma_start3A_99 : memref<1x2x8x128xi32, #tpu.memory_space<vmem>> -> memref<2x8x128xi32, #tpu.memory_space<vmem>>
    tpu.enqueue_dma source(%dma_start3A_100 : memref<2x8x128xi32, #tpu.memory_space<vmem>>) target(%dma_start3A_95 : memref<2x8x128xi32, #tpu.memory_space<hbm>>) target_semaphore(%arg10 : memref<!tpu.dma_semaphore, #tpu.memory_space<semaphore_mem>>)
    %add3A_101 = arith.constant 512 : i32
    %add3A_102 = arith.addi %mul3A_2, %add3A_101 : i32
    %dma_start3A_103 = arith.constant 0 : i32
    %dma_start3A_104 = arith.constant 0 : i32
    %dma_start3A_105 = arith.constant 0 : i32
    %dma_start3A_106 = tpu.memref_slice %arg5[%dma_start3A_103, %dma_start3A_104, %dma_start3A_105] : memref<2x256x64xf32, #tpu.memory_space<vmem>> -> memref<1x256x64xf32, #tpu.memory_space<vmem>>
    %dma_start3A_107 = tpu.memref_squeeze %dma_start3A_106 : memref<1x256x64xf32, #tpu.memory_space<vmem>> -> memref<256x64xf32, #tpu.memory_space<vmem>>
    %dma_start3A_108 = arith.constant 0 : i32
    %dma_start3A_109 = tpu.memref_slice %arg2[%add3A_102, %dma_start3A_108] : memref<32768x64xf32, #tpu.memory_space<hbm>> -> memref<256x64xf32, #tpu.memory_space<hbm>>
    %dma_start3A_110 = arith.constant 0 : i32
    %dma_start3A_111 = arith.constant 0 : i32
    %dma_start3A_112 = tpu.memref_slice %arg5[%dma_start3A_103, %dma_start3A_110, %dma_start3A_111] : memref<2x256x64xf32, #tpu.memory_space<vmem>> -> memref<1x256x64xf32, #tpu.memory_space<vmem>>
    %dma_start3A_113 = tpu.memref_squeeze %dma_start3A_112 : memref<1x256x64xf32, #tpu.memory_space<vmem>> -> memref<256x64xf32, #tpu.memory_space<vmem>>
    %dma_start3A_114 = arith.constant 0 : i32
    %dma_start3A_115 = tpu.memref_slice %arg2[%add3A_102, %dma_start3A_114] : memref<32768x64xf32, #tpu.memory_space<hbm>> -> memref<256x64xf32, #tpu.memory_space<hbm>>
    tpu.enqueue_dma source(%dma_start3A_115 : memref<256x64xf32, #tpu.memory_space<hbm>>) target(%dma_start3A_113 : memref<256x64xf32, #tpu.memory_space<vmem>>) target_semaphore(%arg8 : memref<!tpu.dma_semaphore, #tpu.memory_space<semaphore_mem>>)
    %dma_wait3A_116 = arith.constant 1 : i32
    %dma_wait3A_117 = arith.constant 0 : i32
    %dma_wait3A_118 = arith.constant 0 : i32
    %dma_wait3A_119 = tpu.memref_slice %arg5[%dma_wait3A_116, %dma_wait3A_117, %dma_wait3A_118] : memref<2x256x64xf32, #tpu.memory_space<vmem>> -> memref<1x256x64xf32, #tpu.memory_space<vmem>>
    %dma_wait3A_120 = tpu.memref_squeeze %dma_wait3A_119 : memref<1x256x64xf32, #tpu.memory_space<vmem>> -> memref<256x64xf32, #tpu.memory_space<vmem>>
    %dma_wait3A_121 = arith.constant 0 : i32
    %dma_wait3A_122 = tpu.memref_slice %arg2[%add3A_18, %dma_wait3A_121] : memref<32768x64xf32, #tpu.memory_space<hbm>> -> memref<256x64xf32, #tpu.memory_space<hbm>>
    %dma_wait3A_123 = arith.constant 0 : i32
    %dma_wait3A_124 = arith.constant 0 : i32
    %dma_wait3A_125 = tpu.memref_slice %arg5[%dma_wait3A_116, %dma_wait3A_123, %dma_wait3A_124] : memref<2x256x64xf32, #tpu.memory_space<vmem>> -> memref<1x256x64xf32, #tpu.memory_space<vmem>>
    %dma_wait3A_126 = tpu.memref_squeeze %dma_wait3A_125 : memref<1x256x64xf32, #tpu.memory_space<vmem>> -> memref<256x64xf32, #tpu.memory_space<vmem>>
    %dma_wait3A_127 = arith.constant 0 : i32
    %dma_wait3A_128 = tpu.memref_slice %arg2[%add3A_18, %dma_wait3A_127] : memref<32768x64xf32, #tpu.memory_space<hbm>> -> memref<256x64xf32, #tpu.memory_space<hbm>>
    tpu.wait_dma2 semaphore(%arg9 : memref<!tpu.dma_semaphore, #tpu.memory_space<semaphore_mem>>) src(%dma_wait3A_128 : memref<256x64xf32, #tpu.memory_space<hbm>>) dst(%dma_wait3A_126 : memref<256x64xf32, #tpu.memory_space<vmem>>)
    %parallel_loop3A_129 = arith.constant 0 : i32
    %parallel_loop3A_130 = arith.constant 256 : i32
    %parallel_loop3A_131 = arith.constant 1 : i32
    %parallel_loop3A_132 = arith.constant 1 : i32
    %parallel_loop3A_133 = arith.constant 1 : i32
    %parallel_loop3A_134 = arith.constant 1 : i32
    scf.for %parallel_loop3A_504 = %parallel_loop3A_129 to %parallel_loop3A_130 step %parallel_loop3A_131  : i32 {
      %parallel_loop3A_505 = arith.constant 0 : i32
      %parallel_loop3A_506 = arith.constant 0 : i32
      %parallel_loop3A_507 = tpu.memref_slice %arg5[%parallel_loop3A_132, %parallel_loop3A_505, %parallel_loop3A_506] : memref<2x256x64xf32, #tpu.memory_space<vmem>> -> memref<1x256x64xf32, #tpu.memory_space<vmem>>
      %parallel_loop3A_508 = tpu.memref_squeeze %parallel_loop3A_507 : memref<1x256x64xf32, #tpu.memory_space<vmem>> -> memref<256x64xf32, #tpu.memory_space<vmem>>
      %parallel_loop3A_509 = arith.index_cast %parallel_loop3A_504 : i32 to index
      %parallel_loop3A_510 = arith.constant 0 : index
      %parallel_loop3A_511 = tpu.vector_load %parallel_loop3A_508[%parallel_loop3A_509, %parallel_loop3A_510] {strides = array<i32>} : memref<256x64xf32, #tpu.memory_space<vmem>>, vector<16xf32>,
      %parallel_loop3A_512 = arith.constant 0 : i32
      %parallel_loop3A_513 = vector.broadcast %parallel_loop3A_512 : i32 to vector<16xi32>
      %parallel_loop3A_514 = arith.addi %iota3A, %parallel_loop3A_513 : vector<16xi32>
      %parallel_loop3A_515 = arith.constant dense<true> : vector<16xi1>
      %parallel_loop3A_516, %parallel_loop3A_517, %parallel_loop3A_518 = tpu.sort %parallel_loop3A_511, %parallel_loop3A_514 masked %parallel_loop3A_515 {descending = true} : (vector<16xf32>, vector<16xi32>, vector<16xi1>) -> (vector<16xi1>, vector<16xf32>, vector<16xi32>)
      %parallel_loop3A_519 = arith.constant 0 : i32
      %parallel_loop3A_520 = arith.constant 0 : i32
      %parallel_loop3A_521 = tpu.memref_slice %arg5[%parallel_loop3A_132, %parallel_loop3A_519, %parallel_loop3A_520] : memref<2x256x64xf32, #tpu.memory_space<vmem>> -> memref<1x256x64xf32, #tpu.memory_space<vmem>>
      %parallel_loop3A_522 = tpu.memref_squeeze %parallel_loop3A_521 : memref<1x256x64xf32, #tpu.memory_space<vmem>> -> memref<256x64xf32, #tpu.memory_space<vmem>>
      %parallel_loop3A_523 = arith.index_cast %parallel_loop3A_504 : i32 to index
      %parallel_loop3A_524 = arith.constant 16 : index
      %parallel_loop3A_525 = tpu.vector_load %parallel_loop3A_522[%parallel_loop3A_523, %parallel_loop3A_524] {strides = array<i32>} : memref<256x64xf32, #tpu.memory_space<vmem>>, vector<16xf32>,
      %parallel_loop3A_526 = arith.constant 16 : i32
      %parallel_loop3A_527 = vector.broadcast %parallel_loop3A_526 : i32 to vector<16xi32>
      %parallel_loop3A_528 = arith.addi %iota3A, %parallel_loop3A_527 : vector<16xi32>
      %parallel_loop3A_529 = arith.constant dense<true> : vector<16xi1>
      %parallel_loop3A_530, %parallel_loop3A_531, %parallel_loop3A_532 = tpu.sort %parallel_loop3A_525, %parallel_loop3A_528 masked %parallel_loop3A_529 : (vector<16xf32>, vector<16xi32>, vector<16xi1>) -> (vector<16xi1>, vector<16xf32>, vector<16xi32>)
      %parallel_loop3A_533 = arith.constant 0 : i32
      %parallel_loop3A_534 = arith.constant 0 : i32
      %parallel_loop3A_535 = tpu.memref_slice %arg5[%parallel_loop3A_132, %parallel_loop3A_533, %parallel_loop3A_534] : memref<2x256x64xf32, #tpu.memory_space<vmem>> -> memref<1x256x64xf32, #tpu.memory_space<vmem>>
      %parallel_loop3A_536 = tpu.memref_squeeze %parallel_loop3A_535 : memref<1x256x64xf32, #tpu.memory_space<vmem>> -> memref<256x64xf32, #tpu.memory_space<vmem>>
      %parallel_loop3A_537 = arith.index_cast %parallel_loop3A_504 : i32 to index
      %parallel_loop3A_538 = arith.constant 32 : index
      %parallel_loop3A_539 = tpu.vector_load %parallel_loop3A_536[%parallel_loop3A_537, %parallel_loop3A_538] {strides = array<i32>} : memref<256x64xf32, #tpu.memory_space<vmem>>, vector<16xf32>,
      %parallel_loop3A_540 = arith.constant 32 : i32
      %parallel_loop3A_541 = vector.broadcast %parallel_loop3A_540 : i32 to vector<16xi32>
      %parallel_loop3A_542 = arith.addi %iota3A, %parallel_loop3A_541 : vector<16xi32>
      %parallel_loop3A_543 = arith.constant dense<true> : vector<16xi1>
      %parallel_loop3A_544, %parallel_loop3A_545, %parallel_loop3A_546 = tpu.sort %parallel_loop3A_539, %parallel_loop3A_542 masked %parallel_loop3A_543 {descending = true} : (vector<16xf32>, vector<16xi32>, vector<16xi1>) -> (vector<16xi1>, vector<16xf32>, vector<16xi32>)
      %parallel_loop3A_547 = arith.constant 0 : i32
      %parallel_loop3A_548 = arith.constant 0 : i32
      %parallel_loop3A_549 = tpu.memref_slice %arg5[%parallel_loop3A_132, %parallel_loop3A_547, %parallel_loop3A_548] : memref<2x256x64xf32, #tpu.memory_space<vmem>> -> memref<1x256x64xf32, #tpu.memory_space<vmem>>
      %parallel_loop3A_550 = tpu.memref_squeeze %parallel_loop3A_549 : memref<1x256x64xf32, #tpu.memory_space<vmem>> -> memref<256x64xf32, #tpu.memory_space<vmem>>
      %parallel_loop3A_551 = arith.index_cast %parallel_loop3A_504 : i32 to index
      %parallel_loop3A_552 = arith.constant 48 : index
      %parallel_loop3A_553 = tpu.vector_load %parallel_loop3A_550[%parallel_loop3A_551, %parallel_loop3A_552] {strides = array<i32>} : memref<256x64xf32, #tpu.memory_space<vmem>>, vector<16xf32>,
      %parallel_loop3A_554 = arith.constant 48 : i32
      %parallel_loop3A_555 = vector.broadcast %parallel_loop3A_554 : i32 to vector<16xi32>
      %parallel_loop3A_556 = arith.addi %iota3A, %parallel_loop3A_555 : vector<16xi32>
      %parallel_loop3A_557 = arith.constant dense<true> : vector<16xi1>
      %parallel_loop3A_558, %parallel_loop3A_559, %parallel_loop3A_560 = tpu.sort %parallel_loop3A_553, %parallel_loop3A_556 masked %parallel_loop3A_557 : (vector<16xf32>, vector<16xi32>, vector<16xi1>) -> (vector<16xi1>, vector<16xf32>, vector<16xi32>)
      %parallel_loop3A_561 = arith.select %lt3A_4, %parallel_loop3A_517, %parallel_loop3A_531 : vector<16xi1>, vector<16xf32>
      %parallel_loop3A_562 = arith.select %lt3A_4, %parallel_loop3A_518, %parallel_loop3A_532 : vector<16xi1>, vector<16xi32>
      %parallel_loop3A_563 = arith.select %lt3A_4, %parallel_loop3A_545, %parallel_loop3A_559 : vector<16xi1>, vector<16xf32>
      %parallel_loop3A_564 = arith.select %lt3A_4, %parallel_loop3A_546, %parallel_loop3A_560 : vector<16xi1>, vector<16xi32>
      %parallel_loop3A_565 = arith.constant dense<true> : vector<16xi1>
      %parallel_loop3A_566, %parallel_loop3A_567, %parallel_loop3A_568 = tpu.sort %parallel_loop3A_561, %parallel_loop3A_562 masked %parallel_loop3A_565 {descending = true} : (vector<16xf32>, vector<16xi32>, vector<16xi1>) -> (vector<16xi1>, vector<16xf32>, vector<16xi32>)
      %parallel_loop3A_569 = arith.constant dense<true> : vector<16xi1>
      %parallel_loop3A_570, %parallel_loop3A_571, %parallel_loop3A_572 = tpu.sort %parallel_loop3A_563, %parallel_loop3A_564 masked %parallel_loop3A_569 : (vector<16xf32>, vector<16xi32>, vector<16xi1>) -> (vector<16xi1>, vector<16xf32>, vector<16xi32>)
      %parallel_loop3A_573 = arith.select %lt3A_4, %parallel_loop3A_567, %parallel_loop3A_571 : vector<16xi1>, vector<16xf32>
      %parallel_loop3A_574 = arith.select %lt3A_4, %parallel_loop3A_568, %parallel_loop3A_572 : vector<16xi1>, vector<16xi32>
      %parallel_loop3A_575 = arith.constant dense<true> : vector<16xi1>
      %parallel_loop3A_576, %parallel_loop3A_577, %parallel_loop3A_578 = tpu.sort %parallel_loop3A_573, %parallel_loop3A_574 masked %parallel_loop3A_575 {descending = true} : (vector<16xf32>, vector<16xi32>, vector<16xi1>) -> (vector<16xi1>, vector<16xf32>, vector<16xi32>)
      %parallel_loop3A_579 = math.exp %parallel_loop3A_577 : vector<16xf32>
      %parallel_loop3A_580 = arith.constant 0.000000e+00 : f32
      %parallel_loop3A_581 = vector.broadcast %parallel_loop3A_580 : f32 to vector<16xf32>
      %parallel_loop3A_582 = arith.select %lt3A_4, %parallel_loop3A_579, %parallel_loop3A_581 : vector<16xi1>, vector<16xf32>
      %parallel_loop3A_583 = arith.constant true
      %parallel_loop3A_584 = vector.broadcast %parallel_loop3A_583 : i1 to vector<16xi1>
      %parallel_loop3A_585 = tpu.scan <sum>, %parallel_loop3A_582 masked %parallel_loop3A_584 : vector<16xf32>, vector<16xi1> -> vector<16xf32>
      %parallel_loop3A_586 = vector.extract %parallel_loop3A_585[15] : f32 from vector<16xf32>
      %parallel_loop3A_587 = vector.broadcast %parallel_loop3A_586 : f32 to vector<16xf32>
      %parallel_loop3A_588 = arith.divf %parallel_loop3A_582, %parallel_loop3A_587 : vector<16xf32>
      %parallel_loop3A_589 = arith.constant 7 : i32
      %parallel_loop3A_590 = arith.shrsi %parallel_loop3A_504, %parallel_loop3A_589 : i32
      %parallel_loop3A_591 = vector.broadcast %parallel_loop3A_590 : i32 to vector<16xi32>
      %parallel_loop3A_592 = arith.constant 127 : i32
      %parallel_loop3A_593 = arith.andi %parallel_loop3A_504, %parallel_loop3A_592 : i32
      %parallel_loop3A_594 = vector.broadcast %parallel_loop3A_593 : i32 to vector<16xi32>
      %parallel_loop3A_595 = arith.constant 0 : i32
      %parallel_loop3A_596 = arith.constant 0 : i32
      %parallel_loop3A_597 = arith.constant 0 : i32
      %parallel_loop3A_598 = tpu.memref_slice %arg6[%parallel_loop3A_133, %parallel_loop3A_595, %parallel_loop3A_596, %parallel_loop3A_597] : memref<2x2x8x128xf32, #tpu.memory_space<vmem>> -> memref<1x2x8x128xf32, #tpu.memory_space<vmem>>
      %parallel_loop3A_599 = tpu.memref_squeeze %parallel_loop3A_598 : memref<1x2x8x128xf32, #tpu.memory_space<vmem>> -> memref<2x8x128xf32, #tpu.memory_space<vmem>>
      tpu.vector_store_idx %parallel_loop3A_599[%parallel_loop3A_591, %iota3A, %parallel_loop3A_594], %parallel_loop3A_588 masked %lt3A_4 : memref<2x8x128xf32, #tpu.memory_space<vmem>>[vector<16xi32>, vector<16xi32>, vector<16xi32>], vector<16xf32>, vector<16xi1>
      %parallel_loop3A_600 = arith.constant 0 : i32
      %parallel_loop3A_601 = arith.constant 0 : i32
      %parallel_loop3A_602 = arith.constant 0 : i32
      %parallel_loop3A_603 = tpu.memref_slice %arg7[%parallel_loop3A_134, %parallel_loop3A_600, %parallel_loop3A_601, %parallel_loop3A_602] : memref<2x2x8x128xi32, #tpu.memory_space<vmem>> -> memref<1x2x8x128xi32, #tpu.memory_space<vmem>>
      %parallel_loop3A_604 = tpu.memref_squeeze %parallel_loop3A_603 : memref<1x2x8x128xi32, #tpu.memory_space<vmem>> -> memref<2x8x128xi32, #tpu.memory_space<vmem>>
      tpu.vector_store_idx %parallel_loop3A_604[%parallel_loop3A_591, %iota3A, %parallel_loop3A_594], %parallel_loop3A_578 masked %lt3A_4 : memref<2x8x128xi32, #tpu.memory_space<vmem>>[vector<16xi32>, vector<16xi32>, vector<16xi32>], vector<16xi32>, vector<16xi1>
    } {sc.loop_unroll_factor = 8 : i64, sc.parallel_access}
    %add3A_135 = arith.constant 256 : i32
    %add3A_136 = arith.addi %mul3A_2, %add3A_135 : i32
    %jit3A_137 = arith.constant 128 : i32
    %div3A_138 = arith.divsi %add3A_136, %jit3A_137 : i32
    %sign3A_139 = arith.constant 0 : i32
    %sign3A_140 = arith.cmpi sgt, %add3A_136, %sign3A_139 : i32
    %sign3A_141 = arith.extui %sign3A_140 : i1 to i32
    %sign3A_142 = arith.constant 0 : i32
    %sign3A_143 = arith.cmpi slt, %add3A_136, %sign3A_142 : i32
    %sign3A_144 = arith.extui %sign3A_143 : i1 to i32
    %sign3A_145 = arith.subi %sign3A_141, %sign3A_144 : i32
    %sign3A_146 = arith.constant 0 : i32
    %sign3A_147 = arith.cmpi sgt, %jit3A_137, %sign3A_146 : i32
    %sign3A_148 = arith.extui %sign3A_147 : i1 to i32
    %sign3A_149 = arith.constant 0 : i32
    %sign3A_150 = arith.cmpi slt, %jit3A_137, %sign3A_149 : i32
    %sign3A_151 = arith.extui %sign3A_150 : i1 to i32
    %sign3A_152 = arith.subi %sign3A_148, %sign3A_151 : i32
    %ne3A_153 = arith.cmpi ne, %sign3A_145, %sign3A_152 : i32
    %rem3A_154 = arith.remsi %add3A_136, %jit3A_137 : i32
    %ne3A_155 = arith.constant 0 : i32
    %ne3A_156 = arith.cmpi ne, %rem3A_154, %ne3A_155 : i32
    %and3A_157 = arith.andi %ne3A_153, %ne3A_156 : i1
    %sub3A_158 = arith.constant 1 : i32
    %sub3A_159 = arith.subi %div3A_138, %sub3A_158 : i32
    %select_n3A_160 = arith.select %and3A_157, %sub3A_159, %div3A_138 : i32
    %dma_start3A_161 = arith.constant 1 : i32
    %dma_start3A_162 = arith.constant 0 : i32
    %dma_start3A_163 = arith.constant 0 : i32
    %dma_start3A_164 = arith.constant 0 : i32
    %dma_start3A_165 = tpu.memref_slice %arg6[%dma_start3A_161, %dma_start3A_162, %dma_start3A_163, %dma_start3A_164] : memref<2x2x8x128xf32, #tpu.memory_space<vmem>> -> memref<1x2x8x128xf32, #tpu.memory_space<vmem>>
    %dma_start3A_166 = tpu.memref_squeeze %dma_start3A_165 : memref<1x2x8x128xf32, #tpu.memory_space<vmem>> -> memref<2x8x128xf32, #tpu.memory_space<vmem>>
    %dma_start3A_167 = arith.constant 0 : i32
    %dma_start3A_168 = arith.constant 0 : i32
    %dma_start3A_169 = tpu.memref_slice %arg3[%select_n3A_160, %dma_start3A_167, %dma_start3A_168] : memref<256x8x128xf32, #tpu.memory_space<hbm>> -> memref<2x8x128xf32, #tpu.memory_space<hbm>>
    %dma_start3A_170 = arith.constant 0 : i32
    %dma_start3A_171 = arith.constant 0 : i32
    %dma_start3A_172 = tpu.memref_slice %arg3[%select_n3A_160, %dma_start3A_170, %dma_start3A_171] : memref<256x8x128xf32, #tpu.memory_space<hbm>> -> memref<2x8x128xf32, #tpu.memory_space<hbm>>
    %dma_start3A_173 = arith.constant 0 : i32
    %dma_start3A_174 = arith.constant 0 : i32
    %dma_start3A_175 = arith.constant 0 : i32
    %dma_start3A_176 = tpu.memref_slice %arg6[%dma_start3A_161, %dma_start3A_173, %dma_start3A_174, %dma_start3A_175] : memref<2x2x8x128xf32, #tpu.memory_space<vmem>> -> memref<1x2x8x128xf32, #tpu.memory_space<vmem>>
    %dma_start3A_177 = tpu.memref_squeeze %dma_start3A_176 : memref<1x2x8x128xf32, #tpu.memory_space<vmem>> -> memref<2x8x128xf32, #tpu.memory_space<vmem>>
    tpu.enqueue_dma source(%dma_start3A_177 : memref<2x8x128xf32, #tpu.memory_space<vmem>>) target(%dma_start3A_172 : memref<2x8x128xf32, #tpu.memory_space<hbm>>) target_semaphore(%arg11 : memref<!tpu.dma_semaphore, #tpu.memory_space<semaphore_mem>>)
    %dma_start3A_178 = arith.constant 1 : i32
    %dma_start3A_179 = arith.constant 0 : i32
    %dma_start3A_180 = arith.constant 0 : i32
    %dma_start3A_181 = arith.constant 0 : i32
    %dma_start3A_182 = tpu.memref_slice %arg7[%dma_start3A_178, %dma_start3A_179, %dma_start3A_180, %dma_start3A_181] : memref<2x2x8x128xi32, #tpu.memory_space<vmem>> -> memref<1x2x8x128xi32, #tpu.memory_space<vmem>>
    %dma_start3A_183 = tpu.memref_squeeze %dma_start3A_182 : memref<1x2x8x128xi32, #tpu.memory_space<vmem>> -> memref<2x8x128xi32, #tpu.memory_space<vmem>>
    %dma_start3A_184 = arith.constant 0 : i32
    %dma_start3A_185 = arith.constant 0 : i32
    %dma_start3A_186 = tpu.memref_slice %arg4[%select_n3A_160, %dma_start3A_184, %dma_start3A_185] : memref<256x8x128xi32, #tpu.memory_space<hbm>> -> memref<2x8x128xi32, #tpu.memory_space<hbm>>
    %dma_start3A_187 = arith.constant 0 : i32
    %dma_start3A_188 = arith.constant 0 : i32
    %dma_start3A_189 = tpu.memref_slice %arg4[%select_n3A_160, %dma_start3A_187, %dma_start3A_188] : memref<256x8x128xi32, #tpu.memory_space<hbm>> -> memref<2x8x128xi32, #tpu.memory_space<hbm>>
    %dma_start3A_190 = arith.constant 0 : i32
    %dma_start3A_191 = arith.constant 0 : i32
    %dma_start3A_192 = arith.constant 0 : i32
    %dma_start3A_193 = tpu.memref_slice %arg7[%dma_start3A_178, %dma_start3A_190, %dma_start3A_191, %dma_start3A_192] : memref<2x2x8x128xi32, #tpu.memory_space<vmem>> -> memref<1x2x8x128xi32, #tpu.memory_space<vmem>>
    %dma_start3A_194 = tpu.memref_squeeze %dma_start3A_193 : memref<1x2x8x128xi32, #tpu.memory_space<vmem>> -> memref<2x8x128xi32, #tpu.memory_space<vmem>>
    tpu.enqueue_dma source(%dma_start3A_194 : memref<2x8x128xi32, #tpu.memory_space<vmem>>) target(%dma_start3A_189 : memref<2x8x128xi32, #tpu.memory_space<hbm>>) target_semaphore(%arg11 : memref<!tpu.dma_semaphore, #tpu.memory_space<semaphore_mem>>)
    %add3A_195 = arith.constant 768 : i32
    %add3A_196 = arith.addi %mul3A_2, %add3A_195 : i32
    %dma_start3A_197 = arith.constant 1 : i32
    %dma_start3A_198 = arith.constant 0 : i32
    %dma_start3A_199 = arith.constant 0 : i32
    %dma_start3A_200 = tpu.memref_slice %arg5[%dma_start3A_197, %dma_start3A_198, %dma_start3A_199] : memref<2x256x64xf32, #tpu.memory_space<vmem>> -> memref<1x256x64xf32, #tpu.memory_space<vmem>>
    %dma_start3A_201 = tpu.memref_squeeze %dma_start3A_200 : memref<1x256x64xf32, #tpu.memory_space<vmem>> -> memref<256x64xf32, #tpu.memory_space<vmem>>
    %dma_start3A_202 = arith.constant 0 : i32
    %dma_start3A_203 = tpu.memref_slice %arg2[%add3A_196, %dma_start3A_202] : memref<32768x64xf32, #tpu.memory_space<hbm>> -> memref<256x64xf32, #tpu.memory_space<hbm>>
    %dma_start3A_204 = arith.constant 0 : i32
    %dma_start3A_205 = arith.constant 0 : i32
    %dma_start3A_206 = tpu.memref_slice %arg5[%dma_start3A_197, %dma_start3A_204, %dma_start3A_205] : memref<2x256x64xf32, #tpu.memory_space<vmem>> -> memref<1x256x64xf32, #tpu.memory_space<vmem>>
    %dma_start3A_207 = tpu.memref_squeeze %dma_start3A_206 : memref<1x256x64xf32, #tpu.memory_space<vmem>> -> memref<256x64xf32, #tpu.memory_space<vmem>>
    %dma_start3A_208 = arith.constant 0 : i32
    %dma_start3A_209 = tpu.memref_slice %arg2[%add3A_196, %dma_start3A_208] : memref<32768x64xf32, #tpu.memory_space<hbm>> -> memref<256x64xf32, #tpu.memory_space<hbm>>
    tpu.enqueue_dma source(%dma_start3A_209 : memref<256x64xf32, #tpu.memory_space<hbm>>) target(%dma_start3A_207 : memref<256x64xf32, #tpu.memory_space<vmem>>) target_semaphore(%arg9 : memref<!tpu.dma_semaphore, #tpu.memory_space<semaphore_mem>>)
    %dma_wait3A_210 = arith.constant 0 : i32
    %dma_wait3A_211 = arith.constant 0 : i32
    %dma_wait3A_212 = arith.constant 0 : i32
    %dma_wait3A_213 = tpu.memref_slice %arg5[%dma_wait3A_210, %dma_wait3A_211, %dma_wait3A_212] : memref<2x256x64xf32, #tpu.memory_space<vmem>> -> memref<1x256x64xf32, #tpu.memory_space<vmem>>
    %dma_wait3A_214 = tpu.memref_squeeze %dma_wait3A_213 : memref<1x256x64xf32, #tpu.memory_space<vmem>> -> memref<256x64xf32, #tpu.memory_space<vmem>>
    %dma_wait3A_215 = arith.constant 0 : i32
    %dma_wait3A_216 = tpu.memref_slice %arg2[%add3A_102, %dma_wait3A_215] : memref<32768x64xf32, #tpu.memory_space<hbm>> -> memref<256x64xf32, #tpu.memory_space<hbm>>
    %dma_wait3A_217 = arith.constant 0 : i32
    %dma_wait3A_218 = arith.constant 0 : i32
    %dma_wait3A_219 = tpu.memref_slice %arg5[%dma_wait3A_210, %dma_wait3A_217, %dma_wait3A_218] : memref<2x256x64xf32, #tpu.memory_space<vmem>> -> memref<1x256x64xf32, #tpu.memory_space<vmem>>
    %dma_wait3A_220 = tpu.memref_squeeze %dma_wait3A_219 : memref<1x256x64xf32, #tpu.memory_space<vmem>> -> memref<256x64xf32, #tpu.memory_space<vmem>>
    %dma_wait3A_221 = arith.constant 0 : i32
    %dma_wait3A_222 = tpu.memref_slice %arg2[%add3A_102, %dma_wait3A_221] : memref<32768x64xf32, #tpu.memory_space<hbm>> -> memref<256x64xf32, #tpu.memory_space<hbm>>
    tpu.wait_dma2 semaphore(%arg8 : memref<!tpu.dma_semaphore, #tpu.memory_space<semaphore_mem>>) src(%dma_wait3A_222 : memref<256x64xf32, #tpu.memory_space<hbm>>) dst(%dma_wait3A_220 : memref<256x64xf32, #tpu.memory_space<vmem>>)
    %dma_wait3A_223 = arith.constant 0 : i32
    %dma_wait3A_224 = arith.constant 0 : i32
    %dma_wait3A_225 = arith.constant 0 : i32
    %dma_wait3A_226 = arith.constant 0 : i32
    %dma_wait3A_227 = tpu.memref_slice %arg6[%dma_wait3A_223, %dma_wait3A_224, %dma_wait3A_225, %dma_wait3A_226] : memref<2x2x8x128xf32, #tpu.memory_space<vmem>> -> memref<1x2x8x128xf32, #tpu.memory_space<vmem>>
    %dma_wait3A_228 = tpu.memref_squeeze %dma_wait3A_227 : memref<1x2x8x128xf32, #tpu.memory_space<vmem>> -> memref<2x8x128xf32, #tpu.memory_space<vmem>>
    %dma_wait3A_229 = arith.constant 0 : i32
    %dma_wait3A_230 = arith.constant 0 : i32
    %dma_wait3A_231 = tpu.memref_slice %arg3[%select_n3A, %dma_wait3A_229, %dma_wait3A_230] : memref<256x8x128xf32, #tpu.memory_space<hbm>> -> memref<2x8x128xf32, #tpu.memory_space<hbm>>
    %dma_wait3A_232 = arith.constant 0 : i32
    %dma_wait3A_233 = arith.constant 0 : i32
    %dma_wait3A_234 = tpu.memref_slice %arg3[%select_n3A, %dma_wait3A_232, %dma_wait3A_233] : memref<256x8x128xf32, #tpu.memory_space<hbm>> -> memref<2x8x128xf32, #tpu.memory_space<hbm>>
    %dma_wait3A_235 = arith.constant 0 : i32
    %dma_wait3A_236 = arith.constant 0 : i32
    %dma_wait3A_237 = arith.constant 0 : i32
    %dma_wait3A_238 = tpu.memref_slice %arg6[%dma_wait3A_223, %dma_wait3A_235, %dma_wait3A_236, %dma_wait3A_237] : memref<2x2x8x128xf32, #tpu.memory_space<vmem>> -> memref<1x2x8x128xf32, #tpu.memory_space<vmem>>
    %dma_wait3A_239 = tpu.memref_squeeze %dma_wait3A_238 : memref<1x2x8x128xf32, #tpu.memory_space<vmem>> -> memref<2x8x128xf32, #tpu.memory_space<vmem>>
    tpu.wait_dma2 semaphore(%arg10 : memref<!tpu.dma_semaphore, #tpu.memory_space<semaphore_mem>>) src(%dma_wait3A_239 : memref<2x8x128xf32, #tpu.memory_space<vmem>>) dst(%dma_wait3A_234 : memref<2x8x128xf32, #tpu.memory_space<hbm>>)
    %dma_wait3A_240 = arith.constant 0 : i32
    %dma_wait3A_241 = arith.constant 0 : i32
    %dma_wait3A_242 = arith.constant 0 : i32
    %dma_wait3A_243 = arith.constant 0 : i32
    %dma_wait3A_244 = tpu.memref_slice %arg7[%dma_wait3A_240, %dma_wait3A_241, %dma_wait3A_242, %dma_wait3A_243] : memref<2x2x8x128xi32, #tpu.memory_space<vmem>> -> memref<1x2x8x128xi32, #tpu.memory_space<vmem>>
    %dma_wait3A_245 = tpu.memref_squeeze %dma_wait3A_244 : memref<1x2x8x128xi32, #tpu.memory_space<vmem>> -> memref<2x8x128xi32, #tpu.memory_space<vmem>>
    %dma_wait3A_246 = arith.constant 0 : i32
    %dma_wait3A_247 = arith.constant 0 : i32
    %dma_wait3A_248 = tpu.memref_slice %arg4[%select_n3A, %dma_wait3A_246, %dma_wait3A_247] : memref<256x8x128xi32, #tpu.memory_space<hbm>> -> memref<2x8x128xi32, #tpu.memory_space<hbm>>
    %dma_wait3A_249 = arith.constant 0 : i32
    %dma_wait3A_250 = arith.constant 0 : i32
    %dma_wait3A_251 = tpu.memref_slice %arg4[%select_n3A, %dma_wait3A_249, %dma_wait3A_250] : memref<256x8x128xi32, #tpu.memory_space<hbm>> -> memref<2x8x128xi32, #tpu.memory_space<hbm>>
    %dma_wait3A_252 = arith.constant 0 : i32
    %dma_wait3A_253 = arith.constant 0 : i32
    %dma_wait3A_254 = arith.constant 0 : i32
    %dma_wait3A_255 = tpu.memref_slice %arg7[%dma_wait3A_240, %dma_wait3A_252, %dma_wait3A_253, %dma_wait3A_254] : memref<2x2x8x128xi32, #tpu.memory_space<vmem>> -> memref<1x2x8x128xi32, #tpu.memory_space<vmem>>
    %dma_wait3A_256 = tpu.memref_squeeze %dma_wait3A_255 : memref<1x2x8x128xi32, #tpu.memory_space<vmem>> -> memref<2x8x128xi32, #tpu.memory_space<vmem>>
    tpu.wait_dma2 semaphore(%arg10 : memref<!tpu.dma_semaphore, #tpu.memory_space<semaphore_mem>>) src(%dma_wait3A_256 : memref<2x8x128xi32, #tpu.memory_space<vmem>>) dst(%dma_wait3A_251 : memref<2x8x128xi32, #tpu.memory_space<hbm>>)
    %parallel_loop3A_257 = arith.constant 0 : i32
    %parallel_loop3A_258 = arith.constant 256 : i32
    %parallel_loop3A_259 = arith.constant 1 : i32
    %parallel_loop3A_260 = arith.constant 0 : i32
    %parallel_loop3A_261 = arith.constant 0 : i32
    %parallel_loop3A_262 = arith.constant 0 : i32
    scf.for %parallel_loop3A_504 = %parallel_loop3A_257 to %parallel_loop3A_258 step %parallel_loop3A_259  : i32 {
      %parallel_loop3A_505 = arith.constant 0 : i32
      %parallel_loop3A_506 = arith.constant 0 : i32
      %parallel_loop3A_507 = tpu.memref_slice %arg5[%parallel_loop3A_260, %parallel_loop3A_505, %parallel_loop3A_506] : memref<2x256x64xf32, #tpu.memory_space<vmem>> -> memref<1x256x64xf32, #tpu.memory_space<vmem>>
      %parallel_loop3A_508 = tpu.memref_squeeze %parallel_loop3A_507 : memref<1x256x64xf32, #tpu.memory_space<vmem>> -> memref<256x64xf32, #tpu.memory_space<vmem>>
      %parallel_loop3A_509 = arith.index_cast %parallel_loop3A_504 : i32 to index
      %parallel_loop3A_510 = arith.constant 0 : index
      %parallel_loop3A_511 = tpu.vector_load %parallel_loop3A_508[%parallel_loop3A_509, %parallel_loop3A_510] {strides = array<i32>} : memref<256x64xf32, #tpu.memory_space<vmem>>, vector<16xf32>,
      %parallel_loop3A_512 = arith.constant 0 : i32
      %parallel_loop3A_513 = vector.broadcast %parallel_loop3A_512 : i32 to vector<16xi32>
      %parallel_loop3A_514 = arith.addi %iota3A, %parallel_loop3A_513 : vector<16xi32>
      %parallel_loop3A_515 = arith.constant dense<true> : vector<16xi1>
      %parallel_loop3A_516, %parallel_loop3A_517, %parallel_loop3A_518 = tpu.sort %parallel_loop3A_511, %parallel_loop3A_514 masked %parallel_loop3A_515 {descending = true} : (vector<16xf32>, vector<16xi32>, vector<16xi1>) -> (vector<16xi1>, vector<16xf32>, vector<16xi32>)
      %parallel_loop3A_519 = arith.constant 0 : i32
      %parallel_loop3A_520 = arith.constant 0 : i32
      %parallel_loop3A_521 = tpu.memref_slice %arg5[%parallel_loop3A_260, %parallel_loop3A_519, %parallel_loop3A_520] : memref<2x256x64xf32, #tpu.memory_space<vmem>> -> memref<1x256x64xf32, #tpu.memory_space<vmem>>
      %parallel_loop3A_522 = tpu.memref_squeeze %parallel_loop3A_521 : memref<1x256x64xf32, #tpu.memory_space<vmem>> -> memref<256x64xf32, #tpu.memory_space<vmem>>
      %parallel_loop3A_523 = arith.index_cast %parallel_loop3A_504 : i32 to index
      %parallel_loop3A_524 = arith.constant 16 : index
      %parallel_loop3A_525 = tpu.vector_load %parallel_loop3A_522[%parallel_loop3A_523, %parallel_loop3A_524] {strides = array<i32>} : memref<256x64xf32, #tpu.memory_space<vmem>>, vector<16xf32>,
      %parallel_loop3A_526 = arith.constant 16 : i32
      %parallel_loop3A_527 = vector.broadcast %parallel_loop3A_526 : i32 to vector<16xi32>
      %parallel_loop3A_528 = arith.addi %iota3A, %parallel_loop3A_527 : vector<16xi32>
      %parallel_loop3A_529 = arith.constant dense<true> : vector<16xi1>
      %parallel_loop3A_530, %parallel_loop3A_531, %parallel_loop3A_532 = tpu.sort %parallel_loop3A_525, %parallel_loop3A_528 masked %parallel_loop3A_529 : (vector<16xf32>, vector<16xi32>, vector<16xi1>) -> (vector<16xi1>, vector<16xf32>, vector<16xi32>)
      %parallel_loop3A_533 = arith.constant 0 : i32
      %parallel_loop3A_534 = arith.constant 0 : i32
      %parallel_loop3A_535 = tpu.memref_slice %arg5[%parallel_loop3A_260, %parallel_loop3A_533, %parallel_loop3A_534] : memref<2x256x64xf32, #tpu.memory_space<vmem>> -> memref<1x256x64xf32, #tpu.memory_space<vmem>>
      %parallel_loop3A_536 = tpu.memref_squeeze %parallel_loop3A_535 : memref<1x256x64xf32, #tpu.memory_space<vmem>> -> memref<256x64xf32, #tpu.memory_space<vmem>>
      %parallel_loop3A_537 = arith.index_cast %parallel_loop3A_504 : i32 to index
      %parallel_loop3A_538 = arith.constant 32 : index
      %parallel_loop3A_539 = tpu.vector_load %parallel_loop3A_536[%parallel_loop3A_537, %parallel_loop3A_538] {strides = array<i32>} : memref<256x64xf32, #tpu.memory_space<vmem>>, vector<16xf32>,
      %parallel_loop3A_540 = arith.constant 32 : i32
      %parallel_loop3A_541 = vector.broadcast %parallel_loop3A_540 : i32 to vector<16xi32>
      %parallel_loop3A_542 = arith.addi %iota3A, %parallel_loop3A_541 : vector<16xi32>
      %parallel_loop3A_543 = arith.constant dense<true> : vector<16xi1>
      %parallel_loop3A_544, %parallel_loop3A_545, %parallel_loop3A_546 = tpu.sort %parallel_loop3A_539, %parallel_loop3A_542 masked %parallel_loop3A_543 {descending = true} : (vector<16xf32>, vector<16xi32>, vector<16xi1>) -> (vector<16xi1>, vector<16xf32>, vector<16xi32>)
      %parallel_loop3A_547 = arith.constant 0 : i32
      %parallel_loop3A_548 = arith.constant 0 : i32
      %parallel_loop3A_549 = tpu.memref_slice %arg5[%parallel_loop3A_260, %parallel_loop3A_547, %parallel_loop3A_548] : memref<2x256x64xf32, #tpu.memory_space<vmem>> -> memref<1x256x64xf32, #tpu.memory_space<vmem>>
      %parallel_loop3A_550 = tpu.memref_squeeze %parallel_loop3A_549 : memref<1x256x64xf32, #tpu.memory_space<vmem>> -> memref<256x64xf32, #tpu.memory_space<vmem>>
      %parallel_loop3A_551 = arith.index_cast %parallel_loop3A_504 : i32 to index
      %parallel_loop3A_552 = arith.constant 48 : index
      %parallel_loop3A_553 = tpu.vector_load %parallel_loop3A_550[%parallel_loop3A_551, %parallel_loop3A_552] {strides = array<i32>} : memref<256x64xf32, #tpu.memory_space<vmem>>, vector<16xf32>,
      %parallel_loop3A_554 = arith.constant 48 : i32
      %parallel_loop3A_555 = vector.broadcast %parallel_loop3A_554 : i32 to vector<16xi32>
      %parallel_loop3A_556 = arith.addi %iota3A, %parallel_loop3A_555 : vector<16xi32>
      %parallel_loop3A_557 = arith.constant dense<true> : vector<16xi1>
      %parallel_loop3A_558, %parallel_loop3A_559, %parallel_loop3A_560 = tpu.sort %parallel_loop3A_553, %parallel_loop3A_556 masked %parallel_loop3A_557 : (vector<16xf32>, vector<16xi32>, vector<16xi1>) -> (vector<16xi1>, vector<16xf32>, vector<16xi32>)
      %parallel_loop3A_561 = arith.select %lt3A_4, %parallel_loop3A_517, %parallel_loop3A_531 : vector<16xi1>, vector<16xf32>
      %parallel_loop3A_562 = arith.select %lt3A_4, %parallel_loop3A_518, %parallel_loop3A_532 : vector<16xi1>, vector<16xi32>
      %parallel_loop3A_563 = arith.select %lt3A_4, %parallel_loop3A_545, %parallel_loop3A_559 : vector<16xi1>, vector<16xf32>
      %parallel_loop3A_564 = arith.select %lt3A_4, %parallel_loop3A_546, %parallel_loop3A_560 : vector<16xi1>, vector<16xi32>
      %parallel_loop3A_565 = arith.constant dense<true> : vector<16xi1>
      %parallel_loop3A_566, %parallel_loop3A_567, %parallel_loop3A_568 = tpu.sort %parallel_loop3A_561, %parallel_loop3A_562 masked %parallel_loop3A_565 {descending = true} : (vector<16xf32>, vector<16xi32>, vector<16xi1>) -> (vector<16xi1>, vector<16xf32>, vector<16xi32>)
      %parallel_loop3A_569 = arith.constant dense<true> : vector<16xi1>
      %parallel_loop3A_570, %parallel_loop3A_571, %parallel_loop3A_572 = tpu.sort %parallel_loop3A_563, %parallel_loop3A_564 masked %parallel_loop3A_569 : (vector<16xf32>, vector<16xi32>, vector<16xi1>) -> (vector<16xi1>, vector<16xf32>, vector<16xi32>)
      %parallel_loop3A_573 = arith.select %lt3A_4, %parallel_loop3A_567, %parallel_loop3A_571 : vector<16xi1>, vector<16xf32>
      %parallel_loop3A_574 = arith.select %lt3A_4, %parallel_loop3A_568, %parallel_loop3A_572 : vector<16xi1>, vector<16xi32>
      %parallel_loop3A_575 = arith.constant dense<true> : vector<16xi1>
      %parallel_loop3A_576, %parallel_loop3A_577, %parallel_loop3A_578 = tpu.sort %parallel_loop3A_573, %parallel_loop3A_574 masked %parallel_loop3A_575 {descending = true} : (vector<16xf32>, vector<16xi32>, vector<16xi1>) -> (vector<16xi1>, vector<16xf32>, vector<16xi32>)
      %parallel_loop3A_579 = math.exp %parallel_loop3A_577 : vector<16xf32>
      %parallel_loop3A_580 = arith.constant 0.000000e+00 : f32
      %parallel_loop3A_581 = vector.broadcast %parallel_loop3A_580 : f32 to vector<16xf32>
      %parallel_loop3A_582 = arith.select %lt3A_4, %parallel_loop3A_579, %parallel_loop3A_581 : vector<16xi1>, vector<16xf32>
      %parallel_loop3A_583 = arith.constant true
      %parallel_loop3A_584 = vector.broadcast %parallel_loop3A_583 : i1 to vector<16xi1>
      %parallel_loop3A_585 = tpu.scan <sum>, %parallel_loop3A_582 masked %parallel_loop3A_584 : vector<16xf32>, vector<16xi1> -> vector<16xf32>
      %parallel_loop3A_586 = vector.extract %parallel_loop3A_585[15] : f32 from vector<16xf32>
      %parallel_loop3A_587 = vector.broadcast %parallel_loop3A_586 : f32 to vector<16xf32>
      %parallel_loop3A_588 = arith.divf %parallel_loop3A_582, %parallel_loop3A_587 : vector<16xf32>
      %parallel_loop3A_589 = arith.constant 7 : i32
      %parallel_loop3A_590 = arith.shrsi %parallel_loop3A_504, %parallel_loop3A_589 : i32
      %parallel_loop3A_591 = vector.broadcast %parallel_loop3A_590 : i32 to vector<16xi32>
      %parallel_loop3A_592 = arith.constant 127 : i32
      %parallel_loop3A_593 = arith.andi %parallel_loop3A_504, %parallel_loop3A_592 : i32
      %parallel_loop3A_594 = vector.broadcast %parallel_loop3A_593 : i32 to vector<16xi32>
      %parallel_loop3A_595 = arith.constant 0 : i32
      %parallel_loop3A_596 = arith.constant 0 : i32
      %parallel_loop3A_597 = arith.constant 0 : i32
      %parallel_loop3A_598 = tpu.memref_slice %arg6[%parallel_loop3A_261, %parallel_loop3A_595, %parallel_loop3A_596, %parallel_loop3A_597] : memref<2x2x8x128xf32, #tpu.memory_space<vmem>> -> memref<1x2x8x128xf32, #tpu.memory_space<vmem>>
      %parallel_loop3A_599 = tpu.memref_squeeze %parallel_loop3A_598 : memref<1x2x8x128xf32, #tpu.memory_space<vmem>> -> memref<2x8x128xf32, #tpu.memory_space<vmem>>
      tpu.vector_store_idx %parallel_loop3A_599[%parallel_loop3A_591, %iota3A, %parallel_loop3A_594], %parallel_loop3A_588 masked %lt3A_4 : memref<2x8x128xf32, #tpu.memory_space<vmem>>[vector<16xi32>, vector<16xi32>, vector<16xi32>], vector<16xf32>, vector<16xi1>
      %parallel_loop3A_600 = arith.constant 0 : i32
      %parallel_loop3A_601 = arith.constant 0 : i32
      %parallel_loop3A_602 = arith.constant 0 : i32
      %parallel_loop3A_603 = tpu.memref_slice %arg7[%parallel_loop3A_262, %parallel_loop3A_600, %parallel_loop3A_601, %parallel_loop3A_602] : memref<2x2x8x128xi32, #tpu.memory_space<vmem>> -> memref<1x2x8x128xi32, #tpu.memory_space<vmem>>
      %parallel_loop3A_604 = tpu.memref_squeeze %parallel_loop3A_603 : memref<1x2x8x128xi32, #tpu.memory_space<vmem>> -> memref<2x8x128xi32, #tpu.memory_space<vmem>>
      tpu.vector_store_idx %parallel_loop3A_604[%parallel_loop3A_591, %iota3A, %parallel_loop3A_594], %parallel_loop3A_578 masked %lt3A_4 : memref<2x8x128xi32, #tpu.memory_space<vmem>>[vector<16xi32>, vector<16xi32>, vector<16xi32>], vector<16xi32>, vector<16xi1>
    } {sc.loop_unroll_factor = 8 : i64, sc.parallel_access}
    %add3A_263 = arith.constant 512 : i32
    %add3A_264 = arith.addi %mul3A_2, %add3A_263 : i32
    %jit3A_265 = arith.constant 128 : i32
    %div3A_266 = arith.divsi %add3A_264, %jit3A_265 : i32
    %sign3A_267 = arith.constant 0 : i32
    %sign3A_268 = arith.cmpi sgt, %add3A_264, %sign3A_267 : i32
    %sign3A_269 = arith.extui %sign3A_268 : i1 to i32
    %sign3A_270 = arith.constant 0 : i32
    %sign3A_271 = arith.cmpi slt, %add3A_264, %sign3A_270 : i32
    %sign3A_272 = arith.extui %sign3A_271 : i1 to i32
    %sign3A_273 = arith.subi %sign3A_269, %sign3A_272 : i32
    %sign3A_274 = arith.constant 0 : i32
    %sign3A_275 = arith.cmpi sgt, %jit3A_265, %sign3A_274 : i32
    %sign3A_276 = arith.extui %sign3A_275 : i1 to i32
    %sign3A_277 = arith.constant 0 : i32
    %sign3A_278 = arith.cmpi slt, %jit3A_265, %sign3A_277 : i32
    %sign3A_279 = arith.extui %sign3A_278 : i1 to i32
    %sign3A_280 = arith.subi %sign3A_276, %sign3A_279 : i32
    %ne3A_281 = arith.cmpi ne, %sign3A_273, %sign3A_280 : i32
    %rem3A_282 = arith.remsi %add3A_264, %jit3A_265 : i32
    %ne3A_283 = arith.constant 0 : i32
    %ne3A_284 = arith.cmpi ne, %rem3A_282, %ne3A_283 : i32
    %and3A_285 = arith.andi %ne3A_281, %ne3A_284 : i1
    %sub3A_286 = arith.constant 1 : i32
    %sub3A_287 = arith.subi %div3A_266, %sub3A_286 : i32
    %select_n3A_288 = arith.select %and3A_285, %sub3A_287, %div3A_266 : i32
    %dma_start3A_289 = arith.constant 0 : i32
    %dma_start3A_290 = arith.constant 0 : i32
    %dma_start3A_291 = arith.constant 0 : i32
    %dma_start3A_292 = arith.constant 0 : i32
    %dma_start3A_293 = tpu.memref_slice %arg6[%dma_start3A_289, %dma_start3A_290, %dma_start3A_291, %dma_start3A_292] : memref<2x2x8x128xf32, #tpu.memory_space<vmem>> -> memref<1x2x8x128xf32, #tpu.memory_space<vmem>>
    %dma_start3A_294 = tpu.memref_squeeze %dma_start3A_293 : memref<1x2x8x128xf32, #tpu.memory_space<vmem>> -> memref<2x8x128xf32, #tpu.memory_space<vmem>>
    %dma_start3A_295 = arith.constant 0 : i32
    %dma_start3A_296 = arith.constant 0 : i32
    %dma_start3A_297 = tpu.memref_slice %arg3[%select_n3A_288, %dma_start3A_295, %dma_start3A_296] : memref<256x8x128xf32, #tpu.memory_space<hbm>> -> memref<2x8x128xf32, #tpu.memory_space<hbm>>
    %dma_start3A_298 = arith.constant 0 : i32
    %dma_start3A_299 = arith.constant 0 : i32
    %dma_start3A_300 = tpu.memref_slice %arg3[%select_n3A_288, %dma_start3A_298, %dma_start3A_299] : memref<256x8x128xf32, #tpu.memory_space<hbm>> -> memref<2x8x128xf32, #tpu.memory_space<hbm>>
    %dma_start3A_301 = arith.constant 0 : i32
    %dma_start3A_302 = arith.constant 0 : i32
    %dma_start3A_303 = arith.constant 0 : i32
    %dma_start3A_304 = tpu.memref_slice %arg6[%dma_start3A_289, %dma_start3A_301, %dma_start3A_302, %dma_start3A_303] : memref<2x2x8x128xf32, #tpu.memory_space<vmem>> -> memref<1x2x8x128xf32, #tpu.memory_space<vmem>>
    %dma_start3A_305 = tpu.memref_squeeze %dma_start3A_304 : memref<1x2x8x128xf32, #tpu.memory_space<vmem>> -> memref<2x8x128xf32, #tpu.memory_space<vmem>>
    tpu.enqueue_dma source(%dma_start3A_305 : memref<2x8x128xf32, #tpu.memory_space<vmem>>) target(%dma_start3A_300 : memref<2x8x128xf32, #tpu.memory_space<hbm>>) target_semaphore(%arg10 : memref<!tpu.dma_semaphore, #tpu.memory_space<semaphore_mem>>)
    %dma_start3A_306 = arith.constant 0 : i32
    %dma_start3A_307 = arith.constant 0 : i32
    %dma_start3A_308 = arith.constant 0 : i32
    %dma_start3A_309 = arith.constant 0 : i32
    %dma_start3A_310 = tpu.memref_slice %arg7[%dma_start3A_306, %dma_start3A_307, %dma_start3A_308, %dma_start3A_309] : memref<2x2x8x128xi32, #tpu.memory_space<vmem>> -> memref<1x2x8x128xi32, #tpu.memory_space<vmem>>
    %dma_start3A_311 = tpu.memref_squeeze %dma_start3A_310 : memref<1x2x8x128xi32, #tpu.memory_space<vmem>> -> memref<2x8x128xi32, #tpu.memory_space<vmem>>
    %dma_start3A_312 = arith.constant 0 : i32
    %dma_start3A_313 = arith.constant 0 : i32
    %dma_start3A_314 = tpu.memref_slice %arg4[%select_n3A_288, %dma_start3A_312, %dma_start3A_313] : memref<256x8x128xi32, #tpu.memory_space<hbm>> -> memref<2x8x128xi32, #tpu.memory_space<hbm>>
    %dma_start3A_315 = arith.constant 0 : i32
    %dma_start3A_316 = arith.constant 0 : i32
    %dma_start3A_317 = tpu.memref_slice %arg4[%select_n3A_288, %dma_start3A_315, %dma_start3A_316] : memref<256x8x128xi32, #tpu.memory_space<hbm>> -> memref<2x8x128xi32, #tpu.memory_space<hbm>>
    %dma_start3A_318 = arith.constant 0 : i32
    %dma_start3A_319 = arith.constant 0 : i32
    %dma_start3A_320 = arith.constant 0 : i32
    %dma_start3A_321 = tpu.memref_slice %arg7[%dma_start3A_306, %dma_start3A_318, %dma_start3A_319, %dma_start3A_320] : memref<2x2x8x128xi32, #tpu.memory_space<vmem>> -> memref<1x2x8x128xi32, #tpu.memory_space<vmem>>
    %dma_start3A_322 = tpu.memref_squeeze %dma_start3A_321 : memref<1x2x8x128xi32, #tpu.memory_space<vmem>> -> memref<2x8x128xi32, #tpu.memory_space<vmem>>
    tpu.enqueue_dma source(%dma_start3A_322 : memref<2x8x128xi32, #tpu.memory_space<vmem>>) target(%dma_start3A_317 : memref<2x8x128xi32, #tpu.memory_space<hbm>>) target_semaphore(%arg10 : memref<!tpu.dma_semaphore, #tpu.memory_space<semaphore_mem>>)
    %dma_wait3A_323 = arith.constant 1 : i32
    %dma_wait3A_324 = arith.constant 0 : i32
    %dma_wait3A_325 = arith.constant 0 : i32
    %dma_wait3A_326 = tpu.memref_slice %arg5[%dma_wait3A_323, %dma_wait3A_324, %dma_wait3A_325] : memref<2x256x64xf32, #tpu.memory_space<vmem>> -> memref<1x256x64xf32, #tpu.memory_space<vmem>>
    %dma_wait3A_327 = tpu.memref_squeeze %dma_wait3A_326 : memref<1x256x64xf32, #tpu.memory_space<vmem>> -> memref<256x64xf32, #tpu.memory_space<vmem>>
    %dma_wait3A_328 = arith.constant 0 : i32
    %dma_wait3A_329 = tpu.memref_slice %arg2[%add3A_196, %dma_wait3A_328] : memref<32768x64xf32, #tpu.memory_space<hbm>> -> memref<256x64xf32, #tpu.memory_space<hbm>>
    %dma_wait3A_330 = arith.constant 0 : i32
    %dma_wait3A_331 = arith.constant 0 : i32
    %dma_wait3A_332 = tpu.memref_slice %arg5[%dma_wait3A_323, %dma_wait3A_330, %dma_wait3A_331] : memref<2x256x64xf32, #tpu.memory_space<vmem>> -> memref<1x256x64xf32, #tpu.memory_space<vmem>>
    %dma_wait3A_333 = tpu.memref_squeeze %dma_wait3A_332 : memref<1x256x64xf32, #tpu.memory_space<vmem>> -> memref<256x64xf32, #tpu.memory_space<vmem>>
    %dma_wait3A_334 = arith.constant 0 : i32
    %dma_wait3A_335 = tpu.memref_slice %arg2[%add3A_196, %dma_wait3A_334] : memref<32768x64xf32, #tpu.memory_space<hbm>> -> memref<256x64xf32, #tpu.memory_space<hbm>>
    tpu.wait_dma2 semaphore(%arg9 : memref<!tpu.dma_semaphore, #tpu.memory_space<semaphore_mem>>) src(%dma_wait3A_335 : memref<256x64xf32, #tpu.memory_space<hbm>>) dst(%dma_wait3A_333 : memref<256x64xf32, #tpu.memory_space<vmem>>)
    %dma_wait3A_336 = arith.constant 1 : i32
    %dma_wait3A_337 = arith.constant 0 : i32
    %dma_wait3A_338 = arith.constant 0 : i32
    %dma_wait3A_339 = arith.constant 0 : i32
    %dma_wait3A_340 = tpu.memref_slice %arg6[%dma_wait3A_336, %dma_wait3A_337, %dma_wait3A_338, %dma_wait3A_339] : memref<2x2x8x128xf32, #tpu.memory_space<vmem>> -> memref<1x2x8x128xf32, #tpu.memory_space<vmem>>
    %dma_wait3A_341 = tpu.memref_squeeze %dma_wait3A_340 : memref<1x2x8x128xf32, #tpu.memory_space<vmem>> -> memref<2x8x128xf32, #tpu.memory_space<vmem>>
    %dma_wait3A_342 = arith.constant 0 : i32
    %dma_wait3A_343 = arith.constant 0 : i32
    %dma_wait3A_344 = tpu.memref_slice %arg3[%select_n3A_160, %dma_wait3A_342, %dma_wait3A_343] : memref<256x8x128xf32, #tpu.memory_space<hbm>> -> memref<2x8x128xf32, #tpu.memory_space<hbm>>
    %dma_wait3A_345 = arith.constant 0 : i32
    %dma_wait3A_346 = arith.constant 0 : i32
    %dma_wait3A_347 = tpu.memref_slice %arg3[%select_n3A_160, %dma_wait3A_345, %dma_wait3A_346] : memref<256x8x128xf32, #tpu.memory_space<hbm>> -> memref<2x8x128xf32, #tpu.memory_space<hbm>>
    %dma_wait3A_348 = arith.constant 0 : i32
    %dma_wait3A_349 = arith.constant 0 : i32
    %dma_wait3A_350 = arith.constant 0 : i32
    %dma_wait3A_351 = tpu.memref_slice %arg6[%dma_wait3A_336, %dma_wait3A_348, %dma_wait3A_349, %dma_wait3A_350] : memref<2x2x8x128xf32, #tpu.memory_space<vmem>> -> memref<1x2x8x128xf32, #tpu.memory_space<vmem>>
    %dma_wait3A_352 = tpu.memref_squeeze %dma_wait3A_351 : memref<1x2x8x128xf32, #tpu.memory_space<vmem>> -> memref<2x8x128xf32, #tpu.memory_space<vmem>>
    tpu.wait_dma2 semaphore(%arg11 : memref<!tpu.dma_semaphore, #tpu.memory_space<semaphore_mem>>) src(%dma_wait3A_352 : memref<2x8x128xf32, #tpu.memory_space<vmem>>) dst(%dma_wait3A_347 : memref<2x8x128xf32, #tpu.memory_space<hbm>>)
    %dma_wait3A_353 = arith.constant 1 : i32
    %dma_wait3A_354 = arith.constant 0 : i32
    %dma_wait3A_355 = arith.constant 0 : i32
    %dma_wait3A_356 = arith.constant 0 : i32
    %dma_wait3A_357 = tpu.memref_slice %arg7[%dma_wait3A_353, %dma_wait3A_354, %dma_wait3A_355, %dma_wait3A_356] : memref<2x2x8x128xi32, #tpu.memory_space<vmem>> -> memref<1x2x8x128xi32, #tpu.memory_space<vmem>>
    %dma_wait3A_358 = tpu.memref_squeeze %dma_wait3A_357 : memref<1x2x8x128xi32, #tpu.memory_space<vmem>> -> memref<2x8x128xi32, #tpu.memory_space<vmem>>
    %dma_wait3A_359 = arith.constant 0 : i32
    %dma_wait3A_360 = arith.constant 0 : i32
    %dma_wait3A_361 = tpu.memref_slice %arg4[%select_n3A_160, %dma_wait3A_359, %dma_wait3A_360] : memref<256x8x128xi32, #tpu.memory_space<hbm>> -> memref<2x8x128xi32, #tpu.memory_space<hbm>>
    %dma_wait3A_362 = arith.constant 0 : i32
    %dma_wait3A_363 = arith.constant 0 : i32
    %dma_wait3A_364 = tpu.memref_slice %arg4[%select_n3A_160, %dma_wait3A_362, %dma_wait3A_363] : memref<256x8x128xi32, #tpu.memory_space<hbm>> -> memref<2x8x128xi32, #tpu.memory_space<hbm>>
    %dma_wait3A_365 = arith.constant 0 : i32
    %dma_wait3A_366 = arith.constant 0 : i32
    %dma_wait3A_367 = arith.constant 0 : i32
    %dma_wait3A_368 = tpu.memref_slice %arg7[%dma_wait3A_353, %dma_wait3A_365, %dma_wait3A_366, %dma_wait3A_367] : memref<2x2x8x128xi32, #tpu.memory_space<vmem>> -> memref<1x2x8x128xi32, #tpu.memory_space<vmem>>
    %dma_wait3A_369 = tpu.memref_squeeze %dma_wait3A_368 : memref<1x2x8x128xi32, #tpu.memory_space<vmem>> -> memref<2x8x128xi32, #tpu.memory_space<vmem>>
    tpu.wait_dma2 semaphore(%arg11 : memref<!tpu.dma_semaphore, #tpu.memory_space<semaphore_mem>>) src(%dma_wait3A_369 : memref<2x8x128xi32, #tpu.memory_space<vmem>>) dst(%dma_wait3A_364 : memref<2x8x128xi32, #tpu.memory_space<hbm>>)
    %parallel_loop3A_370 = arith.constant 0 : i32
    %parallel_loop3A_371 = arith.constant 256 : i32
    %parallel_loop3A_372 = arith.constant 1 : i32
    %parallel_loop3A_373 = arith.constant 1 : i32
    %parallel_loop3A_374 = arith.constant 1 : i32
    %parallel_loop3A_375 = arith.constant 1 : i32
    scf.for %parallel_loop3A_504 = %parallel_loop3A_370 to %parallel_loop3A_371 step %parallel_loop3A_372  : i32 {
      %parallel_loop3A_505 = arith.constant 0 : i32
      %parallel_loop3A_506 = arith.constant 0 : i32
      %parallel_loop3A_507 = tpu.memref_slice %arg5[%parallel_loop3A_373, %parallel_loop3A_505, %parallel_loop3A_506] : memref<2x256x64xf32, #tpu.memory_space<vmem>> -> memref<1x256x64xf32, #tpu.memory_space<vmem>>
      %parallel_loop3A_508 = tpu.memref_squeeze %parallel_loop3A_507 : memref<1x256x64xf32, #tpu.memory_space<vmem>> -> memref<256x64xf32, #tpu.memory_space<vmem>>
      %parallel_loop3A_509 = arith.index_cast %parallel_loop3A_504 : i32 to index
      %parallel_loop3A_510 = arith.constant 0 : index
      %parallel_loop3A_511 = tpu.vector_load %parallel_loop3A_508[%parallel_loop3A_509, %parallel_loop3A_510] {strides = array<i32>} : memref<256x64xf32, #tpu.memory_space<vmem>>, vector<16xf32>,
      %parallel_loop3A_512 = arith.constant 0 : i32
      %parallel_loop3A_513 = vector.broadcast %parallel_loop3A_512 : i32 to vector<16xi32>
      %parallel_loop3A_514 = arith.addi %iota3A, %parallel_loop3A_513 : vector<16xi32>
      %parallel_loop3A_515 = arith.constant dense<true> : vector<16xi1>
      %parallel_loop3A_516, %parallel_loop3A_517, %parallel_loop3A_518 = tpu.sort %parallel_loop3A_511, %parallel_loop3A_514 masked %parallel_loop3A_515 {descending = true} : (vector<16xf32>, vector<16xi32>, vector<16xi1>) -> (vector<16xi1>, vector<16xf32>, vector<16xi32>)
      %parallel_loop3A_519 = arith.constant 0 : i32
      %parallel_loop3A_520 = arith.constant 0 : i32
      %parallel_loop3A_521 = tpu.memref_slice %arg5[%parallel_loop3A_373, %parallel_loop3A_519, %parallel_loop3A_520] : memref<2x256x64xf32, #tpu.memory_space<vmem>> -> memref<1x256x64xf32, #tpu.memory_space<vmem>>
      %parallel_loop3A_522 = tpu.memref_squeeze %parallel_loop3A_521 : memref<1x256x64xf32, #tpu.memory_space<vmem>> -> memref<256x64xf32, #tpu.memory_space<vmem>>
      %parallel_loop3A_523 = arith.index_cast %parallel_loop3A_504 : i32 to index
      %parallel_loop3A_524 = arith.constant 16 : index
      %parallel_loop3A_525 = tpu.vector_load %parallel_loop3A_522[%parallel_loop3A_523, %parallel_loop3A_524] {strides = array<i32>} : memref<256x64xf32, #tpu.memory_space<vmem>>, vector<16xf32>,
      %parallel_loop3A_526 = arith.constant 16 : i32
      %parallel_loop3A_527 = vector.broadcast %parallel_loop3A_526 : i32 to vector<16xi32>
      %parallel_loop3A_528 = arith.addi %iota3A, %parallel_loop3A_527 : vector<16xi32>
      %parallel_loop3A_529 = arith.constant dense<true> : vector<16xi1>
      %parallel_loop3A_530, %parallel_loop3A_531, %parallel_loop3A_532 = tpu.sort %parallel_loop3A_525, %parallel_loop3A_528 masked %parallel_loop3A_529 : (vector<16xf32>, vector<16xi32>, vector<16xi1>) -> (vector<16xi1>, vector<16xf32>, vector<16xi32>)
      %parallel_loop3A_533 = arith.constant 0 : i32
      %parallel_loop3A_534 = arith.constant 0 : i32
      %parallel_loop3A_535 = tpu.memref_slice %arg5[%parallel_loop3A_373, %parallel_loop3A_533, %parallel_loop3A_534] : memref<2x256x64xf32, #tpu.memory_space<vmem>> -> memref<1x256x64xf32, #tpu.memory_space<vmem>>
      %parallel_loop3A_536 = tpu.memref_squeeze %parallel_loop3A_535 : memref<1x256x64xf32, #tpu.memory_space<vmem>> -> memref<256x64xf32, #tpu.memory_space<vmem>>
      %parallel_loop3A_537 = arith.index_cast %parallel_loop3A_504 : i32 to index
      %parallel_loop3A_538 = arith.constant 32 : index
      %parallel_loop3A_539 = tpu.vector_load %parallel_loop3A_536[%parallel_loop3A_537, %parallel_loop3A_538] {strides = array<i32>} : memref<256x64xf32, #tpu.memory_space<vmem>>, vector<16xf32>,
      %parallel_loop3A_540 = arith.constant 32 : i32
      %parallel_loop3A_541 = vector.broadcast %parallel_loop3A_540 : i32 to vector<16xi32>
      %parallel_loop3A_542 = arith.addi %iota3A, %parallel_loop3A_541 : vector<16xi32>
      %parallel_loop3A_543 = arith.constant dense<true> : vector<16xi1>
      %parallel_loop3A_544, %parallel_loop3A_545, %parallel_loop3A_546 = tpu.sort %parallel_loop3A_539, %parallel_loop3A_542 masked %parallel_loop3A_543 {descending = true} : (vector<16xf32>, vector<16xi32>, vector<16xi1>) -> (vector<16xi1>, vector<16xf32>, vector<16xi32>)
      %parallel_loop3A_547 = arith.constant 0 : i32
      %parallel_loop3A_548 = arith.constant 0 : i32
      %parallel_loop3A_549 = tpu.memref_slice %arg5[%parallel_loop3A_373, %parallel_loop3A_547, %parallel_loop3A_548] : memref<2x256x64xf32, #tpu.memory_space<vmem>> -> memref<1x256x64xf32, #tpu.memory_space<vmem>>
      %parallel_loop3A_550 = tpu.memref_squeeze %parallel_loop3A_549 : memref<1x256x64xf32, #tpu.memory_space<vmem>> -> memref<256x64xf32, #tpu.memory_space<vmem>>
      %parallel_loop3A_551 = arith.index_cast %parallel_loop3A_504 : i32 to index
      %parallel_loop3A_552 = arith.constant 48 : index
      %parallel_loop3A_553 = tpu.vector_load %parallel_loop3A_550[%parallel_loop3A_551, %parallel_loop3A_552] {strides = array<i32>} : memref<256x64xf32, #tpu.memory_space<vmem>>, vector<16xf32>,
      %parallel_loop3A_554 = arith.constant 48 : i32
      %parallel_loop3A_555 = vector.broadcast %parallel_loop3A_554 : i32 to vector<16xi32>
      %parallel_loop3A_556 = arith.addi %iota3A, %parallel_loop3A_555 : vector<16xi32>
      %parallel_loop3A_557 = arith.constant dense<true> : vector<16xi1>
      %parallel_loop3A_558, %parallel_loop3A_559, %parallel_loop3A_560 = tpu.sort %parallel_loop3A_553, %parallel_loop3A_556 masked %parallel_loop3A_557 : (vector<16xf32>, vector<16xi32>, vector<16xi1>) -> (vector<16xi1>, vector<16xf32>, vector<16xi32>)
      %parallel_loop3A_561 = arith.select %lt3A_4, %parallel_loop3A_517, %parallel_loop3A_531 : vector<16xi1>, vector<16xf32>
      %parallel_loop3A_562 = arith.select %lt3A_4, %parallel_loop3A_518, %parallel_loop3A_532 : vector<16xi1>, vector<16xi32>
      %parallel_loop3A_563 = arith.select %lt3A_4, %parallel_loop3A_545, %parallel_loop3A_559 : vector<16xi1>, vector<16xf32>
      %parallel_loop3A_564 = arith.select %lt3A_4, %parallel_loop3A_546, %parallel_loop3A_560 : vector<16xi1>, vector<16xi32>
      %parallel_loop3A_565 = arith.constant dense<true> : vector<16xi1>
      %parallel_loop3A_566, %parallel_loop3A_567, %parallel_loop3A_568 = tpu.sort %parallel_loop3A_561, %parallel_loop3A_562 masked %parallel_loop3A_565 {descending = true} : (vector<16xf32>, vector<16xi32>, vector<16xi1>) -> (vector<16xi1>, vector<16xf32>, vector<16xi32>)
      %parallel_loop3A_569 = arith.constant dense<true> : vector<16xi1>
      %parallel_loop3A_570, %parallel_loop3A_571, %parallel_loop3A_572 = tpu.sort %parallel_loop3A_563, %parallel_loop3A_564 masked %parallel_loop3A_569 : (vector<16xf32>, vector<16xi32>, vector<16xi1>) -> (vector<16xi1>, vector<16xf32>, vector<16xi32>)
      %parallel_loop3A_573 = arith.select %lt3A_4, %parallel_loop3A_567, %parallel_loop3A_571 : vector<16xi1>, vector<16xf32>
      %parallel_loop3A_574 = arith.select %lt3A_4, %parallel_loop3A_568, %parallel_loop3A_572 : vector<16xi1>, vector<16xi32>
      %parallel_loop3A_575 = arith.constant dense<true> : vector<16xi1>
      %parallel_loop3A_576, %parallel_loop3A_577, %parallel_loop3A_578 = tpu.sort %parallel_loop3A_573, %parallel_loop3A_574 masked %parallel_loop3A_575 {descending = true} : (vector<16xf32>, vector<16xi32>, vector<16xi1>) -> (vector<16xi1>, vector<16xf32>, vector<16xi32>)
      %parallel_loop3A_579 = math.exp %parallel_loop3A_577 : vector<16xf32>
      %parallel_loop3A_580 = arith.constant 0.000000e+00 : f32
      %parallel_loop3A_581 = vector.broadcast %parallel_loop3A_580 : f32 to vector<16xf32>
      %parallel_loop3A_582 = arith.select %lt3A_4, %parallel_loop3A_579, %parallel_loop3A_581 : vector<16xi1>, vector<16xf32>
      %parallel_loop3A_583 = arith.constant true
      %parallel_loop3A_584 = vector.broadcast %parallel_loop3A_583 : i1 to vector<16xi1>
      %parallel_loop3A_585 = tpu.scan <sum>, %parallel_loop3A_582 masked %parallel_loop3A_584 : vector<16xf32>, vector<16xi1> -> vector<16xf32>
      %parallel_loop3A_586 = vector.extract %parallel_loop3A_585[15] : f32 from vector<16xf32>
      %parallel_loop3A_587 = vector.broadcast %parallel_loop3A_586 : f32 to vector<16xf32>
      %parallel_loop3A_588 = arith.divf %parallel_loop3A_582, %parallel_loop3A_587 : vector<16xf32>
      %parallel_loop3A_589 = arith.constant 7 : i32
      %parallel_loop3A_590 = arith.shrsi %parallel_loop3A_504, %parallel_loop3A_589 : i32
      %parallel_loop3A_591 = vector.broadcast %parallel_loop3A_590 : i32 to vector<16xi32>
      %parallel_loop3A_592 = arith.constant 127 : i32
      %parallel_loop3A_593 = arith.andi %parallel_loop3A_504, %parallel_loop3A_592 : i32
      %parallel_loop3A_594 = vector.broadcast %parallel_loop3A_593 : i32 to vector<16xi32>
      %parallel_loop3A_595 = arith.constant 0 : i32
      %parallel_loop3A_596 = arith.constant 0 : i32
      %parallel_loop3A_597 = arith.constant 0 : i32
      %parallel_loop3A_598 = tpu.memref_slice %arg6[%parallel_loop3A_374, %parallel_loop3A_595, %parallel_loop3A_596, %parallel_loop3A_597] : memref<2x2x8x128xf32, #tpu.memory_space<vmem>> -> memref<1x2x8x128xf32, #tpu.memory_space<vmem>>
      %parallel_loop3A_599 = tpu.memref_squeeze %parallel_loop3A_598 : memref<1x2x8x128xf32, #tpu.memory_space<vmem>> -> memref<2x8x128xf32, #tpu.memory_space<vmem>>
      tpu.vector_store_idx %parallel_loop3A_599[%parallel_loop3A_591, %iota3A, %parallel_loop3A_594], %parallel_loop3A_588 masked %lt3A_4 : memref<2x8x128xf32, #tpu.memory_space<vmem>>[vector<16xi32>, vector<16xi32>, vector<16xi32>], vector<16xf32>, vector<16xi1>
      %parallel_loop3A_600 = arith.constant 0 : i32
      %parallel_loop3A_601 = arith.constant 0 : i32
      %parallel_loop3A_602 = arith.constant 0 : i32
      %parallel_loop3A_603 = tpu.memref_slice %arg7[%parallel_loop3A_375, %parallel_loop3A_600, %parallel_loop3A_601, %parallel_loop3A_602] : memref<2x2x8x128xi32, #tpu.memory_space<vmem>> -> memref<1x2x8x128xi32, #tpu.memory_space<vmem>>
      %parallel_loop3A_604 = tpu.memref_squeeze %parallel_loop3A_603 : memref<1x2x8x128xi32, #tpu.memory_space<vmem>> -> memref<2x8x128xi32, #tpu.memory_space<vmem>>
      tpu.vector_store_idx %parallel_loop3A_604[%parallel_loop3A_591, %iota3A, %parallel_loop3A_594], %parallel_loop3A_578 masked %lt3A_4 : memref<2x8x128xi32, #tpu.memory_space<vmem>>[vector<16xi32>, vector<16xi32>, vector<16xi32>], vector<16xi32>, vector<16xi1>
    } {sc.loop_unroll_factor = 8 : i64, sc.parallel_access}
    %add3A_376 = arith.constant 768 : i32
    %add3A_377 = arith.addi %mul3A_2, %add3A_376 : i32
    %jit3A_378 = arith.constant 128 : i32
    %div3A_379 = arith.divsi %add3A_377, %jit3A_378 : i32
    %sign3A_380 = arith.constant 0 : i32
    %sign3A_381 = arith.cmpi sgt, %add3A_377, %sign3A_380 : i32
    %sign3A_382 = arith.extui %sign3A_381 : i1 to i32
    %sign3A_383 = arith.constant 0 : i32
    %sign3A_384 = arith.cmpi slt, %add3A_377, %sign3A_383 : i32
    %sign3A_385 = arith.extui %sign3A_384 : i1 to i32
    %sign3A_386 = arith.subi %sign3A_382, %sign3A_385 : i32
    %sign3A_387 = arith.constant 0 : i32
    %sign3A_388 = arith.cmpi sgt, %jit3A_378, %sign3A_387 : i32
    %sign3A_389 = arith.extui %sign3A_388 : i1 to i32
    %sign3A_390 = arith.constant 0 : i32
    %sign3A_391 = arith.cmpi slt, %jit3A_378, %sign3A_390 : i32
    %sign3A_392 = arith.extui %sign3A_391 : i1 to i32
    %sign3A_393 = arith.subi %sign3A_389, %sign3A_392 : i32
    %ne3A_394 = arith.cmpi ne, %sign3A_386, %sign3A_393 : i32
    %rem3A_395 = arith.remsi %add3A_377, %jit3A_378 : i32
    %ne3A_396 = arith.constant 0 : i32
    %ne3A_397 = arith.cmpi ne, %rem3A_395, %ne3A_396 : i32
    %and3A_398 = arith.andi %ne3A_394, %ne3A_397 : i1
    %sub3A_399 = arith.constant 1 : i32
    %sub3A_400 = arith.subi %div3A_379, %sub3A_399 : i32
    %select_n3A_401 = arith.select %and3A_398, %sub3A_400, %div3A_379 : i32
    %dma_start3A_402 = arith.constant 1 : i32
    %dma_start3A_403 = arith.constant 0 : i32
    %dma_start3A_404 = arith.constant 0 : i32
    %dma_start3A_405 = arith.constant 0 : i32
    %dma_start3A_406 = tpu.memref_slice %arg6[%dma_start3A_402, %dma_start3A_403, %dma_start3A_404, %dma_start3A_405] : memref<2x2x8x128xf32, #tpu.memory_space<vmem>> -> memref<1x2x8x128xf32, #tpu.memory_space<vmem>>
    %dma_start3A_407 = tpu.memref_squeeze %dma_start3A_406 : memref<1x2x8x128xf32, #tpu.memory_space<vmem>> -> memref<2x8x128xf32, #tpu.memory_space<vmem>>
    %dma_start3A_408 = arith.constant 0 : i32
    %dma_start3A_409 = arith.constant 0 : i32
    %dma_start3A_410 = tpu.memref_slice %arg3[%select_n3A_401, %dma_start3A_408, %dma_start3A_409] : memref<256x8x128xf32, #tpu.memory_space<hbm>> -> memref<2x8x128xf32, #tpu.memory_space<hbm>>
    %dma_start3A_411 = arith.constant 0 : i32
    %dma_start3A_412 = arith.constant 0 : i32
    %dma_start3A_413 = tpu.memref_slice %arg3[%select_n3A_401, %dma_start3A_411, %dma_start3A_412] : memref<256x8x128xf32, #tpu.memory_space<hbm>> -> memref<2x8x128xf32, #tpu.memory_space<hbm>>
    %dma_start3A_414 = arith.constant 0 : i32
    %dma_start3A_415 = arith.constant 0 : i32
    %dma_start3A_416 = arith.constant 0 : i32
    %dma_start3A_417 = tpu.memref_slice %arg6[%dma_start3A_402, %dma_start3A_414, %dma_start3A_415, %dma_start3A_416] : memref<2x2x8x128xf32, #tpu.memory_space<vmem>> -> memref<1x2x8x128xf32, #tpu.memory_space<vmem>>
    %dma_start3A_418 = tpu.memref_squeeze %dma_start3A_417 : memref<1x2x8x128xf32, #tpu.memory_space<vmem>> -> memref<2x8x128xf32, #tpu.memory_space<vmem>>
    tpu.enqueue_dma source(%dma_start3A_418 : memref<2x8x128xf32, #tpu.memory_space<vmem>>) target(%dma_start3A_413 : memref<2x8x128xf32, #tpu.memory_space<hbm>>) target_semaphore(%arg11 : memref<!tpu.dma_semaphore, #tpu.memory_space<semaphore_mem>>)
    %dma_start3A_419 = arith.constant 1 : i32
    %dma_start3A_420 = arith.constant 0 : i32
    %dma_start3A_421 = arith.constant 0 : i32
    %dma_start3A_422 = arith.constant 0 : i32
    %dma_start3A_423 = tpu.memref_slice %arg7[%dma_start3A_419, %dma_start3A_420, %dma_start3A_421, %dma_start3A_422] : memref<2x2x8x128xi32, #tpu.memory_space<vmem>> -> memref<1x2x8x128xi32, #tpu.memory_space<vmem>>
    %dma_start3A_424 = tpu.memref_squeeze %dma_start3A_423 : memref<1x2x8x128xi32, #tpu.memory_space<vmem>> -> memref<2x8x128xi32, #tpu.memory_space<vmem>>
    %dma_start3A_425 = arith.constant 0 : i32
    %dma_start3A_426 = arith.constant 0 : i32
    %dma_start3A_427 = tpu.memref_slice %arg4[%select_n3A_401, %dma_start3A_425, %dma_start3A_426] : memref<256x8x128xi32, #tpu.memory_space<hbm>> -> memref<2x8x128xi32, #tpu.memory_space<hbm>>
    %dma_start3A_428 = arith.constant 0 : i32
    %dma_start3A_429 = arith.constant 0 : i32
    %dma_start3A_430 = tpu.memref_slice %arg4[%select_n3A_401, %dma_start3A_428, %dma_start3A_429] : memref<256x8x128xi32, #tpu.memory_space<hbm>> -> memref<2x8x128xi32, #tpu.memory_space<hbm>>
    %dma_start3A_431 = arith.constant 0 : i32
    %dma_start3A_432 = arith.constant 0 : i32
    %dma_start3A_433 = arith.constant 0 : i32
    %dma_start3A_434 = tpu.memref_slice %arg7[%dma_start3A_419, %dma_start3A_431, %dma_start3A_432, %dma_start3A_433] : memref<2x2x8x128xi32, #tpu.memory_space<vmem>> -> memref<1x2x8x128xi32, #tpu.memory_space<vmem>>
    %dma_start3A_435 = tpu.memref_squeeze %dma_start3A_434 : memref<1x2x8x128xi32, #tpu.memory_space<vmem>> -> memref<2x8x128xi32, #tpu.memory_space<vmem>>
    tpu.enqueue_dma source(%dma_start3A_435 : memref<2x8x128xi32, #tpu.memory_space<vmem>>) target(%dma_start3A_430 : memref<2x8x128xi32, #tpu.memory_space<hbm>>) target_semaphore(%arg11 : memref<!tpu.dma_semaphore, #tpu.memory_space<semaphore_mem>>)
    %dma_wait3A_436 = arith.constant 0 : i32
    %dma_wait3A_437 = arith.constant 0 : i32
    %dma_wait3A_438 = arith.constant 0 : i32
    %dma_wait3A_439 = arith.constant 0 : i32
    %dma_wait3A_440 = tpu.memref_slice %arg6[%dma_wait3A_436, %dma_wait3A_437, %dma_wait3A_438, %dma_wait3A_439] : memref<2x2x8x128xf32, #tpu.memory_space<vmem>> -> memref<1x2x8x128xf32, #tpu.memory_space<vmem>>
    %dma_wait3A_441 = tpu.memref_squeeze %dma_wait3A_440 : memref<1x2x8x128xf32, #tpu.memory_space<vmem>> -> memref<2x8x128xf32, #tpu.memory_space<vmem>>
    %dma_wait3A_442 = arith.constant 0 : i32
    %dma_wait3A_443 = arith.constant 0 : i32
    %dma_wait3A_444 = tpu.memref_slice %arg3[%select_n3A_288, %dma_wait3A_442, %dma_wait3A_443] : memref<256x8x128xf32, #tpu.memory_space<hbm>> -> memref<2x8x128xf32, #tpu.memory_space<hbm>>
    %dma_wait3A_445 = arith.constant 0 : i32
    %dma_wait3A_446 = arith.constant 0 : i32
    %dma_wait3A_447 = tpu.memref_slice %arg3[%select_n3A_288, %dma_wait3A_445, %dma_wait3A_446] : memref<256x8x128xf32, #tpu.memory_space<hbm>> -> memref<2x8x128xf32, #tpu.memory_space<hbm>>
    %dma_wait3A_448 = arith.constant 0 : i32
    %dma_wait3A_449 = arith.constant 0 : i32
    %dma_wait3A_450 = arith.constant 0 : i32
    %dma_wait3A_451 = tpu.memref_slice %arg6[%dma_wait3A_436, %dma_wait3A_448, %dma_wait3A_449, %dma_wait3A_450] : memref<2x2x8x128xf32, #tpu.memory_space<vmem>> -> memref<1x2x8x128xf32, #tpu.memory_space<vmem>>
    %dma_wait3A_452 = tpu.memref_squeeze %dma_wait3A_451 : memref<1x2x8x128xf32, #tpu.memory_space<vmem>> -> memref<2x8x128xf32, #tpu.memory_space<vmem>>
    tpu.wait_dma2 semaphore(%arg10 : memref<!tpu.dma_semaphore, #tpu.memory_space<semaphore_mem>>) src(%dma_wait3A_452 : memref<2x8x128xf32, #tpu.memory_space<vmem>>) dst(%dma_wait3A_447 : memref<2x8x128xf32, #tpu.memory_space<hbm>>)
    %dma_wait3A_453 = arith.constant 0 : i32
    %dma_wait3A_454 = arith.constant 0 : i32
    %dma_wait3A_455 = arith.constant 0 : i32
    %dma_wait3A_456 = arith.constant 0 : i32
    %dma_wait3A_457 = tpu.memref_slice %arg7[%dma_wait3A_453, %dma_wait3A_454, %dma_wait3A_455, %dma_wait3A_456] : memref<2x2x8x128xi32, #tpu.memory_space<vmem>> -> memref<1x2x8x128xi32, #tpu.memory_space<vmem>>
    %dma_wait3A_458 = tpu.memref_squeeze %dma_wait3A_457 : memref<1x2x8x128xi32, #tpu.memory_space<vmem>> -> memref<2x8x128xi32, #tpu.memory_space<vmem>>
    %dma_wait3A_459 = arith.constant 0 : i32
    %dma_wait3A_460 = arith.constant 0 : i32
    %dma_wait3A_461 = tpu.memref_slice %arg4[%select_n3A_288, %dma_wait3A_459, %dma_wait3A_460] : memref<256x8x128xi32, #tpu.memory_space<hbm>> -> memref<2x8x128xi32, #tpu.memory_space<hbm>>
    %dma_wait3A_462 = arith.constant 0 : i32
    %dma_wait3A_463 = arith.constant 0 : i32
    %dma_wait3A_464 = tpu.memref_slice %arg4[%select_n3A_288, %dma_wait3A_462, %dma_wait3A_463] : memref<256x8x128xi32, #tpu.memory_space<hbm>> -> memref<2x8x128xi32, #tpu.memory_space<hbm>>
    %dma_wait3A_465 = arith.constant 0 : i32
    %dma_wait3A_466 = arith.constant 0 : i32
    %dma_wait3A_467 = arith.constant 0 : i32
    %dma_wait3A_468 = tpu.memref_slice %arg7[%dma_wait3A_453, %dma_wait3A_465, %dma_wait3A_466, %dma_wait3A_467] : memref<2x2x8x128xi32, #tpu.memory_space<vmem>> -> memref<1x2x8x128xi32, #tpu.memory_space<vmem>>
    %dma_wait3A_469 = tpu.memref_squeeze %dma_wait3A_468 : memref<1x2x8x128xi32, #tpu.memory_space<vmem>> -> memref<2x8x128xi32, #tpu.memory_space<vmem>>
    tpu.wait_dma2 semaphore(%arg10 : memref<!tpu.dma_semaphore, #tpu.memory_space<semaphore_mem>>) src(%dma_wait3A_469 : memref<2x8x128xi32, #tpu.memory_space<vmem>>) dst(%dma_wait3A_464 : memref<2x8x128xi32, #tpu.memory_space<hbm>>)
    %dma_wait3A_470 = arith.constant 1 : i32
    %dma_wait3A_471 = arith.constant 0 : i32
    %dma_wait3A_472 = arith.constant 0 : i32
    %dma_wait3A_473 = arith.constant 0 : i32
    %dma_wait3A_474 = tpu.memref_slice %arg6[%dma_wait3A_470, %dma_wait3A_471, %dma_wait3A_472, %dma_wait3A_473] : memref<2x2x8x128xf32, #tpu.memory_space<vmem>> -> memref<1x2x8x128xf32, #tpu.memory_space<vmem>>
    %dma_wait3A_475 = tpu.memref_squeeze %dma_wait3A_474 : memref<1x2x8x128xf32, #tpu.memory_space<vmem>> -> memref<2x8x128xf32, #tpu.memory_space<vmem>>
    %dma_wait3A_476 = arith.constant 0 : i32
    %dma_wait3A_477 = arith.constant 0 : i32
    %dma_wait3A_478 = tpu.memref_slice %arg3[%select_n3A_401, %dma_wait3A_476, %dma_wait3A_477] : memref<256x8x128xf32, #tpu.memory_space<hbm>> -> memref<2x8x128xf32, #tpu.memory_space<hbm>>
    %dma_wait3A_479 = arith.constant 0 : i32
    %dma_wait3A_480 = arith.constant 0 : i32
    %dma_wait3A_481 = tpu.memref_slice %arg3[%select_n3A_401, %dma_wait3A_479, %dma_wait3A_480] : memref<256x8x128xf32, #tpu.memory_space<hbm>> -> memref<2x8x128xf32, #tpu.memory_space<hbm>>
    %dma_wait3A_482 = arith.constant 0 : i32
    %dma_wait3A_483 = arith.constant 0 : i32
    %dma_wait3A_484 = arith.constant 0 : i32
    %dma_wait3A_485 = tpu.memref_slice %arg6[%dma_wait3A_470, %dma_wait3A_482, %dma_wait3A_483, %dma_wait3A_484] : memref<2x2x8x128xf32, #tpu.memory_space<vmem>> -> memref<1x2x8x128xf32, #tpu.memory_space<vmem>>
    %dma_wait3A_486 = tpu.memref_squeeze %dma_wait3A_485 : memref<1x2x8x128xf32, #tpu.memory_space<vmem>> -> memref<2x8x128xf32, #tpu.memory_space<vmem>>
    tpu.wait_dma2 semaphore(%arg11 : memref<!tpu.dma_semaphore, #tpu.memory_space<semaphore_mem>>) src(%dma_wait3A_486 : memref<2x8x128xf32, #tpu.memory_space<vmem>>) dst(%dma_wait3A_481 : memref<2x8x128xf32, #tpu.memory_space<hbm>>)
    %dma_wait3A_487 = arith.constant 1 : i32
    %dma_wait3A_488 = arith.constant 0 : i32
    %dma_wait3A_489 = arith.constant 0 : i32
    %dma_wait3A_490 = arith.constant 0 : i32
    %dma_wait3A_491 = tpu.memref_slice %arg7[%dma_wait3A_487, %dma_wait3A_488, %dma_wait3A_489, %dma_wait3A_490] : memref<2x2x8x128xi32, #tpu.memory_space<vmem>> -> memref<1x2x8x128xi32, #tpu.memory_space<vmem>>
    %dma_wait3A_492 = tpu.memref_squeeze %dma_wait3A_491 : memref<1x2x8x128xi32, #tpu.memory_space<vmem>> -> memref<2x8x128xi32, #tpu.memory_space<vmem>>
    %dma_wait3A_493 = arith.constant 0 : i32
    %dma_wait3A_494 = arith.constant 0 : i32
    %dma_wait3A_495 = tpu.memref_slice %arg4[%select_n3A_401, %dma_wait3A_493, %dma_wait3A_494] : memref<256x8x128xi32, #tpu.memory_space<hbm>> -> memref<2x8x128xi32, #tpu.memory_space<hbm>>
    %dma_wait3A_496 = arith.constant 0 : i32
    %dma_wait3A_497 = arith.constant 0 : i32
    %dma_wait3A_498 = tpu.memref_slice %arg4[%select_n3A_401, %dma_wait3A_496, %dma_wait3A_497] : memref<256x8x128xi32, #tpu.memory_space<hbm>> -> memref<2x8x128xi32, #tpu.memory_space<hbm>>
    %dma_wait3A_499 = arith.constant 0 : i32
    %dma_wait3A_500 = arith.constant 0 : i32
    %dma_wait3A_501 = arith.constant 0 : i32
    %dma_wait3A_502 = tpu.memref_slice %arg7[%dma_wait3A_487, %dma_wait3A_499, %dma_wait3A_500, %dma_wait3A_501] : memref<2x2x8x128xi32, #tpu.memory_space<vmem>> -> memref<1x2x8x128xi32, #tpu.memory_space<vmem>>
    %dma_wait3A_503 = tpu.memref_squeeze %dma_wait3A_502 : memref<1x2x8x128xi32, #tpu.memory_space<vmem>> -> memref<2x8x128xi32, #tpu.memory_space<vmem>>
    tpu.wait_dma2 semaphore(%arg11 : memref<!tpu.dma_semaphore, #tpu.memory_space<semaphore_mem>>) src(%dma_wait3A_503 : memref<2x8x128xi32, #tpu.memory_space<vmem>>) dst(%dma_wait3A_498 : memref<2x8x128xi32, #tpu.memory_space<hbm>>)
    return
  }
}

</mosaic_0001>

<sc_bundles>
// kernel: kernel.3.cloned.1.call-start
scs
__scs_entry_jumppad:
0x0: {  	(pc) =	sbr.rel $0x88, $3  }
0x1: {  	(tag) =	ssettag $0x0;
	lr =	simm.s32 $0x1  }
0x2: {  	[smem:$0x3FA0] =	sst lr;
	_ =	strace $0xD0000000  }
0x3: {  	_ = 	snop  }
0x4: {  	_ = 	snop  }
0x5: {  	_ = 	snop  }
0x6: {  	_ = 	snop  }
0x7: {  	_ = 	snop  }
__scs_overlays_trampoline_lowered:
0x8: {  	[smem:$0x3FAF] =	sst s0  }
0x9: {  	[smem:$0x3FB0] =	sst s1  }
0xa: {  	[smem:$0x3FB1] =	sst s2  }
0xb: {  	[smem:$0x3FB2] =	sst s3  }
0xc: {  	[smem:$0x3FB3] =	sst s4  }
0xd: {  	[smem:$0x3FB4] =	sst s5  }
0xe: {  	[smem:$0x3FB5] =	sst s6  }
0xf: {  	[smem:$0x3FB6] =	sst s7  }
0x10: {  	[smem:$0x3FB7] =	sst s8  }
0x11: {  	[smem:$0x3FB8] =	sst s9;
	s0 =	simm.s32 @!p0 $0x0  }
0x12: {  	s1 =	sld [smem:$0x3F9E];
	s0 =	simm.s32 @p0 $0x1  }
0x13: {  	[smem:$0x3FB9] =	sst s0;
	s0 =	simm.s32 @!p1 $0x0  }
0x14: {  	s2 =	sld [smem:$0x3F9D];
	s0 =	simm.s32 @p1 $0x1  }
0x15: {  	[smem:$0x3FBA] =	sst s0;
	s0 =	simm.s32 @!p2 $0x0  }
0x16: {  	s3 =	sld [smem:$0x3FDB];
	s0 =	simm.s32 @p2 $0x1  }
0x17: {  	s4 =	simm.s32 $0x1BF5;
	[smem:$0x3FBC] =	sst s0  }
0x18: {  	s0 =	sld [smem:$0x3F9F];
	_ =	swait.ge [sflag:s4], $0x0  }
0x19: {  	s7 =	sld [smem:$0x3FA0]  }
0x1a: {  	s8 =	sadd.s32 $0xFFFFE003, lr  }
0x1b: {  	s9 =	sadd.s32 $0xFFFFFEF7, lr;
	s5 =	simm.s32 $0xFFFFFFFF;
	p2 =	slt.u32 s8, $0xFFFFF086  }
0x1c: {  	p1 =	slt.u32 s9, $0xF7A;
	s5 =	simm.s32 @!p2 $0x0  }
0x1d: {  	s5 =	simm.s32 @p1 $0x1;
	p0 =	seq.s32 s7, s2  }
0x1e: {  	s7 =	smul.u32 @!p0 $0xF7A, s2;
	p2 =	seq.s32 @!p0 s5, $0x0  }
0x1f: {  	s9 =	smul.u32 $0xF7A, s1;
	s8 =	simm.s32 @!p0 $0x1BF5;
	p2 =	por !p2, p0  }
0x20: {  	[sflag:s8] =	ssyncset.s32 @!p0 $0xFFFFF086;
	s6 =	sadd.s32 @!p0 s3, s7;
	s7 =	simm.s32 @!p0 $0x108  }
0x21: {  	s3 =	sadd.s32 s3, s9;
	s6 =	sadd.s32 @!p0 $0x88, s6;
	s7 =	simm.s32 @p2 $0x1082  }
0x22: {  	[simem:s7], [sflag:s8] =	dma.local @!p0 [hbm:s6], $0xF7A  }
0x23: {  	s9 =	sor.u32 $0xD0000000, s2;
	s6 =	simm.s32 $0x108;
	_ =	swait.ge @!p0 [sflag:s8], $0x0  }
0x24: {  	s3 =	sadd.s32 $0x88, s3;
	s6 =	simm.s32 @!p1 $0x1082;
	[sflag:s4] =	ssyncset.s32 $0xFFFFF086  }
0x25: {  	[simem:s6], [sflag:s4] =	dma.local [hbm:s3], $0xF7A  }
0x26: {  	[smem:$0x3FA0] =	sst s1;
	(tag) =	ssettag s2;
	_ =	strace s9  }
0x27: {  	s1 =	sld [smem:$0x3FB0]  }
0x28: {  	s2 =	sld [smem:$0x3FB1]  }
0x29: {  	s4 =	sld [smem:$0x3FB3]  }
0x2a: {  	p0 =	seq.s32 s5, $0x0;
	s5 =	sld [smem:$0x3FB4]  }
0x2b: {  	s6 =	sld [smem:$0x3FB5]  }
0x2c: {  	s7 =	sld [smem:$0x3FB6]  }
0x2d: {  	s3 =	simm.s32 $0x108;
	s8 =	sld [smem:$0x3FB7]  }
0x2e: {  	s3 =	simm.s32 @!p0 $0x1082;
	s9 =	sld [smem:$0x3FB8]  }
0x2f: {  	lr =	sadd.s32 s0, s3;
	s0 =	sld [smem:$0x3FAF]  }
0x30: {  	s3 =	sld [smem:$0x3FB2]  }
0x31: {  	[smem:$0x3FBB] =	sst s10  }
0x32: {  	s10 =	sld [smem:$0x3FB9];
	_ =	sdelay $0x3  }
0x33: {  	p0 =	seq.s32 s10, $0x1;
	s10 =	sld [smem:$0x3FBB];
	_ =	sdelay $0x3  }
0x34: {  	[smem:$0x3FBB] =	sst s10  }
0x35: {  	s10 =	sld [smem:$0x3FBA];
	_ =	sdelay $0x3  }
0x36: {  	p1 =	seq.s32 s10, $0x1;
	s10 =	sld [smem:$0x3FBB];
	_ =	sdelay $0x3  }
0x37: {  	[smem:$0x3FBB] =	sst s10  }
0x38: {  	s10 =	sld [smem:$0x3FBC]  }
0x39: {  	_ = 	snop;
	(pc) =	sbr.ind lr, $3  }
0x3a: {  	_ = 	snop  }
0x3b: {  	_ = 	snop  }
0x3c: {  	p2 =	seq.s32 s10, $0x1;
	s10 =	sld [smem:$0x3FBB]  }
0x3d: {  	_ =	shalt  }
0x3e: {  	_ =	shalt  }
0x3f: {  	_ =	shalt  }
0x40: {  	_ =	shalt  }
0x41: {  	_ =	shalt  }
0x42: {  	_ =	shalt  }
0x43: {  	_ =	shalt  }
0x44: {  	_ =	shalt  }
0x45: {  	_ =	shalt  }
0x46: {  	_ =	shalt  }
0x47: {  	_ =	shalt  }
0x48: {  	_ =	shalt  }
0x49: {  	_ =	shalt  }
0x4a: {  	_ =	shalt  }
0x4b: {  	_ =	shalt  }
0x4c: {  	_ =	shalt  }
0x4d: {  	_ =	shalt  }
0x4e: {  	_ =	shalt  }
0x4f: {  	_ =	shalt  }
0x50: {  	_ =	shalt  }
0x51: {  	_ =	shalt  }
0x52: {  	_ =	shalt  }
0x53: {  	_ =	shalt  }
0x54: {  	_ =	shalt  }
0x55: {  	_ =	shalt  }
0x56: {  	_ =	shalt  }
0x57: {  	_ =	shalt  }
0x58: {  	_ =	shalt  }
0x59: {  	_ =	shalt  }
0x5a: {  	_ =	shalt  }
0x5b: {  	_ =	shalt  }
0x5c: {  	_ =	shalt  }
0x5d: {  	_ =	shalt  }
0x5e: {  	_ =	shalt  }
0x5f: {  	_ =	shalt  }
0x60: {  	_ =	shalt  }
0x61: {  	_ =	shalt  }
0x62: {  	_ =	shalt  }
0x63: {  	_ =	shalt  }
0x64: {  	_ =	shalt  }
0x65: {  	_ =	shalt  }
0x66: {  	_ =	shalt  }
0x67: {  	_ =	shalt  }
0x68: {  	_ =	shalt  }
0x69: {  	_ =	shalt  }
0x6a: {  	_ =	shalt  }
0x6b: {  	_ =	shalt  }
0x6c: {  	_ =	shalt  }
0x6d: {  	_ =	shalt  }
0x6e: {  	_ =	shalt  }
0x6f: {  	_ =	shalt  }
0x70: {  	_ =	shalt  }
0x71: {  	_ =	shalt  }
0x72: {  	_ =	shalt  }
0x73: {  	_ =	shalt  }
0x74: {  	_ =	shalt  }
0x75: {  	_ =	shalt  }
0x76: {  	_ =	shalt  }
0x77: {  	_ =	shalt  }
0x78: {  	_ =	shalt  }
0x79: {  	_ =	shalt  }
0x7a: {  	_ =	shalt  }
0x7b: {  	_ =	shalt  }
0x7c: {  	_ =	shalt  }
0x7d: {  	_ =	shalt  }
0x7e: {  	_ =	shalt  }
0x7f: {  	_ =	shalt  }
0x80: {  	_ =	shalt  }
0x81: {  	_ =	shalt  }
0x82: {  	_ =	shalt  }
0x83: {  	_ =	shalt  }
0x84: {  	_ =	shalt  }
0x85: {  	_ =	shalt  }
0x86: {  	_ =	shalt  }
0x87: {  	_ =	shalt  }
.Lfunc_end0:
.L_simem_size_0:
called_computation_lowered:
.L_overlay_start_0:
0x88: {  	s2 =	sld [smem:$0x3FD9]  }
0x89: {  	s3 =	sld [smem:$0x3FFE];
	_ =	sdelay $0x1  }
0x8a: {  	s1 =	srdreg.scid  }
0x8b: {  	s0 =	sand.u32 $0x1, s1  }
0x8c: {  	s14 =	sshll.u32 s0, $0xA;
	s2 =	sadd.s32 s3, s2  }
0x8d: {  	s2 =	sadd.s32 s2, s14  }
0x8e: {  	[smem:$0x3FC7] =	sst s2  }
0x8f: {  	_ = 	snop  }
0x90: {  	s2 =	sld [smem:$0x3FD0];
	_ =	sdelay $0x2  }
0x91: {  	s15 =	simm.s32 $0xA;
	s4 =	simm.s32 $0x10  }
0x92: {  	[smem:s4], [sflag:s15] =	dma.local [hbm:s2], $0x1  }
0x93: {  	_ =	swait.eq [sflag:s15], $0x1  }
0x94: {  	[sflag:s15] =	ssyncset.done $0x0  }
0x95: {  	s16 =	sld [smem:$0x10];
	[sflag:s15] =	ssyncadd.s32 $0xFFFFFFFF  }
0x96: {  	s17 =	sld [smem:$0x11];
	(tm) =	ssettm $0x1  }
0x97: {  	s18 =	sld [smem:$0x3FFB];
	_ =	sdelay $0x3  }
0x98: {  	_ =	strace s18  }
0x99: {  	s4 =	sld [smem:$0x3FFC];
	_ =	sdelay $0x3  }
0x9a: {  	_ =	strace s4  }
0x9b: {  	s4 =	sld [smem:$0x3FFD];
	_ =	sdelay $0x3  }
0x9c: {  	_ =	strace s4  }
0x9d: {  	_ =	strace $0x8FFFFFFF  }
0x9e: {  	s19 =	sld [smem:$0x3FDB];
	_ =	sdelay $0x1  }
0x9f: {  	s5 =	simm.s32 $_scs_section_size  }
0xa0: {  	s6 =	simm.s32 $_size__tile_overlayer_lowered;
	s7 =	simm.s32 $_tile_overlayer_lowered  }
0xa1: {  	s22 =	simm.s32 $0x1BFF;
	s21 =	sshll.u32 s7, $0x1;
	s4 =	sadd.s32 s5, s19  }
0xa2: {  	s8 =	simm.s32 $0x0;
	s20 =	sshll.u32 s6, $0x1;
	s6 =	sadd.s32 s21, s4  }
0xa3: {  	[timem:s8], [sflag:s22] =	dma.local [hbm:s6], s20  }
0xa4: {  	_ =	swait.ge [sflag:s22], s20  }
0xa5: {  	s5 =	ssub.s32 $0x0, s20;
	[sflag:s22] =	ssyncset.done $0x0  }
0xa6: {  	[sflag:s22] =	ssyncadd.s32 s5;
	_ =	sdelay $0x1  }
0xa7: {  	s23 =	simm.s32 $0x1B8B  }
0xa8: {  	_ =	swait.ge [sflag:s23], $0x1  }
0xa9: {  	[sflag:s23] =	ssyncset.done $0x0  }
0xaa: {  	s25 =	simm.s32 $0x1B8E;
	s24 =	sld [smem:$0x3FFE];
	[sflag:s23] =	ssyncadd.s32 $0xFFFFFFFF  }
0xab: {  	s26 =	simm.s32 $execute0_lowered;
	[smem:$0x3FD2] =	sst s25  }
0xac: {  	s6 =	sshll.u32 s26, $0x1;
	_ =	strace $0x80000046;
	[dreg:$0x1] =	wrdreg $0xFFFFFFFF  }
0xad: {  	s28 =	simm.s32 $_size_execute0_lowered;
	s4 =	sadd.s32 s4, s6;
	[dreg:$0x0] =	wrdreg $0x0  }
0xae: {  	s6 =	sshll.u32 s28, $0x1;
	[dreg:$0x2] =	wrdreg s4  }
0xaf: {  	[dreg:$0x3] =	wrdreg s6  }
0xb0: {  	[dreg:$0x4] =	wrdreg $0xC0  }
0xb1: {  	_ =	task [dreg:s8], $0x5FFFF  }
0xb2: {  	[dreg:$0x1] =	wrdreg $0xFFFFFFFF  }
0xb3: {  	[dreg:$0x0] =	wrdreg $0x60  }
0xb4: {  	[dreg:$0x2] =	wrdreg s24  }
0xb5: {  	[dreg:$0x3] =	wrdreg s16  }
0xb6: {  	[dreg:$0x4] =	wrdreg s17  }
0xb7: {  	[dreg:$0x5] =	wrdreg $0x9  }
0xb8: {  	_ =	task.clear_ibuf [dreg:s8], $0x6FFFF;
	_ =	strace $0x90000046  }
0xb9: {  	s29 =	simm.s32 $0x9;
	_ =	strace $0x80000048  }
0xba: {  	_ =	swait.ge [sflag:s29], $0x1  }
0xbb: {  	[sflag:s29] =	ssyncadd.s32 $0xFFFFFFFF  }
0xbc: {  	_ =	strace $0x90000048  }
0xbd: {  	_ =	sfence  }
0xbe: {  	s30 =	sld [smem:$0x0];
	_ =	sdelay $0x2  }
0xbf: {  	s31 =	sshll.u32 s1, $0xD;
	s1 =	sshrl.u32 s1, $0x2  }
0xc0: {  	s3 =	sand.u32 $0x4000, s31;
	s1 =	sadd.s32 s1, s30  }
0xc1: {  	s0 =	sor.u32 s3, s0;
	s1 =	sshll.u32 s1, $0x11  }
0xc2: {  	s0 =	sor.u32 s1, s0  }
0xc3: {  	s0 =	sadd.s32 $0x8F2B, s0  }
0xc4: {  	[sflag:s0] =	ssyncadd.remote.s32 $0x1  }
0xc5: {  	_ =	sfence.sel $0xFFFF  }
0xc6: {  	[dreg:$0x0] =	wrdreg $0xFFFFFFFF;
	(pc) =	sbr.abs _section_cstart, $3  }
0xc7: {  	[dreg:$0x1] =	wrdreg $0xFFFFFFFF  }
0xc8: {  	_ =	task.clear_ibuf [dreg:s8], $0x2FFFF;
	_ =	strace $0x9FFFFFFF  }
0xc9: {  	(tm) =	ssettm $0x7FFFFFFF  }
tec
execute0_lowered:
.L_overlay_start_1:
0x0: {  	(tag) =	ssettag $0x1  }
0x1: {  	s0 =	rddreg [dreg:$0x0]  }
0x2: {  	s1 =	rddreg [dreg:$0x1];
	s3 =	srdreg.scid  }
0x3: {  	s2 =	rddreg [dreg:$0x2];
	s5 =	stileid.u32;
	s3 =	sand.u32 $0x1, s3  }
0x4: {  	s9 =	simm.s32 $0x0;
	s5 =	sshll.u32 s5, $0xA;
	s4 =	sshll.u32 s3, $0xE  }
0x5: {  	[smem:$0x7FF] =	sst s9;
	s4 =	sor.u32 s5, s4  }
0x6: {  	s0 =	sadd.s32 $0x800, s0;
	_ =	strace $0x80000047;
	s6 =	sor.u32 $0x100, s4  }
0x7: {  	s18 =	sshll.u32 s4, $0x4;
	s20 =	sor.u32 $0x200, s4;
	s21 =	sadd.s32 s1, s4  }
0x8: {  	s8 =	sor.u32 $0x300, s4;
	s4 =	sadd.s32 s2, s4;
	[dreg:$0x6] =	wrdreg s21  }
0x9: {  	s5 =	sadd.s32 s0, s18;
	[dreg:$0x7] =	wrdreg s4  }
0xa: {  	s25 =	sadd.s32 s1, s6;
	[dreg:$0x4] =	wrdreg s5  }
0xb: {  	s7 =	sshll.u32 s6, $0x4;
	s6 =	sadd.s32 s2, s6;
	[dreg:$0x9] =	wrdreg s25  }
0xc: {  	s26 =	sadd.s32 s1, s20;
	[dreg:$0xa] =	wrdreg s6  }
0xd: {  	s3 =	ssub.s32 $0x2, s3;
	s28 =	sadd.s32 s2, s20;
	[dreg:$0xc] =	wrdreg s26  }
0xe: {  	s17 =	sshrl.u32 s3, $0x1;
	s29 =	sadd.s32 s1, s8;
	[dreg:$0xd] =	wrdreg s28  }
0xf: {  	s3 =	ssub.s32 s3, s17;
	s30 =	sadd.s32 s2, s8;
	[dreg:$0xe] =	wrdreg s29  }
0x10: {  	s31 =	smax.u32 s3, $0x1;
	[dreg:$0xf] =	wrdreg s30  }
0x11: {  	s22 =	sshll.u32 s20, $0x4;
	s19 =	sadd.s32 s0, s7;
	[dreg:$0x10] =	wrdreg s31  }
0x12: {  	v0 =	vlaneseq.u32;
	s24 =	sshll.u32 s8, $0x4;
	s23 =	sadd.s32 s0, s22;
	[dreg:$0x5] =	wrdreg s19  }
0x13: {  	vm0 =	vmmov $0xff;
	v1 =	vor.u32 $0x10, v0;
	s0 =	sadd.s32 s0, s24;
	[dreg:$0x8] =	wrdreg s23  }
0x14: {  	v2 =	vor.u32 $0x20, v0;
	v3 =	vor.u32 $0x30, v0;
	v4 =	vmul.u32 $0x80, v0;
	s2 =	simm.s32 $0x0;
	s22 =	simm.s32 $0x2;
	[dreg:$0xb] =	wrdreg s0  }
.LBB2_1:
0x15: {  	[dreg:$0x11] =	wrdreg s2  }
0x16: {  	s0 =	rddreg [dreg:$0x4]  }
0x17: {  	[tilespmem:s9], [sflag:$0x1] =	stream.linear.gather [hbm4b:s0+s9], $0x8000, $0x38;
	[tilespmem:$0x12000] =	vst v63  }
0x18: {  	s4 =	rddreg [dreg:$0x5];
	s1 =	simm.s32 $0x8000;
	s5 =	simm.s32 $0x1  }
0x19: {  	[tilespmem:s1], [sflag:$0x2] =	stream.linear.gather [hbm4b:s4+s9], $0x8000, $0x38;
	[tilespmem:$0x12000] =	vst v63  }
0x1a: {  	_ =	swait.ge [sflag:s5], $0x8000  }
0x1b: {  	[sflag:s5] =	ssyncset.done $0x0  }
0x1c: {  	s6 =	simm.s32 $0x200;
	[sflag:s5] =	ssyncadd.s32 $0xFFFF8000  }
0x1d: {  	v5 =	vld [tilespmem:s6+$0x1B0]  }
0x1e: {  	v6 =	vld [tilespmem:s6+$0x1A0];
	_ =	sdelay $0x2  }
0x1f: {  	v7 =	vld [tilespmem:s6+$0x180]  }
0x20: {  	v8 =	vld [tilespmem:s6+$0x190];
	(xrf1) =	vsort.ascd.msk.f32 $0xffff, v5, v3  }
0x21: {  	v9 =	vld [tilespmem:s6+$0x130];
	(xrf1) =	vsort.dscd.msk.f32 $0xffff, v6, v2  }
0x22: {  	v5 =	vld [tilespmem:s6+$0x100]  }
0x23: {  	v6 =	vld [tilespmem:s6+$0x120]  }
0x24: {  	v10 =	vld [tilespmem:s6+$0xB0];
	(xrf1) =	vsort.dscd.msk.f32 $0xffff, v7, v0  }
0x25: {  	v7 =	vld [tilespmem:s6+$0xA0];
	(xrf1) =	vsort.ascd.msk.f32 $0xffff, v8, v1  }
0x26: {  	(xrf1) =	vsort.ascd.msk.f32 $0xffff, v9, v3  }
0x27: {  	(xrf1) =	vsort.dscd.msk.f32 $0xffff, v5, v0  }
0x28: {  	(xrf1) =	vsort.dscd.msk.f32 $0xffff, v6, v2  }
0x29: {  	v5 =	vld [tilespmem:s6+$0x90];
	(xrf1) =	vsort.ascd.msk.f32 $0xffff, v10, v3  }
0x2a: {  	v6 =	vld [tilespmem:s6+$0x80];
	(xrf1) =	vsort.dscd.msk.f32 $0xffff, v7, v2  }
0x2b: {  	v7 =	vld [tilespmem:s6+$0xFFFFFFB0]  }
0x2c: {  	v8 =	vld [tilespmem:s6+$0xFFFFFF90];
	_ =	sdelay $0x1  }
0x2d: {  	v10 =	vld [tilespmem:s6+$0x10];
	(xrf1) =	vsort.ascd.msk.f32 $0xffff, v5, v1;
	v5, v9, _ =	vpop (xrf1)  }
0x2e: {  	v11 =	vld [tilespmem:s6+$0x0];
	(xrf1) =	vsort.dscd.msk.f32 $0xffff, v6, v0;
	v6, v13, _ =	vpop (xrf1)  }
0x2f: {  	v12 =	vld [tilespmem:s6+$0xFFFFFF30];
	(xrf1) =	vsort.ascd.msk.f32 $0xffff, v7, v3;
	v9 =	vsel vm0, v13, v9  }
0x30: {  	v7 =	vld [tilespmem:s6+$0xFFFFFFA0];
	v14 =	vsel vm0, v6, v5;
	(xrf1) =	vsort.ascd.msk.f32 $0xffff, v8, v1  }
0x31: {  	v13 =	vld [tilespmem:s6+$0xFFFFFF20];
	v6, v5, _ =	vpop (xrf1);
	(xrf1) =	vsort.ascd.msk.f32 $0xffff, v14, v9  }
0x32: {  	v14 =	vld [tilespmem:s6+$0xFFFFFE90];
	v9, v8, _ =	vpop (xrf1);
	(xrf1) =	vsort.ascd.msk.f32 $0xffff, v10, v1  }
0x33: {  	v16, v17, _ =	vpop (xrf1);
	(xrf1) =	vsort.dscd.msk.f32 $0xffff, v11, v0  }
0x34: {  	v11, v18, _ =	vpop (xrf1);
	(xrf1) =	vsort.ascd.msk.f32 $0xffff, v12, v3  }
0x35: {  	v10 =	vld [tilespmem:s6+$0x110];
	v19, v20, _ =	vpop (xrf1);
	(xrf1) =	vsort.dscd.msk.f32 $0xffff, v7, v2  }
0x36: {  	v15, v21, _ =	vpop (xrf1);
	(xrf1) =	vsort.dscd.msk.f32 $0xffff, v13, v2  }
0x37: {  	v12 =	vld [tilespmem:s6+$0xFFFFFF80];
	(xrf1) =	vsort.ascd.msk.f32 $0xffff, v14, v1;
	v14, v22, _ =	vpop (xrf1)  }
0x38: {  	v7 =	vld [tilespmem:s6+$0xFFFFFF00];
	v14 =	vsel vm0, v14, v15;
	v15 =	vsel vm0, v22, v21  }
0x39: {  	v13 =	vld [tilespmem:s6+$0xFFFFFF10]  }
0x3a: {  	(xrf1) =	vsort.ascd.msk.f32 $0xffff, v10, v1  }
0x3b: {  	(xrf1) =	vsort.ascd.msk.f32 $0xffff, v14, v15  }
0x3c: {  	v23 =	vld [tilespmem:s6+$0xFFFFFEA0];
	(xrf1) =	vsort.dscd.msk.f32 $0xffff, v12, v0;
	v14, v15, _ =	vpop (xrf1)  }
0x3d: {  	(xrf1) =	vsort.dscd.msk.f32 $0xffff, v7, v0;
	v21, v22, _ =	vpop (xrf1)  }
0x3e: {  	v10 =	vld [tilespmem:s6+$0xFFFFFE30];
	(xrf1) =	vsort.ascd.msk.f32 $0xffff, v13, v1;
	v13 =	vsel vm0, v21, v14  }
0x3f: {  	v12 =	vld [tilespmem:s6+$0xFFFFFE00]  }
0x40: {  	v7 =	vld [tilespmem:s6+$0xFFFFFE10];
	v25, v26, _ =	vpop (xrf1)  }
0x41: {  	v24 =	vld [tilespmem:s6+$0xFFFFFEB0];
	v14 =	vsel vm0, v22, v15;
	(xrf1) =	vsort.dscd.msk.f32 $0xffff, v23, v2;
	v22, v23, _ =	vpop (xrf1)  }
0x42: {  	v21 =	vld [tilespmem:s6+$0xFFFFFE20];
	(xrf1) =	vsort.dscd.msk.f32 $0xffff, v13, v14;
	v15, v13, _ =	vpop (xrf1)  }
0x43: {  	v14 =	vld [tilespmem:s6+$0xFFFFFE80];
	(xrf1) =	vsort.ascd.msk.f32 $0xffff, v10, v3;
	v10, v27, _ =	vpop (xrf1)  }
0x44: {  	(xrf1) =	vsort.dscd.msk.f32 $0xffff, v12, v0;
	v12, v28, _ =	vpop (xrf1)  }
0x45: {  	(xrf1) =	vsort.ascd.msk.f32 $0xffff, v7, v1;
	v29, v30, _ =	vpop (xrf1)  }
0x46: {  	v7 =	vld [tilespmem:s6+$0x30];
	(xrf1) =	vsort.ascd.msk.f32 $0xffff, v24, v3;
	v24, v31, _ =	vpop (xrf1)  }
0x47: {  	(xrf1) =	vsort.dscd.msk.f32 $0xffff, v21, v2;
	v21, v32, _ =	vpop (xrf1)  }
0x48: {  	(xrf1) =	vsort.dscd.msk.f32 $0xffff, v14, v0;
	v14, v33, _ =	vpop (xrf1)  }
0x49: {  	v34, v35, _ =	vpop (xrf1)  }
0x4a: {  	v17 =	vsel vm0, v20, v17;
	v11 =	vsel vm0, v11, v34  }
0x4b: {  	v16 =	vsel vm0, v19, v16;
	(xrf1) =	vsort.ascd.msk.f32 $0xffff, v7, v3;
	v19, v20, _ =	vpop (xrf1);
	v7 =	vsel vm0, v18, v35  }
0x4c: {  	v18, v35, _ =	vpop (xrf1)  }
0x4d: {  	(xrf1) =	vsort.ascd.msk.f32 $0xffff, v16, v17;
	v16 =	vld [tilespmem:s6+$0x20];
	v17, v53, _ =	vpop (xrf1)  }
0x4e: {  	(xrf1) =	vsort.dscd.msk.f32 $0xffff, v11, v7;
	v18 =	vsel vm0, v18, v22;
	v22 =	vsel vm0, v35, v23;
	v7, v11, _ =	vpop (xrf1)  }
0x4f: {  	(xrf1) =	vsort.dscd.msk.f32 $0xffff, v18, v22;
	v22 =	vsel vm0, v24, v25;
	v36, v37, _ =	vpop (xrf1)  }
0x50: {  	v21 =	vsel vm0, v21, v29;
	v18 =	vsel vm0, v31, v26;
	v23, v35, _ =	vpop (xrf1)  }
0x51: {  	v11 =	vsel vm0, v53, v11;
	v38, v39, _ =	vpop (xrf1)  }
0x52: {  	v25 =	vsel vm0, v32, v30;
	(xrf1) =	vsort.dscd.msk.f32 $0xffff, v16, v2;
	v7 =	vsel vm0, v17, v7;
	v16, v24, _ =	vpop (xrf1)  }
0x53: {  	(xrf1) =	vsort.ascd.msk.f32 $0xffff, v22, v18;
	v18, v22, _ =	vpop (xrf1)  }
0x54: {  	(xrf1) =	vsort.ascd.msk.f32 $0xffff, v21, v25;
	v17, v21, _ =	vpop (xrf1)  }
0x55: {  	(xrf1) =	vsort.dscd.msk.f32 $0xffff, v7, v11;
	v7, v11, _ =	vpop (xrf1)  }
0x56: {  	v19 =	vsel vm0, v23, v19;
	v20 =	vsel vm0, v35, v20;
	v17 =	vsel vm0, v36, v17;
	v23, v25, _ =	vpop (xrf1)  }
0x57: {  	(xrf1) =	vsort.dscd.msk.f32 $0xffff, v19, v20;
	v14 =	vsel vm0, v23, v14  }
0x58: {  	v21 =	vsel vm0, v37, v21;
	v11 =	vsel vm0, v11, v39;
	v19 =	vsel vm0, v25, v33  }
0x59: {  	(xrf1) =	vsort.ascd.msk.f32 $0xffff, v17, v21;
	v7 =	vsel vm0, v7, v38  }
0x5a: {  	(xrf1) =	vsort.dscd.msk.f32 $0xffff, v14, v19;
	v14, v17, _ =	vpop (xrf1)  }
0x5b: {  	v19, v20, _ =	vpop (xrf1)  }
0x5c: {  	(xrf1) =	vsort.ascd.msk.f32 $0xffff, v7, v11;
	v7, v11, _ =	vpop (xrf1)  }
0x5d: {  	v11 =	vsel vm0, v11, v20  }
0x5e: {  	v16 =	vsel vm0, v16, v18;
	v18 =	vsel vm0, v24, v22;
	v7 =	vsel vm0, v7, v19  }
0x5f: {  	(xrf1) =	vsort.dscd.msk.f32 $0xffff, v16, v18  }
0x60: {  	(xrf1) =	vsort.dscd.msk.f32 $0xffff, v7, v11  }
0x61: {  	v7, v11, _ =	vpop (xrf1)  }
0x62: {  	v16, v18, _ =	vpop (xrf1)  }
0x63: {  	v19, v20, _ =	vpop (xrf1)  }
0x64: {  	v7 =	vsel vm0, v7, v19;
	v11 =	vsel vm0, v11, v20  }
0x65: {  	v10 =	vsel vm0, v12, v10  }
0x66: {  	v12 =	vsel vm0, v28, v27;
	v19, v20, _ =	vpop (xrf1);
	(xrf1) =	vsort.dscd.msk.f32 $0xffff, v7, v11  }
0x67: {  	v14 =	vsel vm0, v16, v14;
	v16 =	vsel vm0, v18, v17;
	(xrf1) =	vsort.dscd.msk.f32 $0xffff, v10, v12;
	v11, v21, _ =	vpop (xrf1)  }
0x68: {  	(xrf1) =	vsort.ascd.msk.f32 $0xffff, v14, v16;
	v10, v7, _ =	vpop (xrf1);
	v11 =	vsel vm0, v11, v19;
	v14 =	vsel vm0, v21, v20  }
0x69: {  	v12, v17, _ =	vpop (xrf1);
	(xrf1) =	vsort.dscd.msk.f32 $0xffff, v11, v14  }
0x6a: {  	s11 =	simm.s32 $0x600;
	v5 =	vsel vm0, v5, v8;
	v18, v19, _ =	vpop (xrf1)  }
0x6b: {  	v6 =	vsel vm0, v6, v9;
	v16 =	vld [tilespmem:s11+$0x1B0];
	v12 =	vsel vm0, v18, v12;
	v14 =	vsel vm0, v19, v17  }
0x6c: {  	v11 =	vld [tilespmem:s11+$0x1A0];
	v8 =	vmul.f32 $1.442695020e+00, v10;
	v9, v10, _ =	vpop (xrf1);
	(xrf1) =	vsort.dscd.msk.f32 $0xffff, v12, v14  }
0x6d: {  	v17, v18, _ =	vpop (xrf1)  }
0x6e: {  	v12 =	vld [tilespmem:s11+$0x180];
	(xrf1) =	vsort.dscd.msk.f32 $0xffff, v6, v5;
	v6, v5, _ =	vpop (xrf1)  }
0x6f: {  	(erf) = vpow2.f32 v8;
	v14 =	vld [tilespmem:s11+$0x190];
	v6 =	vmul.f32 $1.442695020e+00, v6  }
0x70: {  	v8 =	vld [tilespmem:s11+$0x130];
	(xrf1) =	vsort.ascd.msk.f32 $0xffff, v16, v3  }
0x71: {  	v9 =	vsel vm0, v17, v9;
	v10 =	vsel vm0, v18, v10;
	(xrf1) =	vsort.dscd.msk.f32 $0xffff, v11, v2  }
0x72: {  	(xrf1) =	vsort.dscd.msk.f32 $0xffff, v9, v10  }
0x73: {  	v11 =	vld [tilespmem:s11+$0x100];
	(erf) = vpow2.f32 v6;
	(xrf1) =	vsort.dscd.msk.f32 $0xffff, v12, v0  }
0x74: {  	v9 =	vld [tilespmem:s11+$0x120];
	(xrf1) =	vsort.ascd.msk.f32 $0xffff, v14, v1;
	v10, v6, _ =	vpop (xrf1)  }
0x75: {  	v12 =	vld [tilespmem:s11+$0xB0];
	(xrf1) =	vsort.ascd.msk.f32 $0xffff, v8, v3;
	v8, v14, _ =	vpop (xrf1)  }
0x76: {  	v16 =	vmul.f32 $1.442695020e+00, v10;
	v17, v18, _ =	vpop (xrf1)  }
0x77: {  	v21, v10, _ =	vpop (xrf1)  }
0x78: {  	(xrf1) =	vsort.dscd.msk.f32 $0xffff, v11, v0;
	v11 =	vld [tilespmem:s11+$0xA0];
	v20 =	vpop (erf);
	(erf) = vpow2.f32 v16;
	v8 =	vsel vm0, v8, v17;
	v17 =	vmul.f32 $1.442695020e+00, v21  }
0x79: {  	v19 =	vld [tilespmem:s11+$0x90];
	(xrf1) =	vsort.dscd.msk.f32 $0xffff, v9, v2  }
0x7a: {  	(xrf1) =	vsort.ascd.msk.f32 $0xffff, v12, v3;
	v12, v9, _ =	vpop (xrf1)  }
0x7b: {  	v16 =	vld [tilespmem:s11+$0x80];
	v14 =	vsel vm0, v14, v18;
	v12 =	vmul.f32 $1.442695020e+00, v12  }
0x7c: {  	v18 =	vld [tilespmem:s11+$0xFFFFFFB0];
	(xrf1) =	vsort.dscd.msk.f32 $0xffff, v8, v14;
	v22 =	vpop (erf);
	(erf) = vpow2.f32 v17  }
0x7d: {  	(xrf1) =	vsort.dscd.msk.f32 $0xffff, v11, v2;
	v54, v17, _ =	vpop (xrf1)  }
0x7e: {  	v23 =	vld [tilespmem:s11+$0xFFFFFF90];
	(xrf1) =	vsort.ascd.msk.f32 $0xffff, v19, v1;
	v11, v19, _ =	vpop (xrf1)  }
0x7f: {  	(erf) = vpow2.f32 v12;
	v12, v24, _ =	vpop (xrf1)  }
0x80: {  	v26 =	vld [tilespmem:s11+$0x10];
	(xrf1) =	vsort.dscd.msk.f32 $0xffff, v16, v0;
	v16, v8, _ =	vpop (xrf1)  }
0x81: {  	s7 =	simm.s32 $0x0;
	v58 =	vld [tilespmem:s11+$0xFFFFFE90];
	v14 =	vnsel vm0, $0x0, v20;
	(xrf1) =	vsort.ascd.msk.f32 $0xffff, v18, v3;
	v11 =	vsel vm0, v12, v11;
	v12 =	vsel vm0, v24, v19;
	v19 =	vpop (erf)  }
0x82: {  	s10 =	simm.s32 $0x2;
	s3 =	simm.s32 $0x0;
	s8 =	simm.s32 $0x3;
	v29 =	vld [tilespmem:s11+$0x0];
	(xrf2) =	vadd.scan.msk.f32 $0xffff, v14;
	v18, v28, _ =	vpop (xrf1)  }
0x83: {  	s15 =	simm.s32 $0x9;
	s16 =	simm.s32 $0xA;
	s17 =	simm.s32 $0x40;
	v40 =	vld [tilespmem:s11+$0xFFFFFF80];
	(xrf1) =	vsort.ascd.msk.f32 $0xffff, v23, v1;
	v20, v23, _ =	vpop (xrf1)  }
0x84: {  	s18 =	simm.s32 $0xF;
	s19 =	simm.s32 $0xB;
	s20 =	simm.s32 $0xD;
	v30 =	vld [tilespmem:s11+$0xFFFFFF30];
	v56, v55, _ =	vpop (xrf1);
	(xrf1) =	vsort.ascd.msk.f32 $0xffff, v11, v12  }
0x85: {  	s21 =	simm.s32 $0xC;
	s3 =	sand.u32 $0xFFFFFC00, s3;
	s2 =	sand.u32 $0x7A, s10;
	v12 =	vld [tilespmem:s11+$0xFFFFFFA0];
	v11 =	vnsel vm0, $0x0, v22;
	v57 =	vpop (erf);
	(xrf1) =	vsort.ascd.msk.f32 $0xffff, v26, v1  }
0x86: {  	s0 =	sand.u32 $0x78, s7;
	s7 =	simm.s32 $0x6;
	s14 =	sand.u32 $0x7B, s8;
	v31 =	vld [tilespmem:s11+$0xFFFFFF20];
	v24, v25, _ =	vpop (xrf1);
	(xrf2) =	vadd.scan.msk.f32 $0xffff, v11  }
0x87: {  	s24 =	sand.u32 $0x7C, s21;
	s25 =	sand.u32 $0x7B, s19;
	s26 =	sor.u32 s0, s3;
	v41 =	vld [tilespmem:s11+$0xFFFFFF10];
	(xrf1) =	vsort.dscd.msk.f32 $0xffff, v29, v0;
	v29, v60, _ =	vpop (xrf1)  }
0x88: {  	s12 =	sand.u32 $0x7E, s7;
	s7 =	sor.u32 s3, s2;
	s31 =	sor.u32 s3, s14;
	v27 =	vld [tilespmem:s11+$0x110];
	v59 =	vpop (erf)  }
0x89: {  	s0 =	sand.u32 $0x79, s15;
	s2 =	sand.u32 $0x7A, s16;
	s4 =	simm.s32 $0x7;
	v43 =	vld [tilespmem:s11+$0xFFFFFF00];
	(xrf1) =	vsort.ascd.msk.f32 $0xffff, v30, v3;
	v30, v61, _ =	vpop (xrf1)  }
0x8a: {  	s14 =	simm.s32 $0xE;
	s9 =	simm.s32 $0x1;
	s4 =	sand.u32 $0x7F, s4;
	v48 =	vld [tilespmem:s11+$0xFFFFFEA0];
	(xrf1) =	vsort.dscd.msk.f32 $0xffff, v12, v2;
	v42, v12, _ =	vpop (xrf1)  }
0x8b: {  	s23 =	sand.u32 $0x7E, s14;
	s1 =	sand.u32 $0x79, s9;
	s28 =	sor.u32 s3, s4;
	v36 =	vld [tilespmem:s11+$0xFFFFFE20];
	(xrf1) =	vsort.dscd.msk.f32 $0xffff, v31, v2;
	v44, v45, _ =	vpop (xrf1)  }
0x8c: {  	s4 =	sand.u32 $0x7F, s18;
	s5 =	simm.s32 $0x5;
	s6 =	simm.s32 $0x4;
	v21 =	vld [tilespmem:s11+$0x30];
	v31 =	vsel vm0, v17, v13;
	(xrf1) =	vsort.ascd.msk.f32 $0xffff, v58, v1;
	v46, v47, _ =	vpop (xrf1)  }
0x8d: {  	s1 =	sor.u32 s3, s1;
	s5 =	sand.u32 $0x7D, s5;
	s13 =	sand.u32 $0x7C, s6;
	v16 =	vmul.f32 $1.442695020e+00, v16;
	v22 =	vld [tilespmem:s11+$0x20];
	v62 =	vsel vm0, v44, v30;
	v39 =	vsel vm0, v45, v61;
	(xrf1) =	vsort.ascd.msk.f32 $0xffff, v27, v1;
	v27, _, _ =	vpop (xrf2)  }
0x8e: {  	s6 =	sor.u32 s3, s5;
	s5 =	sor.u32 s3, s12;
	s12 =	simm.s32 $0x8;
	v26 =	vld [tilespmem:s11+$0xFFFFFEB0];
	v17 =	vsel vm0, v18, v20;
	v18 =	vsel vm0, v28, v23;
	(xrf1) =	vsort.ascd.msk.f32 $0xffff, v62, v39;
	v23, v63, _ =	vpop (xrf1)  }
0x8f: {  	s30 =	sor.u32 s3, s13;
	s13 =	sand.u32 $0xFFFFFC00, s17;
	s10 =	sand.u32 $0x78, s12;
	(erf) = vpow2.f32 v16;
	v13 =	vnsel vm0, $0x0, v19;
	v28 =	vsel vm0, v29, v56;
	v30 =	vld [tilespmem:s11+$0xFFFFFE80];
	(xrf1) =	vsort.dscd.msk.f32 $0xffff, v40, v0;
	v33, v35, _ =	vpop (xrf1)  }
0x90: {  	s3 =	sand.u32 $0x7D, s20;
	s29 =	sor.u32 s10, s13;
	s16 =	sor.u32 s13, s0;
	v19 =	vnsel vm0, $0x0, v57;
	v29 =	vsel vm0, v60, v55;
	v39 =	vld [tilespmem:s11+$0xFFFFFE30];
	(xrf1) =	vsort.dscd.msk.f32 $0xffff, v43, v0;
	v32 =	vsel vm0, v23, v46;
	v23, _, _ =	vpop (xrf2)  }
0x91: {  	s9 =	sor.u32 s13, s3;
	s10 =	sor.u32 s13, s2;
	s3 =	sor.u32 s13, s24;
	v34 =	vmul.f32 $1.442695020e+00, v42;
	v20 =	vnsel vm0, $0x0, v59;
	v42 =	vsel vm0, v54, v15;
	v40 =	vld [tilespmem:s11+$0xFFFFFE10];
	v38, v37, _ =	vpop (xrf1);
	(xrf1) =	vsort.ascd.msk.f32 $0xffff, v41, v1  }
0x92: {  	s8 =	sor.u32 s13, s23;
	s0 =	sor.u32 s13, s4;
	s4 =	sor.u32 s13, s25;
	v27 =	vbroadcast v27, $0xF;
	v43 =	vsel vm0, v63, v47;
	v41 =	vld [tilespmem:s11+$0xFFFFFE00];
	v23 =	vbroadcast v23, $0xF;
	(xrf1) =	vsort.dscd.msk.f32 $0xffff, v48, v2;
	v15, v16, _ =	vpop (xrf1)  }
.LBB2_2:
0x93: {  	s2 =	sadd.s32 $0x9, s12  }
0x94: {  	s13 =	sadd.s32 $0xA, s12;
	v44, v45, _ =	vpop (xrf1);
	(xrf1) =	vsort.dscd.msk.f32 $0xffff, v42, v31;
	s14 =	smov.u32 s12;
	s12 =	sadd.s32 $0x8, s12  }
0x95: {  	s15 =	sshll.u32 s12, $0x3;
	s17 =	sadd.s32 $0xF, s14;
	p0 =	slt.u32 s12, $0xF8;
	v31, v42, _ =	vpop (xrf1);
	(xrf1) =	vsort.dscd.msk.f32 $0xffff, v32, v43  }
0x96: {  	s25 =	sadd.s32 $0xB, s14;
	s20 =	sadd.s32 $0xD, s14;
	s15 =	sand.u32 $0xFFFFFC00, s15;
	v31 =	vsel vm0, v31, v44;
	v32 =	vsel vm0, v42, v45;
	(xrf1) =	vsort.ascd.msk.f32 $0xffff, v39, v3  }
0x97: {  	s2 =	sand.u32 $0x79, s2;
	s13 =	sand.u32 $0x7A, s13;
	s23 =	sadd.s32 $0xC, s14;
	v39, v42, _ =	vpop (xrf1)  }
0x98: {  	s24 =	sand.u32 $0x78, s12;
	s18 =	sadd.s32 $0xE, s14;
	s20 =	sand.u32 $0x7D, s20;
	v43, v44, _ =	vpop (xrf1)  }
0x99: {  	s18 =	sand.u32 $0x7E, s18;
	s14 =	sor.u32 s24, s15;
	s2 =	sor.u32 s15, s2;
	(xrf1) =	vsort.dscd.msk.f32 $0xffff, v41, v0;
	v41, v45, _ =	vpop (xrf1)  }
0x9a: {  	s19 =	sand.u32 $0x7C, s23;
	s21 =	sand.u32 $0x7F, s17;
	s24 =	sor.u32 s15, s20;
	(xrf1) =	vsort.ascd.msk.f32 $0xffff, v40, v1;
	v40, v46, _ =	vpop (xrf1)  }
0x9b: {  	s23 =	sor.u32 s15, s13;
	s17 =	sor.u32 s15, s19;
	s20 =	sor.u32 s15, s18;
	v47 =	vpop (erf);
	(xrf2) =	vadd.scan.msk.f32 $0xffff, v19  }
0x9c: {  	s18 =	sand.u32 $0x7B, s25;
	s19 =	simm.s32 $0x11000;
	s13 =	sor.u32 s15, s21;
	v39 =	vsel vm0, v41, v39;
	v41 =	vsel vm0, v45, v42;
	(xrf1) =	vsort.ascd.msk.f32 $0xffff, v26, v3;
	v42, v45, _ =	vpop (xrf1);
	v26 =	vnsel vm0, $0x0, v47  }
0x9d: {  	s15 =	sor.u32 s15, s18;
	s18 =	simm.s32 $0x10000;
	(xrf1) =	vsort.dscd.msk.f32 $0xffff, v36, v2;
	v36, v47, _ =	vpop (xrf1);
	(erf) = vpow2.f32 v34  }
0x9e: {  	v25 =	vsel vm0, v25, v45;
	(xrf1) =	vsort.dscd.msk.f32 $0xffff, v30, v0;
	v30, v34, _ =	vpop (xrf1)  }
0x9f: {  	v35 =	vsel vm0, v44, v35;
	v42 =	vsel vm0, v24, v42;
	v44, v45, _ =	vpop (xrf1);
	(xrf2) =	vadd.scan.msk.f32 $0xffff, v20  }
0xa0: {  	v33 =	vsel vm0, v43, v33;
	v43, v48, _ =	vpop (xrf1)  }
0xa1: {  	v30 =	vsel vm0, v30, v38;
	v34 =	vsel vm0, v34, v37;
	v37, v38, _ =	vpop (xrf1);
	(xrf1) =	vsort.ascd.msk.f32 $0xffff, v21, v3  }
0xa2: {  	(xrf1) =	vsort.ascd.msk.f32 $0xffff, v28, v29;
	v21, v24, _ =	vpop (xrf1)  }
0xa3: {  	v28, v29, _ =	vpop (xrf1);
	(xrf1) =	vsort.dscd.msk.f32 $0xffff, v42, v25;
	v42 =	vmul.f32 $1.442695020e+00, v21  }
0xa4: {  	v25 =	vsel vm0, v28, v36;
	v28 =	vsel vm0, v29, v47;
	v29, v36, _ =	vpop (xrf1);
	(xrf1) =	vsort.dscd.msk.f32 $0xffff, v30, v34;
	(erf) = vrcp.f32 v27  }
0xa5: {  	(xrf1) =	vsort.dscd.msk.f32 $0xffff, v22, v2;
	v22, _, _ =	vpop (xrf2);
	(erf) = vpow2.f32 v42  }
0xa6: {  	v27 =	vsel vm0, v44, v43;
	v30 =	vsel vm0, v45, v48;
	(xrf1) =	vsort.ascd.msk.f32 $0xffff, v33, v35;
	v21 =	vpop (erf)  }
0xa7: {  	v33, v34, _ =	vpop (xrf1);
	v21 =	vnsel vm0, $0x0, v21  }
0xa8: {  	v22 =	vbroadcast v22, $0xF;
	v35, v42, _ =	vpop (xrf1)  }
0xa9: {  	(xrf1) =	vsort.ascd.msk.f32 $0xffff, v39, v41;
	v39, _, _ =	vpop (xrf2)  }
0xaa: {  	v41, v43, _ =	vpop (xrf1);
	(xrf1) =	vsort.dscd.msk.f32 $0xffff, v27, v30;
	v27 =	vbroadcast v39, $0xF  }
0xab: {  	v30 =	vsel vm0, v33, v35;
	v33 =	vsel vm0, v34, v42;
	v34 =	vsel vm0, v37, v41;
	v35, v37, _ =	vpop (xrf1);
	(xrf2) =	vadd.scan.msk.f32 $0xffff, v26  }
0xac: {  	v42 =	vadd.s32 s6, v4;
	s6 =	smov.u32 s9;
	s9 =	smov.u32 s24;
	v38 =	vsel vm0, v38, v43;
	v39, v41, _ =	vpop (xrf1)  }
0xad: {  	v29 =	vsel vm0, v35, v29;
	v35 =	vsel vm0, v37, v36;
	(xrf1) =	vsort.dscd.msk.f32 $0xffff, v25, v28;
	(erf) = vrcp.f32 v22;
	v22 =	vpop (erf)  }
0xae: {  	v39 =	vsel vm0, v39, v40;
	v36 =	vsel vm0, v41, v46;
	(xrf1) =	vsort.ascd.msk.f32 $0xffff, v34, v38;
	v25 =	vpop (erf)  }
0xaf: {  	v14 =	vmul.f32 v22, v14;
	v34, v37, _ =	vpop (xrf1);
	v25 =	vnsel vm0, $0x0, v25;
	(xrf2) =	vadd.scan.msk.f32 $0xffff, v21  }
0xb0: {  	(xrf1) =	vsort.dscd.msk.f32 $0xffff, v39, v36;
	v22, v28, _ =	vpop (xrf1)  }
0xb1: {  	(xrf1) =	vsort.ascd.msk.f32 $0xffff, v29, v35;
	v29, v35, _ =	vpop (xrf1);
	[tilespmem:v42+s18+$0x0] =	vst.idx.msk $0xff, v14;
	(erf) = vrcp.f32 v27  }
0xb2: {  	v14 =	vsel vm0, v29, v22;
	v22 =	vsel vm0, v35, v28;
	v27, v28, _ =	vpop (xrf1);
	[tilespmem:v42+s19+$0x0] =	vst.idx.msk $0xff, v7  }
0xb3: {  	v7, v29, _ =	vpop (xrf1);
	(xrf2) =	vadd.scan.msk.f32 $0xffff, v13  }
0xb4: {  	v35 =	vadd.s32 s7, v4;
	s7 =	smov.u32 s10;
	s10 =	smov.u32 s23;
	(xrf1) =	vsort.dscd.msk.f32 $0xffff, v30, v33;
	v30, v33, _ =	vpop (xrf1)  }
0xb5: {  	(xrf1) =	vsort.dscd.msk.f32 $0xffff, v14, v22;
	v14, _, _ =	vpop (xrf2)  }
0xb6: {  	v38 =	vsel vm0, v27, v30;
	v36 =	vsel vm0, v28, v33;
	v28 =	vpop (erf);
	(xrf2) =	vadd.scan.msk.f32 $0xffff, v25  }
0xb7: {  	v30, v33, _ =	vpop (xrf1);
	(xrf1) =	vsort.dscd.msk.f32 $0xffff, v38, v36;
	v36 =	vmul.f32 v28, v19  }
0xb8: {  	v22, v27, _ =	vpop (xrf1);
	(erf) = vrcp.f32 v23  }
0xb9: {  	v28 =	vsel vm0, v29, v37;
	v29 =	vadd.s32 s1, v4;
	s1 =	smov.u32 s16;
	s16 =	smov.u32 s2;
	v23 =	vsel vm0, v7, v34;
	[tilespmem:v35+s18+$0x0] =	vst.idx.msk $0xff, v36;
	v7, _, _ =	vpop (xrf2)  }
0xba: {  	(xrf1) =	vsort.dscd.msk.f32 $0xffff, v31, v32;
	[tilespmem:v35+s19+$0x0] =	vst.idx.msk $0xff, v10;
	v10 =	vbroadcast v7, $0xF;
	v19 =	vpop (erf)  }
0xbb: {  	v14 =	vbroadcast v14, $0xF;
	v22 =	vsel vm0, v22, v30;
	v27 =	vsel vm0, v27, v33;
	v30, v7, _ =	vpop (xrf1)  }
0xbc: {  	v19 =	vmul.f32 v19, v20;
	v31, v32, _ =	vpop (xrf1);
	(xrf1) =	vsort.ascd.msk.f32 $0xffff, v23, v28  }
0xbd: {  	s11 =	sadd.s32 $0x400, s11;
	v20 =	vmul.f32 $1.442695020e+00, v30;
	v23, _, _ =	vpop (xrf2);
	(erf) = vrcp.f32 v10  }
0xbe: {  	v28, v30, _ =	vpop (xrf1)  }
0xbf: {  	v10 =	vld [tilespmem:s11+$0x1B0];
	(xrf1) =	vsort.dscd.msk.f32 $0xffff, v22, v27;
	[tilespmem:v29+s18+$0x0] =	vst.idx.msk $0xff, v19;
	v33 =	vbroadcast v23, $0xF;
	(erf) = vrcp.f32 v14  }
0xc0: {  	v14 =	vld [tilespmem:s11+$0x1A0];
	v22 =	vsel vm0, v28, v31;
	v30 =	vsel vm0, v30, v32;
	[tilespmem:v29+s19+$0x0] =	vst.idx.msk $0xff, v9;
	v9 =	vadd.s32 s5, v4;
	s5 =	smov.u32 s8;
	s8 =	smov.u32 s20;
	v27, v28, _ =	vpop (xrf1)  }
0xc1: {  	v29 =	vld [tilespmem:s11+$0x190];
	(xrf1) =	vsort.dscd.msk.f32 $0xffff, v22, v30;
	(erf) = vrcp.f32 v33;
	v19, _, _ =	vpop (xrf2)  }
0xc2: {  	v22 =	vld [tilespmem:s11+$0x180];
	v19 =	vbroadcast v19, $0xF;
	v23 =	vpop (erf)  }
0xc3: {  	v30 =	vld [tilespmem:s11+$0x130];
	v31, v32, _ =	vpop (xrf1);
	(erf) = vpow2.f32 v20;
	(xrf1) =	vsort.dscd.msk.f32 $0xffff, v17, v18;
	v11 =	vmul.f32 v23, v11  }
0xc4: {  	v17 =	vld [tilespmem:s11+$0x120];
	(xrf1) =	vsort.ascd.msk.f32 $0xffff, v10, v3;
	v33 =	vsel vm0, v31, v27;
	v31 =	vsel vm0, v32, v28;
	v23, v27, _ =	vpop (xrf1);
	v28 =	vadd.s32 s30, v4;
	s30 =	smov.u32 s3;
	s3 =	smov.u32 s17  }
0xc5: {  	v20 =	vld [tilespmem:s11+$0x110];
	(xrf1) =	vsort.dscd.msk.f32 $0xffff, v14, v2;
	v23 =	vmul.f32 $1.442695020e+00, v23;
	[tilespmem:v9+s18+$0x0] =	vst.idx.msk $0xff, v11;
	(erf) = vrcp.f32 v19  }
0xc6: {  	v19 =	vadd.s32 s26, v4;
	s26 =	smov.u32 s29;
	s29 =	smov.u32 s14;
	v11 =	vld [tilespmem:s11+$0x100];
	(xrf1) =	vsort.dscd.msk.f32 $0xffff, v33, v31;
	v10, v18, _ =	vpop (xrf1);
	[tilespmem:v9+s19+$0x0] =	vst.idx.msk $0xff, v5;
	v5 =	vmov v27  }
0xc7: {  	v9 =	vld [tilespmem:s11+$0xB0];
	(xrf1) =	vsort.dscd.msk.f32 $0xffff, v22, v0;
	(erf) = vpow2.f32 v23;
	v14 =	vpop (erf)  }
0xc8: {  	v27 =	vmul.f32 $1.442695020e+00, v10;
	v23 =	vld [tilespmem:s11+$0xA0];
	(xrf1) =	vsort.ascd.msk.f32 $0xffff, v29, v1;
	v29 =	vadd.s32 s31, v4;
	v21 =	vmul.f32 v14, v21;
	v14 =	vpop (erf);
	s31 =	smov.u32 s4;
	s4 =	smov.u32 s15  }
0xc9: {  	v31 =	vld [tilespmem:s11+$0x90];
	v32, v33, _ =	vpop (xrf1);
	v14 =	vmul.f32 v14, v26  }
0xca: {  	v26 =	vld [tilespmem:s11+$0x80];
	(xrf1) =	vsort.ascd.msk.f32 $0xffff, v30, v3;
	[tilespmem:v28+s18+$0x0] =	vst.idx.msk $0xff, v21;
	v10 =	vpop (erf)  }
0xcb: {  	v21 =	vld [tilespmem:s11+$0x30];
	(xrf1) =	vsort.dscd.msk.f32 $0xffff, v11, v0;
	v11, v30, _ =	vpop (xrf1);
	[tilespmem:v19+s18+$0x0] =	vst.idx.msk $0xff, v14;
	v13 =	vmul.f32 v10, v13  }
0xcc: {  	v22 =	vld [tilespmem:s11+$0x20];
	v11 =	vsel vm0, v32, v11;
	v30 =	vsel vm0, v33, v30;
	v33 =	vpop (erf);
	[tilespmem:v28+s19+$0x0] =	vst.idx.msk $0xff, v12;
	v12 =	vadd.s32 s28, v4;
	s28 =	smov.u32 s0;
	s0 =	smov.u32 s13  }
0xcd: {  	v28 =	vld [tilespmem:s11+$0x10];
	v14 =	vnsel vm0, $0x0, v33;
	v32, v10, _ =	vpop (xrf1);
	[tilespmem:v29+s18+$0x0] =	vst.idx.msk $0xff, v13  }
0xce: {  	v33 =	vld [tilespmem:s11+$0x0];
	(xrf1) =	vsort.dscd.msk.f32 $0xffff, v17, v2;
	v13 =	vmul.f32 $1.442695020e+00, v32;
	(erf) = vpow2.f32 v27;
	[tilespmem:v29+s19+$0x0] =	vst.idx.msk $0xff, v6;
	v6 =	vpop (erf)  }
0xcf: {  	(xrf1) =	vsort.ascd.msk.f32 $0xffff, v9, v3;
	v27, v9, _ =	vpop (xrf1)  }
0xd0: {  	v17 =	vld [tilespmem:s11+$0xFFFFFFB0];
	v29 =	vmul.f32 v6, v25;
	v6 =	vmov v18;
	v18 =	vmul.f32 $1.442695020e+00, v27  }
0xd1: {  	v32 =	vld [tilespmem:s11+$0xFFFFFFA0];
	(xrf1) =	vsort.dscd.msk.f32 $0xffff, v11, v30;
	v11 =	vpop (erf);
	[tilespmem:v19+s19+$0x0] =	vst.idx.msk $0xff, v8  }
0xd2: {  	v19 =	vld [tilespmem:s11+$0xFFFFFF90];
	(xrf1) =	vsort.dscd.msk.f32 $0xffff, v23, v2;
	v11 =	vnsel vm0, $0x0, v11;
	(erf) = vpow2.f32 v13;
	v23, v8, _ =	vpop (xrf1);
	[tilespmem:v12+s18+$0x0] =	vst.idx.msk $0xff, v29  }
0xd3: {  	v35 =	vld [tilespmem:s11+$0xFFFFFF80];
	(xrf1) =	vsort.ascd.msk.f32 $0xffff, v31, v1;
	v13, v25, _ =	vpop (xrf1);
	v31 =	vsel vm0, v8, v16;
	(erf) = vpow2.f32 v18;
	[tilespmem:v12+s19+$0x0] =	vst.idx.msk $0xff, v24  }
0xd4: {  	v12 =	vld [tilespmem:s11+$0xFFFFFF30];
	v18, v16, _ =	vpop (xrf1)  }
0xd5: {  	v27 =	vld [tilespmem:s11+$0xFFFFFF20];
	v13 =	vsel vm0, v18, v13;
	v16 =	vsel vm0, v16, v25;
	(xrf1) =	vsort.dscd.msk.f32 $0xffff, v26, v0;
	v34, v8, _ =	vpop (xrf1)  }
0xd6: {  	v44 =	vld [tilespmem:s11+$0xFFFFFF10];
	(xrf1) =	vsort.ascd.msk.f32 $0xffff, v17, v3;
	v17, v18, _ =	vpop (xrf1)  }
0xd7: {  	v37 =	vld [tilespmem:s11+$0xFFFFFF00];
	(xrf1) =	vsort.ascd.msk.f32 $0xffff, v19, v1;
	v19, v24, _ =	vpop (xrf1)  }
0xd8: {  	v26 =	vld [tilespmem:s11+$0xFFFFFEB0];
	v17 =	vsel vm0, v17, v19;
	v18 =	vsel vm0, v18, v24;
	v19 =	vpop (erf);
	(xrf2) =	vadd.scan.msk.f32 $0xffff, v14  }
0xd9: {  	v45 =	vld [tilespmem:s11+$0xFFFFFEA0];
	v29, v38, _ =	vpop (xrf1);
	(xrf1) =	vsort.ascd.msk.f32 $0xffff, v13, v16;
	v13 =	vnsel vm0, $0x0, v19  }
0xda: {  	v16 =	vld [tilespmem:s11+$0xFFFFFE90];
	(xrf1) =	vsort.ascd.msk.f32 $0xffff, v28, v1;
	v24, v25, _ =	vpop (xrf1)  }
0xdb: {  	v30 =	vld [tilespmem:s11+$0xFFFFFE80];
	(xrf1) =	vsort.dscd.msk.f32 $0xffff, v33, v0;
	v19 =	vpop (erf)  }
0xdc: {  	v39 =	vld [tilespmem:s11+$0xFFFFFE30];
	v19 =	vnsel vm0, $0x0, v19;
	v33 =	vpop (erf);
	(xrf2) =	vadd.scan.msk.f32 $0xffff, v11  }
0xdd: {  	v36 =	vld [tilespmem:s11+$0xFFFFFE20];
	(xrf1) =	vsort.ascd.msk.f32 $0xffff, v12, v3;
	v12, v41, _ =	vpop (xrf1)  }
0xde: {  	v40 =	vld [tilespmem:s11+$0xFFFFFE10];
	v28 =	vsel vm0, v12, v29;
	v29 =	vsel vm0, v41, v38;
	(xrf1) =	vsort.dscd.msk.f32 $0xffff, v32, v2;
	v32, v38, _ =	vpop (xrf1)  }
0xdf: {  	v46 =	vmul.f32 $1.442695020e+00, v34;
	v41 =	vld [tilespmem:s11+$0xFFFFFE00];
	(xrf1) =	vsort.dscd.msk.f32 $0xffff, v27, v2;
	v27, v12, _ =	vpop (xrf1)  }
0xe0: {  	(xrf1) =	vsort.ascd.msk.f32 $0xffff, v16, v1;
	v16, v42, _ =	vpop (xrf1);
	v34 =	vmul.f32 $1.442695020e+00, v27  }
0xe1: {  	v43, v47, _ =	vpop (xrf1)  }
0xe2: {  	v16 =	vsel vm0, v16, v32;
	v27 =	vsel vm0, v42, v38;
	(xrf1) =	vsort.ascd.msk.f32 $0xffff, v20, v1;
	v32, _, _ =	vpop (xrf2)  }
.Ltmp0:
0xe3: {  	v20 =	vnsel vm0, $0x0, v33;
	v48, v49, _ =	vpop (xrf1);
	(xrf1) =	vsort.ascd.msk.f32 $0xffff, v16, v27;
	v27 =	vbroadcast v32, $0xF;
	(pc) =	sbr.rel @p0 .LBB2_2-.Ltmp0, $4  }
0xe4: {  	v42 =	vsel vm0, v23, v15;
	(xrf1) =	vsort.dscd.msk.f32 $0xffff, v35, v0;
	v33, v35, _ =	vpop (xrf1)  }
0xe5: {  	(xrf1) =	vsort.dscd.msk.f32 $0xffff, v37, v0;
	v38, v37, _ =	vpop (xrf1)  }
0xe6: {  	v32 =	vsel vm0, v48, v43;
	v43 =	vsel vm0, v49, v47;
	(xrf1) =	vsort.ascd.msk.f32 $0xffff, v44, v1;
	(erf) = vpow2.f32 v46;
	v23, _, _ =	vpop (xrf2)  }
0xe7: {  	(xrf1) =	vsort.dscd.msk.f32 $0xffff, v45, v2;
	v15, v16, _ =	vpop (xrf1);
	v23 =	vbroadcast v23, $0xF  }
0xe8: {  	(xrf1) =	vsort.dscd.msk.f32 $0xffff, v42, v31  }
0xe9: {  	v31, v42, _ =	vpop (xrf1);
	(xrf1) =	vsort.dscd.msk.f32 $0xffff, v32, v43  }
0xea: {  	v32, v43, _ =	vpop (xrf1);
	(xrf1) =	vsort.ascd.msk.f32 $0xffff, v39, v3  }
0xeb: {  	v61, v44, _ =	vpop (xrf1);
	(xrf1) =	vsort.dscd.msk.f32 $0xffff, v41, v0  }
0xec: {  	v62, v45, _ =	vpop (xrf1);
	(xrf1) =	vsort.ascd.msk.f32 $0xffff, v40, v1  }
0xed: {  	v63, v46, _ =	vpop (xrf1);
	(xrf1) =	vsort.ascd.msk.f32 $0xffff, v26, v3  }
0xee: {  	v26, v47, _ =	vpop (xrf1);
	(xrf1) =	vsort.dscd.msk.f32 $0xffff, v36, v2  }
0xef: {  	(xrf1) =	vsort.dscd.msk.f32 $0xffff, v30, v0  }
0xf0: {  	v30, v48, _ =	vpop (xrf1)  }
0xf1: {  	v49, v50, _ =	vpop (xrf1)  }
0xf2: {  	(xrf1) =	vsort.ascd.msk.f32 $0xffff, v21, v3;
	v21 =	vsel vm0, v25, v48;
	v24 =	vsel vm0, v24, v30;
	v51, v52, _ =	vpop (xrf1)  }
0xf3: {  	(xrf1) =	vsort.ascd.msk.f32 $0xffff, v28, v29;
	v53, v54, _ =	vpop (xrf1);
	v29 =	vsel vm0, v51, v38  }
0xf4: {  	(xrf2) =	vadd.scan.msk.f32 $0xffff, v19;
	v25, v28, _ =	vpop (xrf1)  }
0xf5: {  	v33 =	vsel vm0, v62, v33;
	(xrf1) =	vsort.dscd.msk.f32 $0xffff, v24, v21;
	v30 =	vsel vm0, v52, v37;
	v24, v55, _ =	vpop (xrf1)  }
0xf6: {  	(xrf1) =	vsort.dscd.msk.f32 $0xffff, v29, v30;
	v30 =	vsel vm0, v45, v35;
	v29, v21, _ =	vpop (xrf1)  }
0xf7: {  	(erf) = vpow2.f32 v34;
	(xrf2) =	vadd.scan.msk.f32 $0xffff, v20;
	v56, v57, _ =	vpop (xrf1)  }
0xf8: {  	(xrf1) =	vsort.dscd.msk.f32 $0xffff, v22, v2;
	v22 =	vsel vm0, v63, v61;
	v58, v59, _ =	vpop (xrf1)  }
0xf9: {  	v28 =	vsel vm0, v54, v28;
	(xrf1) =	vsort.ascd.msk.f32 $0xffff, v33, v30;
	v30, v33, _ =	vpop (xrf1)  }
0xfa: {  	v60 =	vsel vm0, v46, v44;
	v61, v62, _ =	vpop (xrf1)  }
0xfb: {  	v25 =	vsel vm0, v53, v25;
	(xrf1) =	vsort.ascd.msk.f32 $0xffff, v22, v60;
	v22, v39, _ =	vpop (xrf1)  }
0xfc: {  	(xrf1) =	vsort.dscd.msk.f32 $0xffff, v25, v28;
	v28, v63, _ =	vpop (xrf1)  }
0xfd: {  	v25 =	vmul.f32 $1.442695020e+00, v29;
	v22 =	vsel vm0, v24, v22;
	v24 =	vsel vm0, v55, v39;
	v29, v48, _ =	vpop (xrf1)  }
0xfe: {  	v36 =	vpop (erf);
	v34 =	vsel vm0, v56, v49;
	v35 =	vsel vm0, v57, v50;
	v26 =	vsel vm0, v29, v26  }
0xff: {  	(erf) = vrcp.f32 v27;
	v27, _, _ =	vpop (xrf2);
	(xrf1) =	vsort.dscd.msk.f32 $0xffff, v34, v35;
	v29 =	vsel vm0, v48, v47  }
0x100: {  	(xrf1) =	vsort.ascd.msk.f32 $0xffff, v22, v24;
	v24 =	vpop (erf)  }
0x101: {  	(xrf1) =	vsort.dscd.msk.f32 $0xffff, v26, v29;
	v26, _, _ =	vpop (xrf2)  }
0x102: {  	v33 =	vsel vm0, v33, v62;
	v22 =	vnsel vm0, $0x0, v36;
	v28 =	vsel vm0, v28, v58;
	v29, v49, _ =	vpop (xrf1)  }
0x103: {  	(erf) = vpow2.f32 v25;
	v51 =	vsel vm0, v63, v59;
	v25 =	vnsel vm0, $0x0, v24;
	(xrf2) =	vadd.scan.msk.f32 $0xffff, v22;
	v24, v50, _ =	vpop (xrf1)  }
0x104: {  	v30 =	vsel vm0, v30, v61;
	(xrf1) =	vsort.ascd.msk.f32 $0xffff, v28, v51;
	v52, v53, _ =	vpop (xrf1)  }
0x105: {  	(xrf2) =	vadd.scan.msk.f32 $0xffff, v25;
	v28, v36, _ =	vpop (xrf1)  }
0x106: {  	v27 =	vbroadcast v27, $0xF;
	v24 =	vsel vm0, v52, v24;
	v35 =	vsel vm0, v53, v50;
	v54, v55, _ =	vpop (xrf1);
	(xrf1) =	vsort.dscd.msk.f32 $0xffff, v30, v33  }
0x107: {  	v30, v33, _ =	vpop (xrf1);
	(xrf1) =	vsort.dscd.msk.f32 $0xffff, v24, v35  }
0x108: {  	v24 =	vsel vm0, v28, v30;
	v28 =	vsel vm0, v36, v33;
	v30 =	vsel vm0, v32, v31  }
0x109: {  	(xrf2) =	vadd.scan.msk.f32 $0xffff, v13  }
0x10a: {  	(erf) = vrcp.f32 v27;
	v27 =	vpop (erf);
	v26 =	vbroadcast v26, $0xF;
	(xrf1) =	vsort.dscd.msk.f32 $0xffff, v24, v28;
	v24 =	vsel vm0, v54, v29  }
0x10b: {  	v31 =	vsel vm0, v43, v42;
	v28, v33, _ =	vpop (xrf1)  }
0x10c: {  	(erf) = vrcp.f32 v26;
	v26 =	vsel vm0, v55, v49;
	(xrf1) =	vsort.dscd.msk.f32 $0xffff, v30, v31;
	v29, v30, _ =	vpop (xrf1)  }
0x10d: {  	(xrf1) =	vsort.ascd.msk.f32 $0xffff, v24, v26;
	v59, _, _ =	vpop (xrf2)  }
0x10e: {  	v31, v24, _ =	vpop (xrf1)  }
0x10f: {  	v58, v57, _ =	vpop (xrf1)  }
0x110: {  	v28 =	vsel vm0, v29, v28;
	v29 =	vsel vm0, v30, v33;
	v30, v33, _ =	vpop (xrf1)  }
0x111: {  	(xrf1) =	vsort.dscd.msk.f32 $0xffff, v28, v29;
	v28 =	vsel vm0, v30, v58;
	v29 =	vsel vm0, v33, v57;
	v30, _, _ =	vpop (xrf2)  }
0x112: {  	v56 =	vpop (erf);
	(xrf1) =	vsort.dscd.msk.f32 $0xffff, v28, v29;
	v29 =	vbroadcast v30, $0xF  }
0x113: {  	v26 =	vnsel vm0, $0x0, v56;
	(xrf1) =	vsort.dscd.msk.f32 $0xffff, v17, v18;
	v17, _, _ =	vpop (xrf2)  }
0x114: {  	(xrf2) =	vadd.scan.msk.f32 $0xffff, v26;
	v28 =	vpop (erf)  }
0x115: {  	(erf) = vrcp.f32 v23;
	v23 =	vpop (erf)  }
0x116: {  	(erf) = vrcp.f32 v29;
	v29, v30, _ =	vpop (xrf1)  }
0x117: {  	v60 =	vbroadcast v59, $0xF;
	v31 =	vmul.f32 $1.442695020e+00, v31;
	v33, v34, _ =	vpop (xrf1)  }
0x118: {  	v61 =	vbroadcast v17, $0xF;
	v62, v18, _ =	vpop (xrf1)  }
0x119: {  	(erf) = vrcp.f32 v60;
	v63, v17, _ =	vpop (xrf1)  }
0x11a: {  	(erf) = vrcp.f32 v61;
	v29 =	vsel vm0, v33, v29;
	v30 =	vsel vm0, v34, v30;
	v41, v40, _ =	vpop (xrf1)  }
0x11b: {  	(erf) = vpow2.f32 v31;
	(xrf1) =	vsort.dscd.msk.f32 $0xffff, v29, v30;
	v31, v42, _ =	vpop (xrf1)  }
0x11c: {  	v29 =	vsel vm0, v41, v31;
	v30 =	vsel vm0, v40, v42  }
0x11d: {  	(xrf1) =	vsort.dscd.msk.f32 $0xffff, v29, v30  }
0x11e: {  	v43, _, _ =	vpop (xrf2)  }
0x11f: {  	v30, v33, _ =	vpop (xrf1)  }
0x120: {  	v34 =	vbroadcast v43, $0xF;
	v44, v37, _ =	vpop (xrf1)  }
0x121: {  	v36 =	vmul.f32 $1.442695020e+00, v62;
	v32 =	vmul.f32 $1.442695020e+00, v63;
	v45, v46, _ =	vpop (xrf1)  }
0x122: {  	v31 =	vpop (erf);
	(erf) = vrcp.f32 v34;
	v16 =	vsel vm0, v46, v16;
	v15 =	vsel vm0, v45, v15  }
0x123: {  	v29 =	vpop (erf);
	(erf) = vpow2.f32 v36;
	(xrf1) =	vsort.dscd.msk.f32 $0xffff, v15, v16;
	v16 =	vmul.f32 $1.442695020e+00, v30  }
0x124: {  	v40 =	vpop (erf);
	(erf) = vpow2.f32 v32  }
0x125: {  	v34 =	vpop (erf);
	(erf) = vpow2.f32 v16;
	v16 =	vmul.f32 $1.442695020e+00, v44  }
0x126: {  	v15 =	vpop (erf)  }
0x127: {  	v15 =	vnsel vm0, $0x0, v15  }
0x128: {  	(xrf2) =	vadd.scan.msk.f32 $0xffff, v15  }
0x129: {  	(erf) = vpow2.f32 v16;
	v16, v30, _ =	vpop (xrf1)  }
0x12a: {  	v16 =	vmul.f32 $1.442695020e+00, v16  }
0x12b: {  	v47, v48, _ =	vpop (xrf1)  }
0x12c: {  	v49 =	vpop (erf);
	v32 =	vmul.f32 $1.442695020e+00, v47  }
0x12d: {  	v50 =	vpop (erf);
	(erf) = vpow2.f32 v16  }
0x12e: {  	v16 =	vpop (erf);
	(erf) = vpow2.f32 v32;
	_ =	sdelay $0x1  }
0x12f: {  	v51 =	vnsel vm0, $0x0, v50;
	v52 =	vpop (erf)  }
0x130: {  	(xrf2) =	vadd.scan.msk.f32 $0xffff, v51;
	v38 =	vnsel vm0, $0x0, v52  }
0x131: {  	v53, _, _ =	vpop (xrf2);
	(xrf2) =	vadd.scan.msk.f32 $0xffff, v38  }
0x132: {  	v54, v55, _ =	vpop (xrf1);
	v39 =	vbroadcast v53, $0xF  }
0x133: {  	v58 =	vadd.s32 s6, v4;
	v56 =	vpop (erf);
	v41 =	vmul.f32 $1.442695020e+00, v54  }
0x134: {  	v57 =	vnsel vm0, $0x0, v56;
	(erf) = vrcp.f32 v39  }
0x135: {  	v60 =	vadd.s32 s7, v4;
	(xrf2) =	vadd.scan.msk.f32 $0xffff, v57;
	(erf) = vpow2.f32 v41;
	v59 =	vpop (erf)  }
0x136: {  	v14 =	vmul.f32 v27, v14;
	v43 =	vnsel vm0, $0x0, v59;
	v61 =	vpop (erf)  }
0x137: {  	v62 =	vadd.s32 s1, v4;
	(xrf2) =	vadd.scan.msk.f32 $0xffff, v43;
	v27 =	vnsel vm0, $0x0, v61  }
0x138: {  	[tilespmem:v58+s18+$0x0] =	vst.idx.msk $0xff, v14;
	v14 =	vmul.f32 v28, v19;
	(xrf2) =	vadd.scan.msk.f32 $0xffff, v27  }
0x139: {  	[tilespmem:v58+s19+$0x0] =	vst.idx.msk $0xff, v7;
	v7 =	vadd.s32 s5, v4  }
0x13a: {  	[tilespmem:v60+s18+$0x0] =	vst.idx.msk $0xff, v14;
	v14 =	vmul.f32 v23, v20;
	v16 =	vnsel vm0, $0x0, v16;
	v63, _, _ =	vpop (xrf2)  }
0x13b: {  	[tilespmem:v60+s19+$0x0] =	vst.idx.msk $0xff, v10;
	v19, _, _ =	vpop (xrf2);
	(xrf2) =	vadd.scan.msk.f32 $0xffff, v16  }
0x13c: {  	v11 =	vmul.f32 v31, v11;
	[tilespmem:v62+s18+$0x0] =	vst.idx.msk $0xff, v14;
	v14 =	vadd.s32 s26, v4  }
0x13d: {  	v10 =	vadd.s32 s30, v4;
	[tilespmem:v62+s19+$0x0] =	vst.idx.msk $0xff, v9;
	v19 =	vbroadcast v19, $0xF;
	v20 =	vpop (erf)  }
0x13e: {  	[tilespmem:v7+s18+$0x0] =	vst.idx.msk $0xff, v11;
	v11 =	vadd.s32 s31, v4;
	v23 =	vpop (erf)  }
0x13f: {  	[tilespmem:v7+s19+$0x0] =	vst.idx.msk $0xff, v5;
	v5 =	vmul.f32 v40, v22;
	v9, _, _ =	vpop (xrf2);
	(erf) = vrcp.f32 v19;
	v23 =	vnsel vm0, $0x0, v23  }
0x140: {  	v9 =	vbroadcast v9, $0xF;
	v19 =	vmul.f32 v29, v25;
	(xrf2) =	vadd.scan.msk.f32 $0xffff, v23  }
0x141: {  	[tilespmem:v14+s18+$0x0] =	vst.idx.msk $0xff, v5;
	v5 =	vmul.f32 v34, v13;
	v7, _, _ =	vpop (xrf2)  }
0x142: {  	(erf) = vrcp.f32 v9;
	v9 =	vadd.s32 s28, v4;
	[tilespmem:v10+s18+$0x0] =	vst.idx.msk $0xff, v19;
	v19 =	vbroadcast v63, $0xF;
	v13, _, _ =	vpop (xrf2)  }
0x143: {  	[tilespmem:v10+s19+$0x0] =	vst.idx.msk $0xff, v12;
	v10 =	vbroadcast v13, $0xF  }
0x144: {  	[tilespmem:v11+s18+$0x0] =	vst.idx.msk $0xff, v5;
	v5 =	vadd.s32 s9, v4;
	(erf) = vrcp.f32 v19;
	v7 =	vbroadcast v7, $0xF  }
0x145: {  	[tilespmem:v11+s19+$0x0] =	vst.idx.msk $0xff, v6;
	v6 =	vmul.f32 v49, v26;
	v11, _, _ =	vpop (xrf2);
	(erf) = vrcp.f32 v10  }
0x146: {  	v10 =	vbroadcast v11, $0xF  }
0x147: {  	[tilespmem:v9+s18+$0x0] =	vst.idx.msk $0xff, v6;
	v6 =	vmul.f32 v20, v15  }
0x148: {  	[tilespmem:v14+s19+$0x0] =	vst.idx.msk $0xff, v8;
	v8 =	vadd.s32 s10, v4;
	(erf) = vrcp.f32 v7;
	v7 =	vpop (erf)  }
0x149: {  	[tilespmem:v5+s18+$0x0] =	vst.idx.msk $0xff, v6;
	v6 =	vmul.f32 v7, v38  }
0x14a: {  	[tilespmem:v9+s19+$0x0] =	vst.idx.msk $0xff, v21;
	v9 =	vadd.s32 s16, v4;
	(erf) = vrcp.f32 v10;
	v10, _, _ =	vpop (xrf2)  }
0x14b: {  	v7 =	vbroadcast v10, $0xF  }
0x14c: {  	[tilespmem:v5+s19+$0x0] =	vst.idx.msk $0xff, v24;
	v5 =	vpop (erf);
	v10 =	vadd.s32 s8, v4  }
0x14d: {  	v5 =	vmul.f32 v5, v57;
	[tilespmem:v8+s18+$0x0] =	vst.idx.msk $0xff, v6;
	v6 =	vpop (erf);
	(erf) = vrcp.f32 v7  }
0x14e: {  	[tilespmem:v8+s19+$0x0] =	vst.idx.msk $0xff, v33;
	v7 =	vadd.s32 s3, v4;
	v8 =	vpop (erf)  }
0x14f: {  	[tilespmem:v9+s18+$0x0] =	vst.idx.msk $0xff, v5;
	v5 =	vmul.f32 v6, v51;
	v6 =	vadd.s32 s29, v4;
	v8 =	vmul.f32 v8, v27  }
0x150: {  	[tilespmem:v9+s19+$0x0] =	vst.idx.msk $0xff, v37  }
0x151: {  	[tilespmem:v10+s18+$0x0] =	vst.idx.msk $0xff, v5;
	v5 =	vadd.s32 s4, v4;
	v9 =	vpop (erf)  }
0x152: {  	[tilespmem:v10+s19+$0x0] =	vst.idx.msk $0xff, v18;
	v9 =	vmul.f32 v9, v43  }
0x153: {  	[tilespmem:v7+s18+$0x0] =	vst.idx.msk $0xff, v8;
	v8 =	vpop (erf)  }
0x154: {  	[tilespmem:v6+s18+$0x0] =	vst.idx.msk $0xff, v9;
	v9 =	vadd.s32 s0, v4;
	v8 =	vmul.f32 v8, v16  }
0x155: {  	[tilespmem:v7+s19+$0x0] =	vst.idx.msk $0xff, v48  }
0x156: {  	v7 =	vpop (erf);
	[tilespmem:v5+s18+$0x0] =	vst.idx.msk $0xff, v8  }
0x157: {  	[tilespmem:v5+s19+$0x0] =	vst.idx.msk $0xff, v17;
	v5 =	vmul.f32 v7, v23  }
0x158: {  	[tilespmem:v6+s19+$0x0] =	vst.idx.msk $0xff, v30  }
0x159: {  	[tilespmem:v9+s18+$0x0] =	vst.idx.msk $0xff, v5  }
0x15a: {  	[tilespmem:v9+s19+$0x0] =	vst.idx.msk $0xff, v55  }
0x15b: {  	s16 =	simm.s32 $0x0;
	s17 =	rddreg [dreg:$0x6]  }
0x15c: {  	[hbm4b:s17+s16] =	stream.linear.scatter [tilespmem:s18], [sflag:$0x3], $0x800, $0x38;
	[tilespmem:$0x12000] =	vst v63  }
0x15d: {  	s18 =	rddreg [dreg:$0x7]  }
0x15e: {  	[hbm4b:s18+s16] =	stream.linear.scatter [tilespmem:s19], [sflag:$0x3], $0x800, $0x38;
	[tilespmem:$0x12000] =	vst v63  }
0x15f: {  	s19 =	rddreg [dreg:$0x8]  }
0x160: {  	[tilespmem:s16], [sflag:$0x1] =	stream.linear.gather [hbm4b:s19+s16], $0x8000, $0x38;
	[tilespmem:$0x12000] =	vst v63  }
0x161: {  	_ =	swait.ge [sflag:s22], $0x8000  }
0x162: {  	[sflag:s22] =	ssyncset.done $0x0  }
0x163: {  	s20 =	simm.s32 $0x83B0;
	[sflag:s22] =	ssyncadd.s32 $0xFFFF8000  }
0x164: {  	v5 =	vld [tilespmem:s20+$0x0]  }
0x165: {  	v6 =	vld [tilespmem:s20+$0xFFFFFFF0];
	_ =	sdelay $0x2  }
0x166: {  	v7 =	vld [tilespmem:s20+$0xFFFFFFD0]  }
0x167: {  	v8 =	vld [tilespmem:s20+$0xFFFFFFE0];
	(xrf1) =	vsort.ascd.msk.f32 $0xffff, v5, v3  }
0x168: {  	v9 =	vld [tilespmem:s20+$0xFFFFFF80];
	(xrf1) =	vsort.dscd.msk.f32 $0xffff, v6, v2  }
0x169: {  	v5 =	vld [tilespmem:s20+$0xFFFFFF50]  }
0x16a: {  	v6 =	vld [tilespmem:s20+$0xFFFFFF70]  }
0x16b: {  	v10 =	vld [tilespmem:s20+$0xFFFFFF00];
	(xrf1) =	vsort.dscd.msk.f32 $0xffff, v7, v0  }
0x16c: {  	v7 =	vld [tilespmem:s20+$0xFFFFFEF0];
	(xrf1) =	vsort.ascd.msk.f32 $0xffff, v8, v1  }
0x16d: {  	(xrf1) =	vsort.ascd.msk.f32 $0xffff, v9, v3  }
0x16e: {  	(xrf1) =	vsort.dscd.msk.f32 $0xffff, v5, v0  }
0x16f: {  	(xrf1) =	vsort.dscd.msk.f32 $0xffff, v6, v2  }
0x170: {  	v5 =	vld [tilespmem:s20+$0xFFFFFEE0];
	(xrf1) =	vsort.ascd.msk.f32 $0xffff, v10, v3  }
0x171: {  	v6 =	vld [tilespmem:s20+$0xFFFFFED0];
	(xrf1) =	vsort.dscd.msk.f32 $0xffff, v7, v2  }
0x172: {  	v7 =	vld [tilespmem:s20+$0xFFFFFE00]  }
0x173: {  	v8 =	vld [tilespmem:s20+$0xFFFFFDE0];
	_ =	sdelay $0x1  }
0x174: {  	v10 =	vld [tilespmem:s20+$0xFFFFFE60];
	(xrf1) =	vsort.ascd.msk.f32 $0xffff, v5, v1;
	v5, v9, _ =	vpop (xrf1)  }
0x175: {  	v11 =	vld [tilespmem:s20+$0xFFFFFE50];
	(xrf1) =	vsort.dscd.msk.f32 $0xffff, v6, v0;
	v6, v13, _ =	vpop (xrf1)  }
0x176: {  	v12 =	vld [tilespmem:s20+$0xFFFFFD80];
	(xrf1) =	vsort.ascd.msk.f32 $0xffff, v7, v3;
	v9 =	vsel vm0, v13, v9  }
0x177: {  	v7 =	vld [tilespmem:s20+$0xFFFFFDF0];
	(xrf1) =	vsort.ascd.msk.f32 $0xffff, v8, v1;
	v14 =	vsel vm0, v6, v5  }
0x178: {  	v13 =	vld [tilespmem:s20+$0xFFFFFD70];
	v6, v5, _ =	vpop (xrf1);
	(xrf1) =	vsort.ascd.msk.f32 $0xffff, v14, v9  }
0x179: {  	v14 =	vld [tilespmem:s20+$0xFFFFFCE0];
	(xrf1) =	vsort.ascd.msk.f32 $0xffff, v10, v1;
	v9, v8, _ =	vpop (xrf1)  }
0x17a: {  	(xrf1) =	vsort.dscd.msk.f32 $0xffff, v11, v0;
	v16, v17, _ =	vpop (xrf1)  }
0x17b: {  	(xrf1) =	vsort.ascd.msk.f32 $0xffff, v12, v3;
	v11, v18, _ =	vpop (xrf1)  }
0x17c: {  	v10 =	vld [tilespmem:s20+$0xFFFFFF60];
	(xrf1) =	vsort.dscd.msk.f32 $0xffff, v7, v2;
	v19, v20, _ =	vpop (xrf1)  }
0x17d: {  	(xrf1) =	vsort.dscd.msk.f32 $0xffff, v13, v2;
	v15, v21, _ =	vpop (xrf1)  }
0x17e: {  	v12 =	vld [tilespmem:s20+$0xFFFFFDD0];
	(xrf1) =	vsort.ascd.msk.f32 $0xffff, v14, v1;
	v14, v22, _ =	vpop (xrf1)  }
0x17f: {  	v7 =	vld [tilespmem:s20+$0xFFFFFD50];
	v14 =	vsel vm0, v14, v15;
	v15 =	vsel vm0, v22, v21  }
0x180: {  	v13 =	vld [tilespmem:s20+$0xFFFFFD60]  }
0x181: {  	(xrf1) =	vsort.ascd.msk.f32 $0xffff, v10, v1  }
0x182: {  	(xrf1) =	vsort.ascd.msk.f32 $0xffff, v14, v15  }
0x183: {  	v23 =	vld [tilespmem:s20+$0xFFFFFCF0];
	(xrf1) =	vsort.dscd.msk.f32 $0xffff, v12, v0;
	v14, v15, _ =	vpop (xrf1)  }
0x184: {  	(xrf1) =	vsort.dscd.msk.f32 $0xffff, v7, v0;
	v21, v22, _ =	vpop (xrf1)  }
0x185: {  	v10 =	vld [tilespmem:s20+$0xFFFFFC80];
	(xrf1) =	vsort.ascd.msk.f32 $0xffff, v13, v1;
	v13 =	vsel vm0, v21, v14  }
0x186: {  	v12 =	vld [tilespmem:s20+$0xFFFFFC50]  }
0x187: {  	v7 =	vld [tilespmem:s20+$0xFFFFFC60];
	v25, v26, _ =	vpop (xrf1)  }
0x188: {  	v24 =	vld [tilespmem:s20+$0xFFFFFD00];
	v14 =	vsel vm0, v22, v15;
	(xrf1) =	vsort.dscd.msk.f32 $0xffff, v23, v2;
	v22, v23, _ =	vpop (xrf1)  }
0x189: {  	v21 =	vld [tilespmem:s20+$0xFFFFFC70];
	(xrf1) =	vsort.dscd.msk.f32 $0xffff, v13, v14;
	v15, v13, _ =	vpop (xrf1)  }
0x18a: {  	v14 =	vld [tilespmem:s20+$0xFFFFFCD0];
	(xrf1) =	vsort.ascd.msk.f32 $0xffff, v10, v3;
	v10, v27, _ =	vpop (xrf1)  }
0x18b: {  	(xrf1) =	vsort.dscd.msk.f32 $0xffff, v12, v0;
	v12, v28, _ =	vpop (xrf1)  }
0x18c: {  	(xrf1) =	vsort.ascd.msk.f32 $0xffff, v7, v1;
	v29, v30, _ =	vpop (xrf1)  }
0x18d: {  	v7 =	vld [tilespmem:s20+$0xFFFFFE80];
	(xrf1) =	vsort.ascd.msk.f32 $0xffff, v24, v3;
	v24, v31, _ =	vpop (xrf1)  }
0x18e: {  	(xrf1) =	vsort.dscd.msk.f32 $0xffff, v21, v2;
	v21, v42, _ =	vpop (xrf1)  }
0x18f: {  	(xrf1) =	vsort.dscd.msk.f32 $0xffff, v14, v0;
	v14, v43, _ =	vpop (xrf1)  }
0x190: {  	v44, v45, _ =	vpop (xrf1)  }
0x191: {  	v17 =	vsel vm0, v20, v17;
	v11 =	vsel vm0, v11, v44  }
0x192: {  	v16 =	vsel vm0, v19, v16;
	(xrf1) =	vsort.ascd.msk.f32 $0xffff, v7, v3;
	v19, v20, _ =	vpop (xrf1);
	v7 =	vsel vm0, v18, v45  }
0x193: {  	v18, v35, _ =	vpop (xrf1)  }
0x194: {  	(xrf1) =	vsort.ascd.msk.f32 $0xffff, v16, v17;
	v16 =	vld [tilespmem:s20+$0xFFFFFE70];
	v17, v46, _ =	vpop (xrf1)  }
0x195: {  	(xrf1) =	vsort.dscd.msk.f32 $0xffff, v11, v7;
	v18 =	vsel vm0, v18, v22;
	v22 =	vsel vm0, v35, v23;
	v7, v11, _ =	vpop (xrf1)  }
0x196: {  	(xrf1) =	vsort.dscd.msk.f32 $0xffff, v18, v22;
	v22 =	vsel vm0, v24, v25;
	v47, v48, _ =	vpop (xrf1)  }
0x197: {  	v21 =	vsel vm0, v21, v29;
	v18 =	vsel vm0, v31, v26;
	v23, v35, _ =	vpop (xrf1)  }
0x198: {  	v11 =	vsel vm0, v46, v11;
	v49, v50, _ =	vpop (xrf1)  }
0x199: {  	v25 =	vsel vm0, v42, v30;
	(xrf1) =	vsort.dscd.msk.f32 $0xffff, v16, v2;
	v7 =	vsel vm0, v17, v7;
	v16, v24, _ =	vpop (xrf1)  }
0x19a: {  	(xrf1) =	vsort.ascd.msk.f32 $0xffff, v22, v18;
	v18, v22, _ =	vpop (xrf1)  }
0x19b: {  	(xrf1) =	vsort.ascd.msk.f32 $0xffff, v21, v25;
	v17, v21, _ =	vpop (xrf1)  }
0x19c: {  	(xrf1) =	vsort.dscd.msk.f32 $0xffff, v7, v11;
	v7, v11, _ =	vpop (xrf1)  }
0x19d: {  	v19 =	vsel vm0, v23, v19;
	v20 =	vsel vm0, v35, v20;
	v17 =	vsel vm0, v47, v17;
	v23, v25, _ =	vpop (xrf1)  }
0x19e: {  	(xrf1) =	vsort.dscd.msk.f32 $0xffff, v19, v20;
	v14 =	vsel vm0, v23, v14  }
0x19f: {  	v21 =	vsel vm0, v48, v21;
	v11 =	vsel vm0, v11, v50;
	v19 =	vsel vm0, v25, v43  }
0x1a0: {  	(xrf1) =	vsort.ascd.msk.f32 $0xffff, v17, v21;
	v7 =	vsel vm0, v7, v49  }
0x1a1: {  	(xrf1) =	vsort.dscd.msk.f32 $0xffff, v14, v19;
	v14, v17, _ =	vpop (xrf1)  }
0x1a2: {  	v19, v20, _ =	vpop (xrf1)  }
0x1a3: {  	(xrf1) =	vsort.ascd.msk.f32 $0xffff, v7, v11;
	v7, v11, _ =	vpop (xrf1)  }
0x1a4: {  	v11 =	vsel vm0, v11, v20  }
0x1a5: {  	v16 =	vsel vm0, v16, v18;
	v18 =	vsel vm0, v24, v22;
	v7 =	vsel vm0, v7, v19  }
0x1a6: {  	(xrf1) =	vsort.dscd.msk.f32 $0xffff, v16, v18  }
0x1a7: {  	(xrf1) =	vsort.dscd.msk.f32 $0xffff, v7, v11  }
0x1a8: {  	v7, v11, _ =	vpop (xrf1)  }
0x1a9: {  	v16, v18, _ =	vpop (xrf1)  }
0x1aa: {  	v19, v20, _ =	vpop (xrf1)  }
0x1ab: {  	v7 =	vsel vm0, v7, v19;
	v11 =	vsel vm0, v11, v20  }
0x1ac: {  	v10 =	vsel vm0, v12, v10  }
0x1ad: {  	v12 =	vsel vm0, v28, v27;
	v19, v20, _ =	vpop (xrf1);
	(xrf1) =	vsort.dscd.msk.f32 $0xffff, v7, v11  }
0x1ae: {  	v14 =	vsel vm0, v16, v14;
	v16 =	vsel vm0, v18, v17;
	(xrf1) =	vsort.dscd.msk.f32 $0xffff, v10, v12;
	v11, v21, _ =	vpop (xrf1)  }
0x1af: {  	(xrf1) =	vsort.ascd.msk.f32 $0xffff, v14, v16;
	v10, v7, _ =	vpop (xrf1);
	v11 =	vsel vm0, v11, v19;
	v14 =	vsel vm0, v21, v20  }
0x1b0: {  	v12, v17, _ =	vpop (xrf1);
	(xrf1) =	vsort.dscd.msk.f32 $0xffff, v11, v14  }
0x1b1: {  	s11 =	simm.s32 $0x87B0;
	v5 =	vsel vm0, v5, v8;
	v18, v19, _ =	vpop (xrf1)  }
0x1b2: {  	v6 =	vsel vm0, v6, v9;
	v16 =	vld [tilespmem:s11+$0x0];
	v12 =	vsel vm0, v18, v12;
	v14 =	vsel vm0, v19, v17  }
0x1b3: {  	v11 =	vld [tilespmem:s11+$0xFFFFFFF0];
	v8 =	vmul.f32 $1.442695020e+00, v10;
	v9, v10, _ =	vpop (xrf1);
	(xrf1) =	vsort.dscd.msk.f32 $0xffff, v12, v14  }
0x1b4: {  	v17, v18, _ =	vpop (xrf1)  }
0x1b5: {  	v12 =	vld [tilespmem:s11+$0xFFFFFFD0];
	(xrf1) =	vsort.dscd.msk.f32 $0xffff, v6, v5;
	v6, v5, _ =	vpop (xrf1)  }
0x1b6: {  	v14 =	vld [tilespmem:s11+$0xFFFFFFE0];
	v6 =	vmul.f32 $1.442695020e+00, v6  }
0x1b7: {  	(erf) = vpow2.f32 v8;
	v8 =	vld [tilespmem:s11+$0xFFFFFF80];
	(xrf1) =	vsort.ascd.msk.f32 $0xffff, v16, v3  }
0x1b8: {  	v9 =	vsel vm0, v17, v9;
	v10 =	vsel vm0, v18, v10;
	(xrf1) =	vsort.dscd.msk.f32 $0xffff, v11, v2  }
0x1b9: {  	(xrf1) =	vsort.dscd.msk.f32 $0xffff, v9, v10  }
0x1ba: {  	v11 =	vld [tilespmem:s11+$0xFFFFFF50];
	(erf) = vpow2.f32 v6;
	(xrf1) =	vsort.dscd.msk.f32 $0xffff, v12, v0  }
0x1bb: {  	v9 =	vld [tilespmem:s11+$0xFFFFFF70];
	(xrf1) =	vsort.ascd.msk.f32 $0xffff, v14, v1;
	v10, v6, _ =	vpop (xrf1)  }
0x1bc: {  	v12 =	vld [tilespmem:s11+$0xFFFFFF00];
	(xrf1) =	vsort.ascd.msk.f32 $0xffff, v8, v3;
	v8, v14, _ =	vpop (xrf1)  }
0x1bd: {  	v16 =	vmul.f32 $1.442695020e+00, v10;
	v17, v18, _ =	vpop (xrf1)  }
0x1be: {  	v21, v10, _ =	vpop (xrf1)  }
0x1bf: {  	(xrf1) =	vsort.dscd.msk.f32 $0xffff, v11, v0;
	v11 =	vld [tilespmem:s11+$0xFFFFFEF0];
	(erf) = vpow2.f32 v16;
	v8 =	vsel vm0, v8, v17;
	v17 =	vmul.f32 $1.442695020e+00, v21  }
0x1c0: {  	v19 =	vld [tilespmem:s11+$0xFFFFFEE0];
	(xrf1) =	vsort.dscd.msk.f32 $0xffff, v9, v2  }
0x1c1: {  	(xrf1) =	vsort.ascd.msk.f32 $0xffff, v12, v3;
	v12, v9, _ =	vpop (xrf1)  }
0x1c2: {  	v20 =	vpop (erf);
	v16 =	vld [tilespmem:s11+$0xFFFFFED0];
	v14 =	vsel vm0, v14, v18;
	v12 =	vmul.f32 $1.442695020e+00, v12  }
0x1c3: {  	v18 =	vld [tilespmem:s11+$0xFFFFFE00];
	(xrf1) =	vsort.dscd.msk.f32 $0xffff, v8, v14;
	v22 =	vpop (erf);
	(erf) = vpow2.f32 v17  }
0x1c4: {  	(xrf1) =	vsort.dscd.msk.f32 $0xffff, v11, v2;
	v32, v17, _ =	vpop (xrf1)  }
0x1c5: {  	v23 =	vld [tilespmem:s11+$0xFFFFFDE0];
	(xrf1) =	vsort.ascd.msk.f32 $0xffff, v19, v1;
	v11, v19, _ =	vpop (xrf1)  }
0x1c6: {  	(erf) = vpow2.f32 v12;
	v12, v24, _ =	vpop (xrf1)  }
0x1c7: {  	v26 =	vld [tilespmem:s11+$0xFFFFFE60];
	(xrf1) =	vsort.dscd.msk.f32 $0xffff, v16, v0;
	v16, v8, _ =	vpop (xrf1)  }
0x1c8: {  	s21 =	simm.s32 $0x0;
	s2 =	simm.s32 $0x2;
	s23 =	simm.s32 $0x0;
	v51 =	vld [tilespmem:s11+$0xFFFFFCE0];
	v14 =	vnsel vm0, $0x0, v20;
	(xrf1) =	vsort.ascd.msk.f32 $0xffff, v18, v3;
	v11 =	vsel vm0, v12, v11;
	v12 =	vsel vm0, v24, v19;
	v19 =	vpop (erf)  }
0x1c9: {  	s24 =	simm.s32 $0x7;
	s25 =	simm.s32 $0x3;
	s15 =	simm.s32 $0x9;
	v29 =	vld [tilespmem:s11+$0xFFFFFE50];
	(xrf2) =	vadd.scan.msk.f32 $0xffff, v14;
	v18, v28, _ =	vpop (xrf1)  }
0x1ca: {  	s2 =	sand.u32 $0x7A, s2;
	s14 =	sand.u32 $0x7B, s25;
	s7 =	simm.s32 $0x5;
	v52 =	vld [tilespmem:s11+$0xFFFFFDD0];
	(xrf1) =	vsort.ascd.msk.f32 $0xffff, v23, v1;
	v20, v23, _ =	vpop (xrf1)  }
0x1cb: {  	s5 =	sand.u32 $0x7D, s7;
	s10 =	simm.s32 $0x6;
	s9 =	simm.s32 $0x4;
	v30 =	vld [tilespmem:s11+$0xFFFFFD80];
	v33, v34, _ =	vpop (xrf1);
	(xrf1) =	vsort.ascd.msk.f32 $0xffff, v11, v12  }
0x1cc: {  	s12 =	sand.u32 $0x7E, s10;
	s13 =	sand.u32 $0x7C, s9;
	s3 =	sand.u32 $0xFFFFFC00, s23;
	v12 =	vld [tilespmem:s11+$0xFFFFFDF0];
	v11 =	vnsel vm0, $0x0, v22;
	v35 =	vpop (erf);
	(xrf1) =	vsort.ascd.msk.f32 $0xffff, v26, v1  }
0x1cd: {  	s6 =	sor.u32 s3, s5;
	s7 =	sor.u32 s3, s2;
	s30 =	sor.u32 s3, s13;
	v31 =	vld [tilespmem:s11+$0xFFFFFD70];
	v24, v25, _ =	vpop (xrf1);
	(xrf2) =	vadd.scan.msk.f32 $0xffff, v11  }
0x1ce: {  	s5 =	sor.u32 s3, s12;
	s31 =	sor.u32 s3, s14;
	s14 =	simm.s32 $0xE;
	v54 =	vld [tilespmem:s11+$0xFFFFFD60];
	(xrf1) =	vsort.dscd.msk.f32 $0xffff, v29, v0;
	v29, v38, _ =	vpop (xrf1)  }
0x1cf: {  	s12 =	simm.s32 $0x8;
	s23 =	sand.u32 $0x7E, s14;
	s4 =	sand.u32 $0x7F, s24;
	v27 =	vld [tilespmem:s11+$0xFFFFFF60];
	v37 =	vpop (erf)  }
0x1d0: {  	s28 =	sor.u32 s3, s4;
	s0 =	sand.u32 $0x78, s21;
	s21 =	simm.s32 $0xC;
	v56 =	vld [tilespmem:s11+$0xFFFFFD50];
	(xrf1) =	vsort.ascd.msk.f32 $0xffff, v30, v3;
	v30, v53, _ =	vpop (xrf1)  }
0x1d1: {  	s26 =	sor.u32 s0, s3;
	s0 =	sand.u32 $0x79, s15;
	s17 =	simm.s32 $0x40;
	v61 =	vld [tilespmem:s11+$0xFFFFFCF0];
	(xrf1) =	vsort.dscd.msk.f32 $0xffff, v12, v2;
	v55, v12, _ =	vpop (xrf1)  }
0x1d2: {  	s24 =	sand.u32 $0x7C, s21;
	s13 =	sand.u32 $0xFFFFFC00, s17;
	s18 =	simm.s32 $0xF;
	v36 =	vld [tilespmem:s11+$0xFFFFFC70];
	(xrf1) =	vsort.dscd.msk.f32 $0xffff, v31, v2;
	v57, v58, _ =	vpop (xrf1)  }
0x1d3: {  	s8 =	sor.u32 s13, s23;
	s4 =	sand.u32 $0x7F, s18;
	s16 =	simm.s32 $0xA;
	v40 =	vld [tilespmem:s11+$0xFFFFFC60];
	v31 =	vsel vm0, v17, v13;
	(xrf1) =	vsort.ascd.msk.f32 $0xffff, v51, v1;
	v60, v59, _ =	vpop (xrf1)  }
0x1d4: {  	s19 =	simm.s32 $0xB;
	s2 =	sand.u32 $0x7A, s16;
	s16 =	sor.u32 s13, s0;
	v41 =	vld [tilespmem:s11+$0xFFFFFC50];
	v16 =	vmul.f32 $1.442695020e+00, v16;
	v62 =	vsel vm0, v57, v30;
	v39 =	vsel vm0, v58, v53;
	(xrf1) =	vsort.ascd.msk.f32 $0xffff, v27, v1;
	v27, _, _ =	vpop (xrf2)  }
0x1d5: {  	s25 =	sand.u32 $0x7B, s19;
	s0 =	sor.u32 s13, s4;
	s10 =	sor.u32 s13, s2;
	v21 =	vld [tilespmem:s11+$0xFFFFFE80];
	v17 =	vsel vm0, v18, v20;
	v18 =	vsel vm0, v28, v23;
	(xrf1) =	vsort.ascd.msk.f32 $0xffff, v62, v39;
	v23, v63, _ =	vpop (xrf1)  }
0x1d6: {  	s4 =	sor.u32 s13, s25;
	s25 =	simm.s32 $0x11800;
	s22 =	simm.s32 $0x1;
	v22 =	vld [tilespmem:s11+$0xFFFFFE70];
	v13 =	vnsel vm0, $0x0, v19;
	v19 =	vnsel vm0, $0x0, v35;
	v28 =	vsel vm0, v29, v33;
	(xrf1) =	vsort.dscd.msk.f32 $0xffff, v52, v0;
	v33, v35, _ =	vpop (xrf1)  }
0x1d7: {  	s1 =	sand.u32 $0x79, s22;
	s22 =	sand.u32 $0x78, s12;
	s20 =	simm.s32 $0xD;
	v42 =	vsel vm0, v32, v15;
	(erf) = vpow2.f32 v16;
	v26 =	vld [tilespmem:s11+$0xFFFFFD00];
	(xrf1) =	vsort.dscd.msk.f32 $0xffff, v56, v0;
	v32 =	vsel vm0, v23, v60;
	v23, _, _ =	vpop (xrf2)  }
0x1d8: {  	s1 =	sor.u32 s3, s1;
	s29 =	sor.u32 s22, s13;
	s3 =	sand.u32 $0x7D, s20;
	v29 =	vsel vm0, v38, v34;
	v34 =	vmul.f32 $1.442695020e+00, v55;
	v20 =	vnsel vm0, $0x0, v37;
	v39 =	vld [tilespmem:s11+$0xFFFFFC80];
	v38, v37, _ =	vpop (xrf1);
	(xrf1) =	vsort.ascd.msk.f32 $0xffff, v54, v1  }
0x1d9: {  	s22 =	simm.s32 $0x10800;
	s9 =	sor.u32 s13, s3;
	s3 =	sor.u32 s13, s24;
	v30 =	vld [tilespmem:s11+$0xFFFFFCD0];
	v27 =	vbroadcast v27, $0xF;
	v43 =	vsel vm0, v63, v59;
	v23 =	vbroadcast v23, $0xF;
	(xrf1) =	vsort.dscd.msk.f32 $0xffff, v61, v2;
	v15, v16, _ =	vpop (xrf1)  }
.LBB2_4:
0x1da: {  	s2 =	sadd.s32 $0x9, s12  }
0x1db: {  	s13 =	sadd.s32 $0xA, s12;
	v44, v45, _ =	vpop (xrf1);
	(xrf1) =	vsort.dscd.msk.f32 $0xffff, v42, v31;
	s14 =	smov.u32 s12;
	s12 =	sadd.s32 $0x8, s12  }
0x1dc: {  	s15 =	sshll.u32 s12, $0x3;
	s17 =	sadd.s32 $0xF, s14;
	p0 =	slt.u32 s12, $0xF8;
	v31, v42, _ =	vpop (xrf1);
	(xrf1) =	vsort.dscd.msk.f32 $0xffff, v32, v43  }
0x1dd: {  	s18 =	sadd.s32 $0xB, s14;
	s19 =	sadd.s32 $0xD, s14;
	s15 =	sand.u32 $0xFFFFFC00, s15;
	v31 =	vsel vm0, v31, v44;
	v32 =	vsel vm0, v42, v45;
	(xrf1) =	vsort.ascd.msk.f32 $0xffff, v39, v3  }
0x1de: {  	s2 =	sand.u32 $0x79, s2;
	s13 =	sand.u32 $0x7A, s13;
	s20 =	sadd.s32 $0xC, s14;
	v39, v42, _ =	vpop (xrf1)  }
0x1df: {  	s21 =	sand.u32 $0x78, s12;
	s23 =	sadd.s32 $0xE, s14;
	s19 =	sand.u32 $0x7D, s19;
	v43, v44, _ =	vpop (xrf1)  }
0x1e0: {  	s14 =	sor.u32 s21, s15;
	s2 =	sor.u32 s15, s2;
	s21 =	sand.u32 $0x7E, s23;
	(xrf1) =	vsort.dscd.msk.f32 $0xffff, v41, v0;
	v41, v45, _ =	vpop (xrf1)  }
0x1e1: {  	s20 =	sand.u32 $0x7C, s20;
	s24 =	sor.u32 s15, s19;
	s19 =	sand.u32 $0x7F, s17;
	(xrf1) =	vsort.ascd.msk.f32 $0xffff, v40, v1;
	v40, v46, _ =	vpop (xrf1)  }
0x1e2: {  	s23 =	sor.u32 s15, s13;
	s17 =	sor.u32 s15, s20;
	s20 =	sor.u32 s15, s21;
	v47 =	vpop (erf);
	(xrf2) =	vadd.scan.msk.f32 $0xffff, v19  }
0x1e3: {  	s18 =	sand.u32 $0x7B, s18;
	s13 =	sor.u32 s15, s19;
	v39 =	vsel vm0, v41, v39;
	v41 =	vsel vm0, v45, v42;
	(xrf1) =	vsort.ascd.msk.f32 $0xffff, v26, v3;
	v42, v45, _ =	vpop (xrf1);
	v26 =	vnsel vm0, $0x0, v47  }
0x1e4: {  	s15 =	sor.u32 s15, s18;
	(xrf1) =	vsort.dscd.msk.f32 $0xffff, v36, v2;
	v36, v47, _ =	vpop (xrf1);
	(erf) = vpow2.f32 v34  }
0x1e5: {  	v25 =	vsel vm0, v25, v45;
	(xrf1) =	vsort.dscd.msk.f32 $0xffff, v30, v0;
	v30, v34, _ =	vpop (xrf1)  }
0x1e6: {  	v35 =	vsel vm0, v44, v35;
	v42 =	vsel vm0, v24, v42;
	v44, v45, _ =	vpop (xrf1);
	(xrf2) =	vadd.scan.msk.f32 $0xffff, v20  }
0x1e7: {  	v33 =	vsel vm0, v43, v33;
	v43, v48, _ =	vpop (xrf1)  }
0x1e8: {  	v30 =	vsel vm0, v30, v38;
	v34 =	vsel vm0, v34, v37;
	v37, v38, _ =	vpop (xrf1);
	(xrf1) =	vsort.ascd.msk.f32 $0xffff, v21, v3  }
0x1e9: {  	(xrf1) =	vsort.ascd.msk.f32 $0xffff, v28, v29;
	v21, v24, _ =	vpop (xrf1)  }
0x1ea: {  	v28, v29, _ =	vpop (xrf1);
	(xrf1) =	vsort.dscd.msk.f32 $0xffff, v42, v25;
	v42 =	vmul.f32 $1.442695020e+00, v21  }
0x1eb: {  	v25 =	vsel vm0, v28, v36;
	v28 =	vsel vm0, v29, v47;
	v29, v36, _ =	vpop (xrf1);
	(xrf1) =	vsort.dscd.msk.f32 $0xffff, v30, v34;
	(erf) = vrcp.f32 v27  }
0x1ec: {  	(xrf1) =	vsort.dscd.msk.f32 $0xffff, v22, v2;
	v22, _, _ =	vpop (xrf2);
	(erf) = vpow2.f32 v42  }
0x1ed: {  	v27 =	vsel vm0, v44, v43;
	v30 =	vsel vm0, v45, v48;
	(xrf1) =	vsort.ascd.msk.f32 $0xffff, v33, v35;
	v21 =	vpop (erf)  }
0x1ee: {  	v33, v34, _ =	vpop (xrf1);
	v21 =	vnsel vm0, $0x0, v21  }
0x1ef: {  	v22 =	vbroadcast v22, $0xF;
	v35, v42, _ =	vpop (xrf1)  }
0x1f0: {  	(xrf1) =	vsort.ascd.msk.f32 $0xffff, v39, v41;
	v39, _, _ =	vpop (xrf2)  }
0x1f1: {  	v41, v43, _ =	vpop (xrf1);
	(xrf1) =	vsort.dscd.msk.f32 $0xffff, v27, v30;
	v27 =	vbroadcast v39, $0xF  }
0x1f2: {  	v30 =	vsel vm0, v33, v35;
	v33 =	vsel vm0, v34, v42;
	v34 =	vsel vm0, v37, v41;
	v35, v37, _ =	vpop (xrf1);
	(xrf2) =	vadd.scan.msk.f32 $0xffff, v26  }
0x1f3: {  	v42 =	vadd.s32 s6, v4;
	s6 =	smov.u32 s9;
	s9 =	smov.u32 s24;
	v38 =	vsel vm0, v38, v43;
	v39, v41, _ =	vpop (xrf1)  }
0x1f4: {  	v29 =	vsel vm0, v35, v29;
	v35 =	vsel vm0, v37, v36;
	(xrf1) =	vsort.dscd.msk.f32 $0xffff, v25, v28;
	(erf) = vrcp.f32 v22;
	v22 =	vpop (erf)  }
0x1f5: {  	v39 =	vsel vm0, v39, v40;
	v36 =	vsel vm0, v41, v46;
	(xrf1) =	vsort.ascd.msk.f32 $0xffff, v34, v38;
	v25 =	vpop (erf)  }
0x1f6: {  	v14 =	vmul.f32 v22, v14;
	v34, v37, _ =	vpop (xrf1);
	v25 =	vnsel vm0, $0x0, v25;
	(xrf2) =	vadd.scan.msk.f32 $0xffff, v21  }
0x1f7: {  	(xrf1) =	vsort.dscd.msk.f32 $0xffff, v39, v36;
	v22, v28, _ =	vpop (xrf1)  }
0x1f8: {  	(xrf1) =	vsort.ascd.msk.f32 $0xffff, v29, v35;
	v29, v35, _ =	vpop (xrf1);
	[tilespmem:v42+s22+$0x0] =	vst.idx.msk $0xff, v14;
	(erf) = vrcp.f32 v27  }
0x1f9: {  	v14 =	vsel vm0, v29, v22;
	v22 =	vsel vm0, v35, v28;
	v27, v28, _ =	vpop (xrf1);
	[tilespmem:v42+s25+$0x0] =	vst.idx.msk $0xff, v7  }
0x1fa: {  	v7, v29, _ =	vpop (xrf1);
	(xrf2) =	vadd.scan.msk.f32 $0xffff, v13  }
0x1fb: {  	v35 =	vadd.s32 s7, v4;
	s7 =	smov.u32 s10;
	s10 =	smov.u32 s23;
	(xrf1) =	vsort.dscd.msk.f32 $0xffff, v30, v33;
	v30, v33, _ =	vpop (xrf1)  }
0x1fc: {  	(xrf1) =	vsort.dscd.msk.f32 $0xffff, v14, v22;
	v14, _, _ =	vpop (xrf2)  }
0x1fd: {  	v38 =	vsel vm0, v27, v30;
	v36 =	vsel vm0, v28, v33;
	v28 =	vpop (erf);
	(xrf2) =	vadd.scan.msk.f32 $0xffff, v25  }
0x1fe: {  	v30, v33, _ =	vpop (xrf1);
	(xrf1) =	vsort.dscd.msk.f32 $0xffff, v38, v36;
	v36 =	vmul.f32 v28, v19  }
0x1ff: {  	v22, v27, _ =	vpop (xrf1);
	(erf) = vrcp.f32 v23  }
0x200: {  	v28 =	vsel vm0, v29, v37;
	v29 =	vadd.s32 s1, v4;
	s1 =	smov.u32 s16;
	s16 =	smov.u32 s2;
	v23 =	vsel vm0, v7, v34;
	[tilespmem:v35+s22+$0x0] =	vst.idx.msk $0xff, v36;
	v7, _, _ =	vpop (xrf2)  }
0x201: {  	(xrf1) =	vsort.dscd.msk.f32 $0xffff, v31, v32;
	[tilespmem:v35+s25+$0x0] =	vst.idx.msk $0xff, v10;
	v10 =	vbroadcast v7, $0xF;
	v19 =	vpop (erf)  }
0x202: {  	v14 =	vbroadcast v14, $0xF;
	v22 =	vsel vm0, v22, v30;
	v27 =	vsel vm0, v27, v33;
	v30, v7, _ =	vpop (xrf1)  }
0x203: {  	v19 =	vmul.f32 v19, v20;
	v31, v32, _ =	vpop (xrf1);
	(xrf1) =	vsort.ascd.msk.f32 $0xffff, v23, v28  }
0x204: {  	s11 =	sadd.s32 $0x400, s11;
	v20 =	vmul.f32 $1.442695020e+00, v30;
	v23, _, _ =	vpop (xrf2);
	(erf) = vrcp.f32 v10  }
0x205: {  	v28, v30, _ =	vpop (xrf1)  }
0x206: {  	v10 =	vld [tilespmem:s11+$0x0];
	(xrf1) =	vsort.dscd.msk.f32 $0xffff, v22, v27;
	[tilespmem:v29+s22+$0x0] =	vst.idx.msk $0xff, v19;
	v33 =	vbroadcast v23, $0xF;
	(erf) = vrcp.f32 v14  }
0x207: {  	v14 =	vld [tilespmem:s11+$0xFFFFFFF0];
	v22 =	vsel vm0, v28, v31;
	v30 =	vsel vm0, v30, v32;
	[tilespmem:v29+s25+$0x0] =	vst.idx.msk $0xff, v9;
	v9 =	vadd.s32 s5, v4;
	s5 =	smov.u32 s8;
	s8 =	smov.u32 s20;
	v27, v28, _ =	vpop (xrf1)  }
0x208: {  	v29 =	vld [tilespmem:s11+$0xFFFFFFE0];
	(xrf1) =	vsort.dscd.msk.f32 $0xffff, v22, v30;
	(erf) = vrcp.f32 v33;
	v19, _, _ =	vpop (xrf2)  }
0x209: {  	v22 =	vld [tilespmem:s11+$0xFFFFFFD0];
	v19 =	vbroadcast v19, $0xF;
	v23 =	vpop (erf)  }
0x20a: {  	v30 =	vld [tilespmem:s11+$0xFFFFFF80];
	v31, v32, _ =	vpop (xrf1);
	(erf) = vpow2.f32 v20;
	(xrf1) =	vsort.dscd.msk.f32 $0xffff, v17, v18;
	v11 =	vmul.f32 v23, v11  }
0x20b: {  	v17 =	vld [tilespmem:s11+$0xFFFFFF70];
	(xrf1) =	vsort.ascd.msk.f32 $0xffff, v10, v3;
	v33 =	vsel vm0, v31, v27;
	v31 =	vsel vm0, v32, v28;
	v23, v27, _ =	vpop (xrf1);
	v28 =	vadd.s32 s30, v4;
	s30 =	smov.u32 s3;
	s3 =	smov.u32 s17  }
0x20c: {  	v20 =	vld [tilespmem:s11+$0xFFFFFF60];
	(xrf1) =	vsort.dscd.msk.f32 $0xffff, v14, v2;
	v23 =	vmul.f32 $1.442695020e+00, v23;
	[tilespmem:v9+s22+$0x0] =	vst.idx.msk $0xff, v11;
	(erf) = vrcp.f32 v19  }
0x20d: {  	v19 =	vadd.s32 s26, v4;
	s26 =	smov.u32 s29;
	s29 =	smov.u32 s14;
	v11 =	vld [tilespmem:s11+$0xFFFFFF50];
	(xrf1) =	vsort.dscd.msk.f32 $0xffff, v33, v31;
	v10, v18, _ =	vpop (xrf1);
	[tilespmem:v9+s25+$0x0] =	vst.idx.msk $0xff, v5;
	v5 =	vmov v27  }
0x20e: {  	v9 =	vld [tilespmem:s11+$0xFFFFFF00];
	(xrf1) =	vsort.dscd.msk.f32 $0xffff, v22, v0;
	(erf) = vpow2.f32 v23;
	v14 =	vpop (erf)  }
0x20f: {  	v27 =	vmul.f32 $1.442695020e+00, v10;
	v23 =	vld [tilespmem:s11+$0xFFFFFEF0];
	(xrf1) =	vsort.ascd.msk.f32 $0xffff, v29, v1;
	v29 =	vadd.s32 s31, v4;
	v21 =	vmul.f32 v14, v21;
	v14 =	vpop (erf);
	s31 =	smov.u32 s4;
	s4 =	smov.u32 s15  }
0x210: {  	v31 =	vld [tilespmem:s11+$0xFFFFFEE0];
	v32, v33, _ =	vpop (xrf1);
	v14 =	vmul.f32 v14, v26  }
0x211: {  	v26 =	vld [tilespmem:s11+$0xFFFFFED0];
	(xrf1) =	vsort.ascd.msk.f32 $0xffff, v30, v3;
	[tilespmem:v28+s22+$0x0] =	vst.idx.msk $0xff, v21;
	v10 =	vpop (erf)  }
0x212: {  	v21 =	vld [tilespmem:s11+$0xFFFFFE80];
	(xrf1) =	vsort.dscd.msk.f32 $0xffff, v11, v0;
	v11, v30, _ =	vpop (xrf1);
	[tilespmem:v19+s22+$0x0] =	vst.idx.msk $0xff, v14;
	v13 =	vmul.f32 v10, v13  }
0x213: {  	v22 =	vld [tilespmem:s11+$0xFFFFFE70];
	v11 =	vsel vm0, v32, v11;
	v30 =	vsel vm0, v33, v30;
	v33 =	vpop (erf);
	[tilespmem:v28+s25+$0x0] =	vst.idx.msk $0xff, v12;
	v12 =	vadd.s32 s28, v4;
	s28 =	smov.u32 s0;
	s0 =	smov.u32 s13  }
0x214: {  	v28 =	vld [tilespmem:s11+$0xFFFFFE60];
	v14 =	vnsel vm0, $0x0, v33;
	v32, v10, _ =	vpop (xrf1);
	[tilespmem:v29+s22+$0x0] =	vst.idx.msk $0xff, v13  }
0x215: {  	v33 =	vld [tilespmem:s11+$0xFFFFFE50];
	(xrf1) =	vsort.dscd.msk.f32 $0xffff, v17, v2;
	v13 =	vmul.f32 $1.442695020e+00, v32;
	(erf) = vpow2.f32 v27;
	[tilespmem:v29+s25+$0x0] =	vst.idx.msk $0xff, v6;
	v6 =	vpop (erf)  }
0x216: {  	(xrf1) =	vsort.ascd.msk.f32 $0xffff, v9, v3;
	v27, v9, _ =	vpop (xrf1)  }
0x217: {  	v17 =	vld [tilespmem:s11+$0xFFFFFE00];
	v29 =	vmul.f32 v6, v25;
	v6 =	vmov v18;
	v18 =	vmul.f32 $1.442695020e+00, v27  }
0x218: {  	v32 =	vld [tilespmem:s11+$0xFFFFFDF0];
	(xrf1) =	vsort.dscd.msk.f32 $0xffff, v11, v30;
	v11 =	vpop (erf);
	[tilespmem:v19+s25+$0x0] =	vst.idx.msk $0xff, v8  }
0x219: {  	v19 =	vld [tilespmem:s11+$0xFFFFFDE0];
	(xrf1) =	vsort.dscd.msk.f32 $0xffff, v23, v2;
	v11 =	vnsel vm0, $0x0, v11;
	(erf) = vpow2.f32 v13;
	v23, v8, _ =	vpop (xrf1);
	[tilespmem:v12+s22+$0x0] =	vst.idx.msk $0xff, v29  }
0x21a: {  	v35 =	vld [tilespmem:s11+$0xFFFFFDD0];
	(xrf1) =	vsort.ascd.msk.f32 $0xffff, v31, v1;
	v13, v25, _ =	vpop (xrf1);
	v31 =	vsel vm0, v8, v16;
	(erf) = vpow2.f32 v18;
	[tilespmem:v12+s25+$0x0] =	vst.idx.msk $0xff, v24  }
0x21b: {  	v12 =	vld [tilespmem:s11+$0xFFFFFD80];
	v18, v16, _ =	vpop (xrf1)  }
0x21c: {  	v27 =	vld [tilespmem:s11+$0xFFFFFD70];
	v13 =	vsel vm0, v18, v13;
	v16 =	vsel vm0, v16, v25;
	(xrf1) =	vsort.dscd.msk.f32 $0xffff, v26, v0;
	v34, v8, _ =	vpop (xrf1)  }
0x21d: {  	v44 =	vld [tilespmem:s11+$0xFFFFFD60];
	(xrf1) =	vsort.ascd.msk.f32 $0xffff, v17, v3;
	v17, v18, _ =	vpop (xrf1)  }
0x21e: {  	v37 =	vld [tilespmem:s11+$0xFFFFFD50];
	(xrf1) =	vsort.ascd.msk.f32 $0xffff, v19, v1;
	v19, v24, _ =	vpop (xrf1)  }
0x21f: {  	v26 =	vld [tilespmem:s11+$0xFFFFFD00];
	v17 =	vsel vm0, v17, v19;
	v18 =	vsel vm0, v18, v24;
	v19 =	vpop (erf);
	(xrf2) =	vadd.scan.msk.f32 $0xffff, v14  }
0x220: {  	v45 =	vld [tilespmem:s11+$0xFFFFFCF0];
	v29, v38, _ =	vpop (xrf1);
	(xrf1) =	vsort.ascd.msk.f32 $0xffff, v13, v16;
	v13 =	vnsel vm0, $0x0, v19  }
0x221: {  	v16 =	vld [tilespmem:s11+$0xFFFFFCE0];
	(xrf1) =	vsort.ascd.msk.f32 $0xffff, v28, v1;
	v24, v25, _ =	vpop (xrf1)  }
0x222: {  	v30 =	vld [tilespmem:s11+$0xFFFFFCD0];
	(xrf1) =	vsort.dscd.msk.f32 $0xffff, v33, v0;
	v19 =	vpop (erf)  }
0x223: {  	v39 =	vld [tilespmem:s11+$0xFFFFFC80];
	v19 =	vnsel vm0, $0x0, v19;
	v33 =	vpop (erf);
	(xrf2) =	vadd.scan.msk.f32 $0xffff, v11  }
0x224: {  	v36 =	vld [tilespmem:s11+$0xFFFFFC70];
	(xrf1) =	vsort.ascd.msk.f32 $0xffff, v12, v3;
	v12, v41, _ =	vpop (xrf1)  }
0x225: {  	v40 =	vld [tilespmem:s11+$0xFFFFFC60];
	v28 =	vsel vm0, v12, v29;
	v29 =	vsel vm0, v41, v38;
	(xrf1) =	vsort.dscd.msk.f32 $0xffff, v32, v2;
	v32, v38, _ =	vpop (xrf1)  }
0x226: {  	v46 =	vmul.f32 $1.442695020e+00, v34;
	v41 =	vld [tilespmem:s11+$0xFFFFFC50];
	(xrf1) =	vsort.dscd.msk.f32 $0xffff, v27, v2;
	v27, v12, _ =	vpop (xrf1)  }
0x227: {  	(xrf1) =	vsort.ascd.msk.f32 $0xffff, v16, v1;
	v16, v42, _ =	vpop (xrf1);
	v34 =	vmul.f32 $1.442695020e+00, v27  }
0x228: {  	v43, v47, _ =	vpop (xrf1)  }
0x229: {  	v16 =	vsel vm0, v16, v32;
	v27 =	vsel vm0, v42, v38;
	(xrf1) =	vsort.ascd.msk.f32 $0xffff, v20, v1;
	v32, _, _ =	vpop (xrf2)  }
.Ltmp1:
0x22a: {  	v20 =	vnsel vm0, $0x0, v33;
	v48, v49, _ =	vpop (xrf1);
	(xrf1) =	vsort.ascd.msk.f32 $0xffff, v16, v27;
	v27 =	vbroadcast v32, $0xF;
	(pc) =	sbr.rel @p0 .LBB2_4-.Ltmp1, $4  }
0x22b: {  	v42 =	vsel vm0, v23, v15;
	(xrf1) =	vsort.dscd.msk.f32 $0xffff, v35, v0;
	v33, v35, _ =	vpop (xrf1)  }
0x22c: {  	(xrf1) =	vsort.dscd.msk.f32 $0xffff, v37, v0;
	v38, v37, _ =	vpop (xrf1)  }
0x22d: {  	v32 =	vsel vm0, v48, v43;
	v43 =	vsel vm0, v49, v47;
	(xrf1) =	vsort.ascd.msk.f32 $0xffff, v44, v1;
	(erf) = vpow2.f32 v46;
	v23, _, _ =	vpop (xrf2)  }
0x22e: {  	(xrf1) =	vsort.dscd.msk.f32 $0xffff, v45, v2;
	v15, v16, _ =	vpop (xrf1);
	v23 =	vbroadcast v23, $0xF  }
0x22f: {  	(xrf1) =	vsort.dscd.msk.f32 $0xffff, v42, v31  }
0x230: {  	v31, v42, _ =	vpop (xrf1);
	(xrf1) =	vsort.dscd.msk.f32 $0xffff, v32, v43  }
0x231: {  	v32, v43, _ =	vpop (xrf1);
	(xrf1) =	vsort.ascd.msk.f32 $0xffff, v39, v3  }
0x232: {  	v61, v44, _ =	vpop (xrf1);
	(xrf1) =	vsort.dscd.msk.f32 $0xffff, v41, v0  }
0x233: {  	v62, v45, _ =	vpop (xrf1);
	(xrf1) =	vsort.ascd.msk.f32 $0xffff, v40, v1  }
0x234: {  	v63, v46, _ =	vpop (xrf1);
	(xrf1) =	vsort.ascd.msk.f32 $0xffff, v26, v3  }
0x235: {  	v26, v47, _ =	vpop (xrf1);
	(xrf1) =	vsort.dscd.msk.f32 $0xffff, v36, v2  }
0x236: {  	(xrf1) =	vsort.dscd.msk.f32 $0xffff, v30, v0  }
0x237: {  	v30, v48, _ =	vpop (xrf1)  }
0x238: {  	v49, v50, _ =	vpop (xrf1)  }
0x239: {  	(xrf1) =	vsort.ascd.msk.f32 $0xffff, v21, v3;
	v21 =	vsel vm0, v25, v48;
	v24 =	vsel vm0, v24, v30;
	v51, v52, _ =	vpop (xrf1)  }
0x23a: {  	(xrf1) =	vsort.ascd.msk.f32 $0xffff, v28, v29;
	v53, v54, _ =	vpop (xrf1);
	v29 =	vsel vm0, v51, v38  }
0x23b: {  	(xrf2) =	vadd.scan.msk.f32 $0xffff, v19;
	v25, v28, _ =	vpop (xrf1)  }
0x23c: {  	v33 =	vsel vm0, v62, v33;
	(xrf1) =	vsort.dscd.msk.f32 $0xffff, v24, v21;
	v30 =	vsel vm0, v52, v37;
	v24, v55, _ =	vpop (xrf1)  }
0x23d: {  	(xrf1) =	vsort.dscd.msk.f32 $0xffff, v29, v30;
	v30 =	vsel vm0, v45, v35;
	v29, v21, _ =	vpop (xrf1)  }
0x23e: {  	(erf) = vpow2.f32 v34;
	(xrf2) =	vadd.scan.msk.f32 $0xffff, v20;
	v56, v57, _ =	vpop (xrf1)  }
0x23f: {  	(xrf1) =	vsort.dscd.msk.f32 $0xffff, v22, v2;
	v22 =	vsel vm0, v63, v61;
	v58, v59, _ =	vpop (xrf1)  }
0x240: {  	v28 =	vsel vm0, v54, v28;
	(xrf1) =	vsort.ascd.msk.f32 $0xffff, v33, v30;
	v30, v33, _ =	vpop (xrf1)  }
0x241: {  	v60 =	vsel vm0, v46, v44;
	v61, v62, _ =	vpop (xrf1)  }
0x242: {  	v25 =	vsel vm0, v53, v25;
	(xrf1) =	vsort.ascd.msk.f32 $0xffff, v22, v60;
	v22, v39, _ =	vpop (xrf1)  }
0x243: {  	(xrf1) =	vsort.dscd.msk.f32 $0xffff, v25, v28;
	v28, v63, _ =	vpop (xrf1)  }
0x244: {  	v25 =	vmul.f32 $1.442695020e+00, v29;
	v22 =	vsel vm0, v24, v22;
	v24 =	vsel vm0, v55, v39;
	v29, v48, _ =	vpop (xrf1)  }
0x245: {  	v36 =	vpop (erf);
	v34 =	vsel vm0, v56, v49;
	v35 =	vsel vm0, v57, v50;
	v26 =	vsel vm0, v29, v26  }
0x246: {  	(erf) = vrcp.f32 v27;
	v27, _, _ =	vpop (xrf2);
	(xrf1) =	vsort.dscd.msk.f32 $0xffff, v34, v35;
	v29 =	vsel vm0, v48, v47  }
0x247: {  	(xrf1) =	vsort.ascd.msk.f32 $0xffff, v22, v24;
	v24 =	vpop (erf)  }
0x248: {  	(xrf1) =	vsort.dscd.msk.f32 $0xffff, v26, v29;
	v26, _, _ =	vpop (xrf2)  }
0x249: {  	v33 =	vsel vm0, v33, v62;
	v22 =	vnsel vm0, $0x0, v36;
	v28 =	vsel vm0, v28, v58;
	v29, v49, _ =	vpop (xrf1)  }
0x24a: {  	(erf) = vpow2.f32 v25;
	v51 =	vsel vm0, v63, v59;
	v25 =	vnsel vm0, $0x0, v24;
	(xrf2) =	vadd.scan.msk.f32 $0xffff, v22;
	v24, v50, _ =	vpop (xrf1)  }
0x24b: {  	v30 =	vsel vm0, v30, v61;
	(xrf1) =	vsort.ascd.msk.f32 $0xffff, v28, v51;
	v52, v53, _ =	vpop (xrf1)  }
0x24c: {  	(xrf2) =	vadd.scan.msk.f32 $0xffff, v25;
	v28, v36, _ =	vpop (xrf1)  }
0x24d: {  	v27 =	vbroadcast v27, $0xF;
	v24 =	vsel vm0, v52, v24;
	v35 =	vsel vm0, v53, v50;
	v54, v55, _ =	vpop (xrf1);
	(xrf1) =	vsort.dscd.msk.f32 $0xffff, v30, v33  }
0x24e: {  	v30, v33, _ =	vpop (xrf1);
	(xrf1) =	vsort.dscd.msk.f32 $0xffff, v24, v35  }
0x24f: {  	v24 =	vsel vm0, v28, v30;
	v28 =	vsel vm0, v36, v33;
	v30 =	vsel vm0, v32, v31  }
0x250: {  	(xrf2) =	vadd.scan.msk.f32 $0xffff, v13  }
0x251: {  	(erf) = vrcp.f32 v27;
	v27 =	vpop (erf);
	v26 =	vbroadcast v26, $0xF;
	(xrf1) =	vsort.dscd.msk.f32 $0xffff, v24, v28;
	v24 =	vsel vm0, v54, v29  }
0x252: {  	v31 =	vsel vm0, v43, v42;
	v28, v33, _ =	vpop (xrf1)  }
0x253: {  	(erf) = vrcp.f32 v26;
	v26 =	vsel vm0, v55, v49;
	(xrf1) =	vsort.dscd.msk.f32 $0xffff, v30, v31;
	v29, v30, _ =	vpop (xrf1)  }
0x254: {  	(xrf1) =	vsort.ascd.msk.f32 $0xffff, v24, v26;
	v59, _, _ =	vpop (xrf2)  }
0x255: {  	v31, v24, _ =	vpop (xrf1)  }
0x256: {  	v58, v57, _ =	vpop (xrf1)  }
0x257: {  	v28 =	vsel vm0, v29, v28;
	v29 =	vsel vm0, v30, v33;
	v30, v33, _ =	vpop (xrf1)  }
0x258: {  	(xrf1) =	vsort.dscd.msk.f32 $0xffff, v28, v29;
	v28 =	vsel vm0, v30, v58;
	v29 =	vsel vm0, v33, v57;
	v30, _, _ =	vpop (xrf2)  }
0x259: {  	v56 =	vpop (erf);
	(xrf1) =	vsort.dscd.msk.f32 $0xffff, v28, v29;
	v29 =	vbroadcast v30, $0xF  }
0x25a: {  	v26 =	vnsel vm0, $0x0, v56;
	(xrf1) =	vsort.dscd.msk.f32 $0xffff, v17, v18;
	v17, _, _ =	vpop (xrf2)  }
0x25b: {  	(xrf2) =	vadd.scan.msk.f32 $0xffff, v26;
	v28 =	vpop (erf)  }
0x25c: {  	(erf) = vrcp.f32 v23;
	v23 =	vpop (erf)  }
0x25d: {  	(erf) = vrcp.f32 v29;
	v29, v30, _ =	vpop (xrf1)  }
0x25e: {  	v60 =	vbroadcast v59, $0xF;
	v31 =	vmul.f32 $1.442695020e+00, v31;
	v33, v34, _ =	vpop (xrf1)  }
0x25f: {  	v61 =	vbroadcast v17, $0xF;
	v62, v18, _ =	vpop (xrf1)  }
0x260: {  	(erf) = vrcp.f32 v60;
	v63, v17, _ =	vpop (xrf1)  }
0x261: {  	(erf) = vrcp.f32 v61;
	v29 =	vsel vm0, v33, v29;
	v30 =	vsel vm0, v34, v30;
	v41, v40, _ =	vpop (xrf1)  }
0x262: {  	(erf) = vpow2.f32 v31;
	(xrf1) =	vsort.dscd.msk.f32 $0xffff, v29, v30;
	v31, v42, _ =	vpop (xrf1)  }
0x263: {  	v29 =	vsel vm0, v41, v31;
	v30 =	vsel vm0, v40, v42  }
0x264: {  	(xrf1) =	vsort.dscd.msk.f32 $0xffff, v29, v30  }
0x265: {  	v43, _, _ =	vpop (xrf2)  }
0x266: {  	v30, v33, _ =	vpop (xrf1)  }
0x267: {  	v34 =	vbroadcast v43, $0xF;
	v44, v37, _ =	vpop (xrf1)  }
0x268: {  	v36 =	vmul.f32 $1.442695020e+00, v62;
	v32 =	vmul.f32 $1.442695020e+00, v63;
	v45, v46, _ =	vpop (xrf1)  }
0x269: {  	v31 =	vpop (erf);
	(erf) = vrcp.f32 v34;
	v16 =	vsel vm0, v46, v16;
	v15 =	vsel vm0, v45, v15  }
0x26a: {  	v29 =	vpop (erf);
	(erf) = vpow2.f32 v36;
	(xrf1) =	vsort.dscd.msk.f32 $0xffff, v15, v16;
	v16 =	vmul.f32 $1.442695020e+00, v30  }
0x26b: {  	v40 =	vpop (erf);
	(erf) = vpow2.f32 v32  }
0x26c: {  	v34 =	vpop (erf);
	(erf) = vpow2.f32 v16;
	v16 =	vmul.f32 $1.442695020e+00, v44  }
0x26d: {  	v15 =	vpop (erf)  }
0x26e: {  	v15 =	vnsel vm0, $0x0, v15  }
0x26f: {  	(xrf2) =	vadd.scan.msk.f32 $0xffff, v15  }
0x270: {  	(erf) = vpow2.f32 v16;
	v16, v30, _ =	vpop (xrf1)  }
0x271: {  	v16 =	vmul.f32 $1.442695020e+00, v16  }
0x272: {  	v47, v48, _ =	vpop (xrf1)  }
0x273: {  	v49 =	vpop (erf);
	v32 =	vmul.f32 $1.442695020e+00, v47  }
0x274: {  	v50 =	vpop (erf);
	(erf) = vpow2.f32 v16  }
0x275: {  	v16 =	vpop (erf);
	(erf) = vpow2.f32 v32;
	_ =	sdelay $0x1  }
0x276: {  	v51 =	vnsel vm0, $0x0, v50;
	v52 =	vpop (erf)  }
0x277: {  	(xrf2) =	vadd.scan.msk.f32 $0xffff, v51;
	v38 =	vnsel vm0, $0x0, v52  }
0x278: {  	v53, _, _ =	vpop (xrf2);
	(xrf2) =	vadd.scan.msk.f32 $0xffff, v38  }
0x279: {  	v54, v55, _ =	vpop (xrf1);
	v39 =	vbroadcast v53, $0xF  }
0x27a: {  	v58 =	vadd.s32 s6, v4;
	v56 =	vpop (erf);
	v41 =	vmul.f32 $1.442695020e+00, v54  }
0x27b: {  	v57 =	vnsel vm0, $0x0, v56;
	(erf) = vrcp.f32 v39  }
0x27c: {  	v60 =	vadd.s32 s7, v4;
	(xrf2) =	vadd.scan.msk.f32 $0xffff, v57;
	(erf) = vpow2.f32 v41;
	v59 =	vpop (erf)  }
0x27d: {  	v14 =	vmul.f32 v27, v14;
	v43 =	vnsel vm0, $0x0, v59;
	v61 =	vpop (erf)  }
0x27e: {  	v62 =	vadd.s32 s1, v4;
	(xrf2) =	vadd.scan.msk.f32 $0xffff, v43;
	v27 =	vnsel vm0, $0x0, v61  }
0x27f: {  	[tilespmem:v58+s22+$0x0] =	vst.idx.msk $0xff, v14;
	v14 =	vmul.f32 v28, v19;
	(xrf2) =	vadd.scan.msk.f32 $0xffff, v27  }
0x280: {  	[tilespmem:v58+s25+$0x0] =	vst.idx.msk $0xff, v7;
	v7 =	vadd.s32 s5, v4  }
0x281: {  	[tilespmem:v60+s22+$0x0] =	vst.idx.msk $0xff, v14;
	v14 =	vmul.f32 v23, v20;
	v16 =	vnsel vm0, $0x0, v16;
	v63, _, _ =	vpop (xrf2)  }
0x282: {  	[tilespmem:v60+s25+$0x0] =	vst.idx.msk $0xff, v10;
	v19, _, _ =	vpop (xrf2);
	(xrf2) =	vadd.scan.msk.f32 $0xffff, v16  }
0x283: {  	v11 =	vmul.f32 v31, v11;
	[tilespmem:v62+s22+$0x0] =	vst.idx.msk $0xff, v14;
	v14 =	vadd.s32 s26, v4  }
0x284: {  	v10 =	vadd.s32 s30, v4;
	[tilespmem:v62+s25+$0x0] =	vst.idx.msk $0xff, v9;
	v19 =	vbroadcast v19, $0xF;
	v20 =	vpop (erf)  }
0x285: {  	[tilespmem:v7+s22+$0x0] =	vst.idx.msk $0xff, v11;
	v11 =	vadd.s32 s31, v4;
	v23 =	vpop (erf)  }
0x286: {  	[tilespmem:v7+s25+$0x0] =	vst.idx.msk $0xff, v5;
	v5 =	vmul.f32 v40, v22;
	v9, _, _ =	vpop (xrf2);
	(erf) = vrcp.f32 v19;
	v23 =	vnsel vm0, $0x0, v23  }
0x287: {  	v9 =	vbroadcast v9, $0xF;
	v19 =	vmul.f32 v29, v25;
	(xrf2) =	vadd.scan.msk.f32 $0xffff, v23  }
0x288: {  	[tilespmem:v14+s22+$0x0] =	vst.idx.msk $0xff, v5;
	v5 =	vmul.f32 v34, v13;
	v7, _, _ =	vpop (xrf2)  }
0x289: {  	(erf) = vrcp.f32 v9;
	v9 =	vadd.s32 s28, v4;
	[tilespmem:v10+s22+$0x0] =	vst.idx.msk $0xff, v19;
	v19 =	vbroadcast v63, $0xF;
	v13, _, _ =	vpop (xrf2)  }
0x28a: {  	[tilespmem:v10+s25+$0x0] =	vst.idx.msk $0xff, v12;
	v10 =	vbroadcast v13, $0xF  }
0x28b: {  	[tilespmem:v11+s22+$0x0] =	vst.idx.msk $0xff, v5;
	v5 =	vadd.s32 s9, v4;
	(erf) = vrcp.f32 v19;
	v7 =	vbroadcast v7, $0xF  }
0x28c: {  	[tilespmem:v11+s25+$0x0] =	vst.idx.msk $0xff, v6;
	v6 =	vmul.f32 v49, v26;
	v11, _, _ =	vpop (xrf2);
	(erf) = vrcp.f32 v10  }
0x28d: {  	v10 =	vbroadcast v11, $0xF  }
0x28e: {  	[tilespmem:v9+s22+$0x0] =	vst.idx.msk $0xff, v6;
	v6 =	vmul.f32 v20, v15  }
0x28f: {  	[tilespmem:v14+s25+$0x0] =	vst.idx.msk $0xff, v8;
	v8 =	vadd.s32 s10, v4;
	(erf) = vrcp.f32 v7;
	v7 =	vpop (erf)  }
0x290: {  	[tilespmem:v5+s22+$0x0] =	vst.idx.msk $0xff, v6;
	v6 =	vmul.f32 v7, v38  }
0x291: {  	[tilespmem:v9+s25+$0x0] =	vst.idx.msk $0xff, v21;
	v9 =	vadd.s32 s16, v4;
	(erf) = vrcp.f32 v10;
	v10, _, _ =	vpop (xrf2)  }
0x292: {  	v7 =	vbroadcast v10, $0xF  }
0x293: {  	[tilespmem:v5+s25+$0x0] =	vst.idx.msk $0xff, v24;
	v5 =	vpop (erf);
	v10 =	vadd.s32 s8, v4  }
0x294: {  	v5 =	vmul.f32 v5, v57;
	[tilespmem:v8+s22+$0x0] =	vst.idx.msk $0xff, v6;
	v6 =	vpop (erf);
	(erf) = vrcp.f32 v7  }
0x295: {  	[tilespmem:v8+s25+$0x0] =	vst.idx.msk $0xff, v33;
	v7 =	vadd.s32 s3, v4;
	v8 =	vpop (erf)  }
0x296: {  	[tilespmem:v9+s22+$0x0] =	vst.idx.msk $0xff, v5;
	v5 =	vmul.f32 v6, v51;
	v6 =	vadd.s32 s29, v4;
	v8 =	vmul.f32 v8, v27  }
0x297: {  	[tilespmem:v9+s25+$0x0] =	vst.idx.msk $0xff, v37  }
0x298: {  	[tilespmem:v10+s22+$0x0] =	vst.idx.msk $0xff, v5;
	v5 =	vadd.s32 s4, v4;
	v9 =	vpop (erf)  }
0x299: {  	[tilespmem:v10+s25+$0x0] =	vst.idx.msk $0xff, v18;
	v9 =	vmul.f32 v9, v43  }
0x29a: {  	[tilespmem:v7+s22+$0x0] =	vst.idx.msk $0xff, v8;
	v8 =	vpop (erf)  }
0x29b: {  	[tilespmem:v6+s22+$0x0] =	vst.idx.msk $0xff, v9;
	v9 =	vadd.s32 s0, v4;
	v8 =	vmul.f32 v8, v16  }
0x29c: {  	[tilespmem:v7+s25+$0x0] =	vst.idx.msk $0xff, v48  }
0x29d: {  	v7 =	vpop (erf);
	[tilespmem:v5+s22+$0x0] =	vst.idx.msk $0xff, v8  }
0x29e: {  	[tilespmem:v5+s25+$0x0] =	vst.idx.msk $0xff, v17;
	v5 =	vmul.f32 v7, v23  }
0x29f: {  	[tilespmem:v6+s25+$0x0] =	vst.idx.msk $0xff, v30  }
0x2a0: {  	[tilespmem:v9+s22+$0x0] =	vst.idx.msk $0xff, v5  }
0x2a1: {  	[tilespmem:v9+s25+$0x0] =	vst.idx.msk $0xff, v55  }
0x2a2: {  	s2 =	simm.s32 $0x0;
	s13 =	rddreg [dreg:$0x9]  }
0x2a3: {  	[hbm4b:s13+s2] =	stream.linear.scatter [tilespmem:s22], [sflag:$0x4], $0x800, $0x38;
	[tilespmem:$0x12000] =	vst v63  }
0x2a4: {  	s14 =	rddreg [dreg:$0xa]  }
0x2a5: {  	[hbm4b:s14+s2] =	stream.linear.scatter [tilespmem:s25], [sflag:$0x4], $0x800, $0x38;
	[tilespmem:$0x12000] =	vst v63  }
0x2a6: {  	s17 =	simm.s32 $0x1;
	s16 =	simm.s32 $0x8000;
	s15 =	rddreg [dreg:$0xb]  }
0x2a7: {  	[tilespmem:s16], [sflag:$0x2] =	stream.linear.gather [hbm4b:s15+s2], $0x8000, $0x38;
	[tilespmem:$0x12000] =	vst v63  }
0x2a8: {  	_ =	swait.ge [sflag:s17], $0x8000  }
0x2a9: {  	[sflag:s17] =	ssyncset.done $0x0  }
0x2aa: {  	s18 =	simm.s32 $0x3;
	[sflag:s17] =	ssyncadd.s32 $0xFFFF8000  }
0x2ab: {  	_ =	swait.ge [sflag:s18], $0x800  }
0x2ac: {  	[sflag:s18] =	ssyncset.done $0x0  }
0x2ad: {  	[sflag:s18] =	ssyncadd.s32 $0xFFFFF800  }
0x2ae: {  	_ =	swait.ge [sflag:s18], $0x800  }
0x2af: {  	[sflag:s18] =	ssyncset.done $0x0  }
0x2b0: {  	s19 =	simm.s32 $0x200;
	[sflag:s18] =	ssyncadd.s32 $0xFFFFF800  }
0x2b1: {  	v5 =	vld [tilespmem:s19+$0x1B0]  }
0x2b2: {  	v6 =	vld [tilespmem:s19+$0x1A0];
	_ =	sdelay $0x2  }
0x2b3: {  	v7 =	vld [tilespmem:s19+$0x180]  }
0x2b4: {  	v8 =	vld [tilespmem:s19+$0x190];
	(xrf1) =	vsort.ascd.msk.f32 $0xffff, v5, v3  }
0x2b5: {  	v9 =	vld [tilespmem:s19+$0x130];
	(xrf1) =	vsort.dscd.msk.f32 $0xffff, v6, v2  }
0x2b6: {  	v5 =	vld [tilespmem:s19+$0x100]  }
0x2b7: {  	v6 =	vld [tilespmem:s19+$0x120]  }
0x2b8: {  	v10 =	vld [tilespmem:s19+$0xB0];
	(xrf1) =	vsort.dscd.msk.f32 $0xffff, v7, v0  }
0x2b9: {  	v7 =	vld [tilespmem:s19+$0xA0];
	(xrf1) =	vsort.ascd.msk.f32 $0xffff, v8, v1  }
0x2ba: {  	(xrf1) =	vsort.ascd.msk.f32 $0xffff, v9, v3  }
0x2bb: {  	(xrf1) =	vsort.dscd.msk.f32 $0xffff, v5, v0  }
0x2bc: {  	(xrf1) =	vsort.dscd.msk.f32 $0xffff, v6, v2  }
0x2bd: {  	v5 =	vld [tilespmem:s19+$0x90];
	(xrf1) =	vsort.ascd.msk.f32 $0xffff, v10, v3  }
0x2be: {  	v6 =	vld [tilespmem:s19+$0x80];
	(xrf1) =	vsort.dscd.msk.f32 $0xffff, v7, v2  }
0x2bf: {  	v7 =	vld [tilespmem:s19+$0xFFFFFFB0]  }
0x2c0: {  	v8 =	vld [tilespmem:s19+$0xFFFFFF90];
	_ =	sdelay $0x1  }
0x2c1: {  	v10 =	vld [tilespmem:s19+$0x10];
	(xrf1) =	vsort.ascd.msk.f32 $0xffff, v5, v1;
	v5, v9, _ =	vpop (xrf1)  }
0x2c2: {  	v11 =	vld [tilespmem:s19+$0x0];
	(xrf1) =	vsort.dscd.msk.f32 $0xffff, v6, v0;
	v6, v13, _ =	vpop (xrf1)  }
0x2c3: {  	v12 =	vld [tilespmem:s19+$0xFFFFFF30];
	(xrf1) =	vsort.ascd.msk.f32 $0xffff, v7, v3;
	v9 =	vsel vm0, v13, v9  }
0x2c4: {  	v7 =	vld [tilespmem:s19+$0xFFFFFFA0];
	(xrf1) =	vsort.ascd.msk.f32 $0xffff, v8, v1;
	v14 =	vsel vm0, v6, v5  }
0x2c5: {  	v13 =	vld [tilespmem:s19+$0xFFFFFF20];
	v6, v5, _ =	vpop (xrf1);
	(xrf1) =	vsort.ascd.msk.f32 $0xffff, v14, v9  }
0x2c6: {  	v14 =	vld [tilespmem:s19+$0xFFFFFE90];
	(xrf1) =	vsort.ascd.msk.f32 $0xffff, v10, v1;
	v9, v8, _ =	vpop (xrf1)  }
0x2c7: {  	(xrf1) =	vsort.dscd.msk.f32 $0xffff, v11, v0;
	v16, v17, _ =	vpop (xrf1)  }
0x2c8: {  	(xrf1) =	vsort.ascd.msk.f32 $0xffff, v12, v3;
	v11, v18, _ =	vpop (xrf1)  }
0x2c9: {  	v10 =	vld [tilespmem:s19+$0x110];
	(xrf1) =	vsort.dscd.msk.f32 $0xffff, v7, v2;
	v19, v20, _ =	vpop (xrf1)  }
0x2ca: {  	(xrf1) =	vsort.dscd.msk.f32 $0xffff, v13, v2;
	v15, v21, _ =	vpop (xrf1)  }
0x2cb: {  	v12 =	vld [tilespmem:s19+$0xFFFFFF80];
	(xrf1) =	vsort.ascd.msk.f32 $0xffff, v14, v1;
	v14, v22, _ =	vpop (xrf1)  }
0x2cc: {  	v7 =	vld [tilespmem:s19+$0xFFFFFF00];
	v14 =	vsel vm0, v14, v15;
	v15 =	vsel vm0, v22, v21  }
0x2cd: {  	v13 =	vld [tilespmem:s19+$0xFFFFFF10]  }
0x2ce: {  	(xrf1) =	vsort.ascd.msk.f32 $0xffff, v10, v1  }
0x2cf: {  	(xrf1) =	vsort.ascd.msk.f32 $0xffff, v14, v15  }
0x2d0: {  	v23 =	vld [tilespmem:s19+$0xFFFFFEA0];
	(xrf1) =	vsort.dscd.msk.f32 $0xffff, v12, v0;
	v14, v15, _ =	vpop (xrf1)  }
0x2d1: {  	(xrf1) =	vsort.dscd.msk.f32 $0xffff, v7, v0;
	v21, v22, _ =	vpop (xrf1)  }
0x2d2: {  	v10 =	vld [tilespmem:s19+$0xFFFFFE30];
	(xrf1) =	vsort.ascd.msk.f32 $0xffff, v13, v1;
	v13 =	vsel vm0, v21, v14  }
0x2d3: {  	v12 =	vld [tilespmem:s19+$0xFFFFFE00]  }
0x2d4: {  	v7 =	vld [tilespmem:s19+$0xFFFFFE10];
	v25, v26, _ =	vpop (xrf1)  }
0x2d5: {  	v24 =	vld [tilespmem:s19+$0xFFFFFEB0];
	v14 =	vsel vm0, v22, v15;
	(xrf1) =	vsort.dscd.msk.f32 $0xffff, v23, v2;
	v22, v23, _ =	vpop (xrf1)  }
0x2d6: {  	v21 =	vld [tilespmem:s19+$0xFFFFFE20];
	(xrf1) =	vsort.dscd.msk.f32 $0xffff, v13, v14;
	v15, v13, _ =	vpop (xrf1)  }
0x2d7: {  	v14 =	vld [tilespmem:s19+$0xFFFFFE80];
	(xrf1) =	vsort.ascd.msk.f32 $0xffff, v10, v3;
	v10, v27, _ =	vpop (xrf1)  }
0x2d8: {  	(xrf1) =	vsort.dscd.msk.f32 $0xffff, v12, v0;
	v12, v28, _ =	vpop (xrf1)  }
0x2d9: {  	(xrf1) =	vsort.ascd.msk.f32 $0xffff, v7, v1;
	v29, v30, _ =	vpop (xrf1)  }
0x2da: {  	v7 =	vld [tilespmem:s19+$0x30];
	(xrf1) =	vsort.ascd.msk.f32 $0xffff, v24, v3;
	v24, v31, _ =	vpop (xrf1)  }
0x2db: {  	(xrf1) =	vsort.dscd.msk.f32 $0xffff, v21, v2;
	v21, v42, _ =	vpop (xrf1)  }
0x2dc: {  	(xrf1) =	vsort.dscd.msk.f32 $0xffff, v14, v0;
	v14, v43, _ =	vpop (xrf1)  }
0x2dd: {  	v44, v45, _ =	vpop (xrf1)  }
0x2de: {  	v17 =	vsel vm0, v20, v17;
	v11 =	vsel vm0, v11, v44  }
0x2df: {  	v16 =	vsel vm0, v19, v16;
	(xrf1) =	vsort.ascd.msk.f32 $0xffff, v7, v3;
	v19, v20, _ =	vpop (xrf1);
	v7 =	vsel vm0, v18, v45  }
0x2e0: {  	v18, v35, _ =	vpop (xrf1)  }
0x2e1: {  	(xrf1) =	vsort.ascd.msk.f32 $0xffff, v16, v17;
	v16 =	vld [tilespmem:s19+$0x20];
	v17, v46, _ =	vpop (xrf1)  }
0x2e2: {  	(xrf1) =	vsort.dscd.msk.f32 $0xffff, v11, v7;
	v18 =	vsel vm0, v18, v22;
	v22 =	vsel vm0, v35, v23;
	v7, v11, _ =	vpop (xrf1)  }
0x2e3: {  	(xrf1) =	vsort.dscd.msk.f32 $0xffff, v18, v22;
	v22 =	vsel vm0, v24, v25;
	v47, v48, _ =	vpop (xrf1)  }
0x2e4: {  	v21 =	vsel vm0, v21, v29;
	v18 =	vsel vm0, v31, v26;
	v23, v35, _ =	vpop (xrf1)  }
0x2e5: {  	v11 =	vsel vm0, v46, v11;
	v49, v50, _ =	vpop (xrf1)  }
0x2e6: {  	v25 =	vsel vm0, v42, v30;
	(xrf1) =	vsort.dscd.msk.f32 $0xffff, v16, v2;
	v7 =	vsel vm0, v17, v7;
	v16, v24, _ =	vpop (xrf1)  }
0x2e7: {  	(xrf1) =	vsort.ascd.msk.f32 $0xffff, v22, v18;
	v18, v22, _ =	vpop (xrf1)  }
0x2e8: {  	(xrf1) =	vsort.ascd.msk.f32 $0xffff, v21, v25;
	v17, v21, _ =	vpop (xrf1)  }
0x2e9: {  	(xrf1) =	vsort.dscd.msk.f32 $0xffff, v7, v11;
	v7, v11, _ =	vpop (xrf1)  }
0x2ea: {  	v19 =	vsel vm0, v23, v19;
	v20 =	vsel vm0, v35, v20;
	v17 =	vsel vm0, v47, v17;
	v23, v25, _ =	vpop (xrf1)  }
0x2eb: {  	(xrf1) =	vsort.dscd.msk.f32 $0xffff, v19, v20;
	v14 =	vsel vm0, v23, v14  }
0x2ec: {  	v21 =	vsel vm0, v48, v21;
	v11 =	vsel vm0, v11, v50;
	v19 =	vsel vm0, v25, v43  }
0x2ed: {  	(xrf1) =	vsort.ascd.msk.f32 $0xffff, v17, v21;
	v7 =	vsel vm0, v7, v49  }
0x2ee: {  	(xrf1) =	vsort.dscd.msk.f32 $0xffff, v14, v19;
	v14, v17, _ =	vpop (xrf1)  }
0x2ef: {  	v19, v20, _ =	vpop (xrf1)  }
0x2f0: {  	(xrf1) =	vsort.ascd.msk.f32 $0xffff, v7, v11;
	v7, v11, _ =	vpop (xrf1)  }
0x2f1: {  	v11 =	vsel vm0, v11, v20  }
0x2f2: {  	v16 =	vsel vm0, v16, v18;
	v18 =	vsel vm0, v24, v22;
	v7 =	vsel vm0, v7, v19  }
0x2f3: {  	(xrf1) =	vsort.dscd.msk.f32 $0xffff, v16, v18  }
0x2f4: {  	(xrf1) =	vsort.dscd.msk.f32 $0xffff, v7, v11  }
0x2f5: {  	v7, v11, _ =	vpop (xrf1)  }
0x2f6: {  	v16, v18, _ =	vpop (xrf1)  }
0x2f7: {  	v19, v20, _ =	vpop (xrf1)  }
0x2f8: {  	v7 =	vsel vm0, v7, v19;
	v11 =	vsel vm0, v11, v20  }
0x2f9: {  	v10 =	vsel vm0, v12, v10  }
0x2fa: {  	v12 =	vsel vm0, v28, v27;
	v19, v20, _ =	vpop (xrf1);
	(xrf1) =	vsort.dscd.msk.f32 $0xffff, v7, v11  }
0x2fb: {  	v14 =	vsel vm0, v16, v14;
	v16 =	vsel vm0, v18, v17;
	(xrf1) =	vsort.dscd.msk.f32 $0xffff, v10, v12;
	v11, v21, _ =	vpop (xrf1)  }
0x2fc: {  	(xrf1) =	vsort.ascd.msk.f32 $0xffff, v14, v16;
	v10, v7, _ =	vpop (xrf1);
	v11 =	vsel vm0, v11, v19;
	v14 =	vsel vm0, v21, v20  }
0x2fd: {  	v12, v17, _ =	vpop (xrf1);
	(xrf1) =	vsort.dscd.msk.f32 $0xffff, v11, v14  }
0x2fe: {  	s11 =	simm.s32 $0x600;
	v5 =	vsel vm0, v5, v8;
	v18, v19, _ =	vpop (xrf1)  }
0x2ff: {  	v6 =	vsel vm0, v6, v9;
	v16 =	vld [tilespmem:s11+$0x1B0];
	v12 =	vsel vm0, v18, v12;
	v14 =	vsel vm0, v19, v17  }
0x300: {  	v11 =	vld [tilespmem:s11+$0x1A0];
	v8 =	vmul.f32 $1.442695020e+00, v10;
	v9, v10, _ =	vpop (xrf1);
	(xrf1) =	vsort.dscd.msk.f32 $0xffff, v12, v14  }
0x301: {  	v17, v18, _ =	vpop (xrf1)  }
0x302: {  	v12 =	vld [tilespmem:s11+$0x180];
	(xrf1) =	vsort.dscd.msk.f32 $0xffff, v6, v5;
	v6, v5, _ =	vpop (xrf1)  }
0x303: {  	v14 =	vld [tilespmem:s11+$0x190];
	v6 =	vmul.f32 $1.442695020e+00, v6  }
0x304: {  	(erf) = vpow2.f32 v8;
	v8 =	vld [tilespmem:s11+$0x130];
	(xrf1) =	vsort.ascd.msk.f32 $0xffff, v16, v3  }
0x305: {  	v9 =	vsel vm0, v17, v9;
	v10 =	vsel vm0, v18, v10;
	(xrf1) =	vsort.dscd.msk.f32 $0xffff, v11, v2  }
0x306: {  	(xrf1) =	vsort.dscd.msk.f32 $0xffff, v9, v10  }
0x307: {  	v11 =	vld [tilespmem:s11+$0x100];
	(erf) = vpow2.f32 v6;
	(xrf1) =	vsort.dscd.msk.f32 $0xffff, v12, v0  }
0x308: {  	v9 =	vld [tilespmem:s11+$0x120];
	(xrf1) =	vsort.ascd.msk.f32 $0xffff, v14, v1;
	v10, v6, _ =	vpop (xrf1)  }
0x309: {  	v12 =	vld [tilespmem:s11+$0xB0];
	(xrf1) =	vsort.ascd.msk.f32 $0xffff, v8, v3;
	v8, v14, _ =	vpop (xrf1)  }
0x30a: {  	v16 =	vmul.f32 $1.442695020e+00, v10;
	v17, v18, _ =	vpop (xrf1)  }
0x30b: {  	v21, v10, _ =	vpop (xrf1)  }
0x30c: {  	(xrf1) =	vsort.dscd.msk.f32 $0xffff, v11, v0;
	v11 =	vld [tilespmem:s11+$0xA0];
	(erf) = vpow2.f32 v16;
	v8 =	vsel vm0, v8, v17;
	v17 =	vmul.f32 $1.442695020e+00, v21  }
0x30d: {  	v19 =	vld [tilespmem:s11+$0x90];
	(xrf1) =	vsort.dscd.msk.f32 $0xffff, v9, v2  }
0x30e: {  	(xrf1) =	vsort.ascd.msk.f32 $0xffff, v12, v3;
	v12, v9, _ =	vpop (xrf1)  }
0x30f: {  	v20 =	vpop (erf);
	v16 =	vld [tilespmem:s11+$0x80];
	v14 =	vsel vm0, v14, v18;
	v12 =	vmul.f32 $1.442695020e+00, v12  }
0x310: {  	v18 =	vld [tilespmem:s11+$0xFFFFFFB0];
	(xrf1) =	vsort.dscd.msk.f32 $0xffff, v8, v14;
	v22 =	vpop (erf);
	(erf) = vpow2.f32 v17  }
0x311: {  	(xrf1) =	vsort.dscd.msk.f32 $0xffff, v11, v2;
	v32, v17, _ =	vpop (xrf1)  }
0x312: {  	v23 =	vld [tilespmem:s11+$0xFFFFFF90];
	(xrf1) =	vsort.ascd.msk.f32 $0xffff, v19, v1;
	v11, v19, _ =	vpop (xrf1)  }
0x313: {  	(erf) = vpow2.f32 v12;
	v12, v24, _ =	vpop (xrf1)  }
0x314: {  	v26 =	vld [tilespmem:s11+$0x10];
	(xrf1) =	vsort.dscd.msk.f32 $0xffff, v16, v0;
	v16, v8, _ =	vpop (xrf1)  }
0x315: {  	s20 =	simm.s32 $0x0;
	s21 =	simm.s32 $0x1;
	s7 =	simm.s32 $0x5;
	v51 =	vld [tilespmem:s11+$0xFFFFFE90];
	v14 =	vnsel vm0, $0x0, v20;
	(xrf1) =	vsort.ascd.msk.f32 $0xffff, v18, v3;
	v11 =	vsel vm0, v12, v11;
	v12 =	vsel vm0, v24, v19;
	v19 =	vpop (erf)  }
0x316: {  	s23 =	simm.s32 $0x0;
	s24 =	simm.s32 $0x7;
	s5 =	sand.u32 $0x7D, s7;
	v29 =	vld [tilespmem:s11+$0x0];
	(xrf2) =	vadd.scan.msk.f32 $0xffff, v14;
	v18, v28, _ =	vpop (xrf1)  }
0x317: {  	s1 =	sand.u32 $0x79, s21;
	s21 =	simm.s32 $0xC;
	s10 =	simm.s32 $0x6;
	v52 =	vld [tilespmem:s11+$0xFFFFFF80];
	(xrf1) =	vsort.ascd.msk.f32 $0xffff, v23, v1;
	v20, v23, _ =	vpop (xrf1)  }
0x318: {  	s9 =	simm.s32 $0x4;
	s12 =	sand.u32 $0x7E, s10;
	s3 =	sand.u32 $0xFFFFFC00, s23;
	v30 =	vld [tilespmem:s11+$0xFFFFFF30];
	v33, v34, _ =	vpop (xrf1);
	(xrf1) =	vsort.ascd.msk.f32 $0xffff, v11, v12  }
0x319: {  	s1 =	sor.u32 s3, s1;
	s6 =	sor.u32 s3, s5;
	s5 =	sor.u32 s3, s12;
	v12 =	vld [tilespmem:s11+$0xFFFFFFA0];
	v11 =	vnsel vm0, $0x0, v22;
	v35 =	vpop (erf);
	(xrf1) =	vsort.ascd.msk.f32 $0xffff, v26, v1  }
0x31a: {  	s12 =	simm.s32 $0x8;
	s4 =	sand.u32 $0x7F, s24;
	s24 =	sand.u32 $0x7C, s21;
	v31 =	vld [tilespmem:s11+$0xFFFFFF20];
	v24, v25, _ =	vpop (xrf1);
	(xrf2) =	vadd.scan.msk.f32 $0xffff, v11  }
0x31b: {  	s28 =	sor.u32 s3, s4;
	s0 =	sand.u32 $0x78, s20;
	s20 =	simm.s32 $0xD;
	v54 =	vld [tilespmem:s11+$0xFFFFFF10];
	(xrf1) =	vsort.dscd.msk.f32 $0xffff, v29, v0;
	v29, v38, _ =	vpop (xrf1)  }
0x31c: {  	s26 =	sor.u32 s0, s3;
	s13 =	sand.u32 $0x7C, s9;
	s25 =	simm.s32 $0x3;
	v27 =	vld [tilespmem:s11+$0x110];
	v37 =	vpop (erf)  }
0x31d: {  	s22 =	simm.s32 $0x2;
	s30 =	sor.u32 s3, s13;
	s14 =	sand.u32 $0x7B, s25;
	v56 =	vld [tilespmem:s11+$0xFFFFFF00];
	(xrf1) =	vsort.ascd.msk.f32 $0xffff, v30, v3;
	v30, v53, _ =	vpop (xrf1)  }
0x31e: {  	s2 =	sand.u32 $0x7A, s22;
	s31 =	sor.u32 s3, s14;
	s15 =	simm.s32 $0x9;
	v61 =	vld [tilespmem:s11+$0xFFFFFEA0];
	(xrf1) =	vsort.dscd.msk.f32 $0xffff, v12, v2;
	v55, v12, _ =	vpop (xrf1)  }
0x31f: {  	s16 =	simm.s32 $0xA;
	s22 =	sand.u32 $0x78, s12;
	s14 =	simm.s32 $0xE;
	v36 =	vld [tilespmem:s11+$0xFFFFFE20];
	(xrf1) =	vsort.dscd.msk.f32 $0xffff, v31, v2;
	v57, v58, _ =	vpop (xrf1)  }
0x320: {  	s7 =	sor.u32 s3, s2;
	s0 =	sand.u32 $0x79, s15;
	s17 =	simm.s32 $0x40;
	v40 =	vld [tilespmem:s11+$0xFFFFFE10];
	v31 =	vsel vm0, v17, v13;
	(xrf1) =	vsort.ascd.msk.f32 $0xffff, v51, v1;
	v60, v59, _ =	vpop (xrf1)  }
0x321: {  	s2 =	sand.u32 $0x7A, s16;
	s3 =	sand.u32 $0x7D, s20;
	s13 =	sand.u32 $0xFFFFFC00, s17;
	v41 =	vld [tilespmem:s11+$0xFFFFFE00];
	v16 =	vmul.f32 $1.442695020e+00, v16;
	v62 =	vsel vm0, v57, v30;
	v39 =	vsel vm0, v58, v53;
	(xrf1) =	vsort.ascd.msk.f32 $0xffff, v27, v1;
	v27, _, _ =	vpop (xrf2)  }
0x322: {  	s23 =	sand.u32 $0x7E, s14;
	s29 =	sor.u32 s22, s13;
	s16 =	sor.u32 s13, s0;
	v21 =	vld [tilespmem:s11+$0x30];
	v17 =	vsel vm0, v18, v20;
	v18 =	vsel vm0, v28, v23;
	(xrf1) =	vsort.ascd.msk.f32 $0xffff, v62, v39;
	v23, v63, _ =	vpop (xrf1)  }
0x323: {  	s9 =	sor.u32 s13, s3;
	s10 =	sor.u32 s13, s2;
	s3 =	sor.u32 s13, s24;
	v22 =	vld [tilespmem:s11+$0x20];
	v13 =	vnsel vm0, $0x0, v19;
	v19 =	vnsel vm0, $0x0, v35;
	v28 =	vsel vm0, v29, v33;
	(xrf1) =	vsort.dscd.msk.f32 $0xffff, v52, v0;
	v33, v35, _ =	vpop (xrf1)  }
0x324: {  	s22 =	simm.s32 $0x11000;
	s18 =	simm.s32 $0xF;
	s19 =	simm.s32 $0xB;
	v42 =	vsel vm0, v32, v15;
	(erf) = vpow2.f32 v16;
	v26 =	vld [tilespmem:s11+$0xFFFFFEB0];
	(xrf1) =	vsort.dscd.msk.f32 $0xffff, v56, v0;
	v32 =	vsel vm0, v23, v60;
	v23, _, _ =	vpop (xrf2)  }
0x325: {  	s8 =	sor.u32 s13, s23;
	s4 =	sand.u32 $0x7F, s18;
	s25 =	sand.u32 $0x7B, s19;
	v29 =	vsel vm0, v38, v34;
	v34 =	vmul.f32 $1.442695020e+00, v55;
	v20 =	vnsel vm0, $0x0, v37;
	v39 =	vld [tilespmem:s11+$0xFFFFFE30];
	v38, v37, _ =	vpop (xrf1);
	(xrf1) =	vsort.ascd.msk.f32 $0xffff, v54, v1  }
0x326: {  	s0 =	sor.u32 s13, s4;
	s4 =	sor.u32 s13, s25;
	s25 =	simm.s32 $0x10000;
	v30 =	vld [tilespmem:s11+$0xFFFFFE80];
	v27 =	vbroadcast v27, $0xF;
	v43 =	vsel vm0, v63, v59;
	v23 =	vbroadcast v23, $0xF;
	(xrf1) =	vsort.dscd.msk.f32 $0xffff, v61, v2;
	v15, v16, _ =	vpop (xrf1)  }
.LBB2_6:
0x327: {  	s2 =	sadd.s32 $0x9, s12  }
0x328: {  	s13 =	sadd.s32 $0xA, s12;
	v44, v45, _ =	vpop (xrf1);
	(xrf1) =	vsort.dscd.msk.f32 $0xffff, v42, v31;
	s14 =	smov.u32 s12;
	s12 =	sadd.s32 $0x8, s12  }
0x329: {  	s15 =	sshll.u32 s12, $0x3;
	s17 =	sadd.s32 $0xF, s14;
	p0 =	slt.u32 s12, $0xF8;
	v31, v42, _ =	vpop (xrf1);
	(xrf1) =	vsort.dscd.msk.f32 $0xffff, v32, v43  }
0x32a: {  	s18 =	sadd.s32 $0xB, s14;
	s19 =	sadd.s32 $0xD, s14;
	s15 =	sand.u32 $0xFFFFFC00, s15;
	v31 =	vsel vm0, v31, v44;
	v32 =	vsel vm0, v42, v45;
	(xrf1) =	vsort.ascd.msk.f32 $0xffff, v39, v3  }
0x32b: {  	s2 =	sand.u32 $0x79, s2;
	s13 =	sand.u32 $0x7A, s13;
	s20 =	sadd.s32 $0xC, s14;
	v39, v42, _ =	vpop (xrf1)  }
0x32c: {  	s21 =	sand.u32 $0x78, s12;
	s23 =	sadd.s32 $0xE, s14;
	s19 =	sand.u32 $0x7D, s19;
	v43, v44, _ =	vpop (xrf1)  }
0x32d: {  	s14 =	sor.u32 s21, s15;
	s2 =	sor.u32 s15, s2;
	s21 =	sand.u32 $0x7E, s23;
	(xrf1) =	vsort.dscd.msk.f32 $0xffff, v41, v0;
	v41, v45, _ =	vpop (xrf1)  }
0x32e: {  	s20 =	sand.u32 $0x7C, s20;
	s24 =	sor.u32 s15, s19;
	s19 =	sand.u32 $0x7F, s17;
	(xrf1) =	vsort.ascd.msk.f32 $0xffff, v40, v1;
	v40, v46, _ =	vpop (xrf1)  }
0x32f: {  	s23 =	sor.u32 s15, s13;
	s17 =	sor.u32 s15, s20;
	s20 =	sor.u32 s15, s21;
	v47 =	vpop (erf);
	(xrf2) =	vadd.scan.msk.f32 $0xffff, v19  }
0x330: {  	s18 =	sand.u32 $0x7B, s18;
	s13 =	sor.u32 s15, s19;
	v39 =	vsel vm0, v41, v39;
	v41 =	vsel vm0, v45, v42;
	(xrf1) =	vsort.ascd.msk.f32 $0xffff, v26, v3;
	v42, v45, _ =	vpop (xrf1);
	v26 =	vnsel vm0, $0x0, v47  }
0x331: {  	s15 =	sor.u32 s15, s18;
	(xrf1) =	vsort.dscd.msk.f32 $0xffff, v36, v2;
	v36, v47, _ =	vpop (xrf1);
	(erf) = vpow2.f32 v34  }
0x332: {  	v25 =	vsel vm0, v25, v45;
	(xrf1) =	vsort.dscd.msk.f32 $0xffff, v30, v0;
	v30, v34, _ =	vpop (xrf1)  }
0x333: {  	v35 =	vsel vm0, v44, v35;
	v42 =	vsel vm0, v24, v42;
	v44, v45, _ =	vpop (xrf1);
	(xrf2) =	vadd.scan.msk.f32 $0xffff, v20  }
0x334: {  	v33 =	vsel vm0, v43, v33;
	v43, v48, _ =	vpop (xrf1)  }
0x335: {  	v30 =	vsel vm0, v30, v38;
	v34 =	vsel vm0, v34, v37;
	v37, v38, _ =	vpop (xrf1);
	(xrf1) =	vsort.ascd.msk.f32 $0xffff, v21, v3  }
0x336: {  	(xrf1) =	vsort.ascd.msk.f32 $0xffff, v28, v29;
	v21, v24, _ =	vpop (xrf1)  }
0x337: {  	v28, v29, _ =	vpop (xrf1);
	(xrf1) =	vsort.dscd.msk.f32 $0xffff, v42, v25;
	v42 =	vmul.f32 $1.442695020e+00, v21  }
0x338: {  	v25 =	vsel vm0, v28, v36;
	v28 =	vsel vm0, v29, v47;
	v29, v36, _ =	vpop (xrf1);
	(xrf1) =	vsort.dscd.msk.f32 $0xffff, v30, v34;
	(erf) = vrcp.f32 v27  }
0x339: {  	(xrf1) =	vsort.dscd.msk.f32 $0xffff, v22, v2;
	v22, _, _ =	vpop (xrf2);
	(erf) = vpow2.f32 v42  }
0x33a: {  	v27 =	vsel vm0, v44, v43;
	v30 =	vsel vm0, v45, v48;
	(xrf1) =	vsort.ascd.msk.f32 $0xffff, v33, v35;
	v21 =	vpop (erf)  }
0x33b: {  	v33, v34, _ =	vpop (xrf1);
	v21 =	vnsel vm0, $0x0, v21  }
0x33c: {  	v22 =	vbroadcast v22, $0xF;
	v35, v42, _ =	vpop (xrf1)  }
0x33d: {  	(xrf1) =	vsort.ascd.msk.f32 $0xffff, v39, v41;
	v39, _, _ =	vpop (xrf2)  }
0x33e: {  	v41, v43, _ =	vpop (xrf1);
	(xrf1) =	vsort.dscd.msk.f32 $0xffff, v27, v30;
	v27 =	vbroadcast v39, $0xF  }
0x33f: {  	v30 =	vsel vm0, v33, v35;
	v33 =	vsel vm0, v34, v42;
	v34 =	vsel vm0, v37, v41;
	v35, v37, _ =	vpop (xrf1);
	(xrf2) =	vadd.scan.msk.f32 $0xffff, v26  }
0x340: {  	v42 =	vadd.s32 s6, v4;
	s6 =	smov.u32 s9;
	s9 =	smov.u32 s24;
	v38 =	vsel vm0, v38, v43;
	v39, v41, _ =	vpop (xrf1)  }
0x341: {  	v29 =	vsel vm0, v35, v29;
	v35 =	vsel vm0, v37, v36;
	(xrf1) =	vsort.dscd.msk.f32 $0xffff, v25, v28;
	(erf) = vrcp.f32 v22;
	v22 =	vpop (erf)  }
0x342: {  	v39 =	vsel vm0, v39, v40;
	v36 =	vsel vm0, v41, v46;
	(xrf1) =	vsort.ascd.msk.f32 $0xffff, v34, v38;
	v25 =	vpop (erf)  }
0x343: {  	v14 =	vmul.f32 v22, v14;
	v34, v37, _ =	vpop (xrf1);
	v25 =	vnsel vm0, $0x0, v25;
	(xrf2) =	vadd.scan.msk.f32 $0xffff, v21  }
0x344: {  	(xrf1) =	vsort.dscd.msk.f32 $0xffff, v39, v36;
	v22, v28, _ =	vpop (xrf1)  }
0x345: {  	(xrf1) =	vsort.ascd.msk.f32 $0xffff, v29, v35;
	v29, v35, _ =	vpop (xrf1);
	[tilespmem:v42+s25+$0x0] =	vst.idx.msk $0xff, v14;
	(erf) = vrcp.f32 v27  }
0x346: {  	v14 =	vsel vm0, v29, v22;
	v22 =	vsel vm0, v35, v28;
	v27, v28, _ =	vpop (xrf1);
	[tilespmem:v42+s22+$0x0] =	vst.idx.msk $0xff, v7  }
0x347: {  	v7, v29, _ =	vpop (xrf1);
	(xrf2) =	vadd.scan.msk.f32 $0xffff, v13  }
0x348: {  	v35 =	vadd.s32 s7, v4;
	s7 =	smov.u32 s10;
	s10 =	smov.u32 s23;
	(xrf1) =	vsort.dscd.msk.f32 $0xffff, v30, v33;
	v30, v33, _ =	vpop (xrf1)  }
0x349: {  	(xrf1) =	vsort.dscd.msk.f32 $0xffff, v14, v22;
	v14, _, _ =	vpop (xrf2)  }
0x34a: {  	v38 =	vsel vm0, v27, v30;
	v36 =	vsel vm0, v28, v33;
	v28 =	vpop (erf);
	(xrf2) =	vadd.scan.msk.f32 $0xffff, v25  }
0x34b: {  	v30, v33, _ =	vpop (xrf1);
	(xrf1) =	vsort.dscd.msk.f32 $0xffff, v38, v36;
	v36 =	vmul.f32 v28, v19  }
0x34c: {  	v22, v27, _ =	vpop (xrf1);
	(erf) = vrcp.f32 v23  }
0x34d: {  	v28 =	vsel vm0, v29, v37;
	v29 =	vadd.s32 s1, v4;
	s1 =	smov.u32 s16;
	s16 =	smov.u32 s2;
	v23 =	vsel vm0, v7, v34;
	[tilespmem:v35+s25+$0x0] =	vst.idx.msk $0xff, v36;
	v7, _, _ =	vpop (xrf2)  }
0x34e: {  	(xrf1) =	vsort.dscd.msk.f32 $0xffff, v31, v32;
	[tilespmem:v35+s22+$0x0] =	vst.idx.msk $0xff, v10;
	v10 =	vbroadcast v7, $0xF;
	v19 =	vpop (erf)  }
0x34f: {  	v14 =	vbroadcast v14, $0xF;
	v22 =	vsel vm0, v22, v30;
	v27 =	vsel vm0, v27, v33;
	v30, v7, _ =	vpop (xrf1)  }
0x350: {  	v19 =	vmul.f32 v19, v20;
	v31, v32, _ =	vpop (xrf1);
	(xrf1) =	vsort.ascd.msk.f32 $0xffff, v23, v28  }
0x351: {  	s11 =	sadd.s32 $0x400, s11;
	v20 =	vmul.f32 $1.442695020e+00, v30;
	v23, _, _ =	vpop (xrf2);
	(erf) = vrcp.f32 v10  }
0x352: {  	v28, v30, _ =	vpop (xrf1)  }
0x353: {  	v10 =	vld [tilespmem:s11+$0x1B0];
	(xrf1) =	vsort.dscd.msk.f32 $0xffff, v22, v27;
	[tilespmem:v29+s25+$0x0] =	vst.idx.msk $0xff, v19;
	v33 =	vbroadcast v23, $0xF;
	(erf) = vrcp.f32 v14  }
0x354: {  	v14 =	vld [tilespmem:s11+$0x1A0];
	v22 =	vsel vm0, v28, v31;
	v30 =	vsel vm0, v30, v32;
	[tilespmem:v29+s22+$0x0] =	vst.idx.msk $0xff, v9;
	v9 =	vadd.s32 s5, v4;
	s5 =	smov.u32 s8;
	s8 =	smov.u32 s20;
	v27, v28, _ =	vpop (xrf1)  }
0x355: {  	v29 =	vld [tilespmem:s11+$0x190];
	(xrf1) =	vsort.dscd.msk.f32 $0xffff, v22, v30;
	(erf) = vrcp.f32 v33;
	v19, _, _ =	vpop (xrf2)  }
0x356: {  	v22 =	vld [tilespmem:s11+$0x180];
	v19 =	vbroadcast v19, $0xF;
	v23 =	vpop (erf)  }
0x357: {  	v30 =	vld [tilespmem:s11+$0x130];
	v31, v32, _ =	vpop (xrf1);
	(erf) = vpow2.f32 v20;
	(xrf1) =	vsort.dscd.msk.f32 $0xffff, v17, v18;
	v11 =	vmul.f32 v23, v11  }
0x358: {  	v17 =	vld [tilespmem:s11+$0x120];
	(xrf1) =	vsort.ascd.msk.f32 $0xffff, v10, v3;
	v33 =	vsel vm0, v31, v27;
	v31 =	vsel vm0, v32, v28;
	v23, v27, _ =	vpop (xrf1);
	v28 =	vadd.s32 s30, v4;
	s30 =	smov.u32 s3;
	s3 =	smov.u32 s17  }
0x359: {  	v20 =	vld [tilespmem:s11+$0x110];
	(xrf1) =	vsort.dscd.msk.f32 $0xffff, v14, v2;
	v23 =	vmul.f32 $1.442695020e+00, v23;
	[tilespmem:v9+s25+$0x0] =	vst.idx.msk $0xff, v11;
	(erf) = vrcp.f32 v19  }
0x35a: {  	v19 =	vadd.s32 s26, v4;
	s26 =	smov.u32 s29;
	s29 =	smov.u32 s14;
	v11 =	vld [tilespmem:s11+$0x100];
	(xrf1) =	vsort.dscd.msk.f32 $0xffff, v33, v31;
	v10, v18, _ =	vpop (xrf1);
	[tilespmem:v9+s22+$0x0] =	vst.idx.msk $0xff, v5;
	v5 =	vmov v27  }
0x35b: {  	v9 =	vld [tilespmem:s11+$0xB0];
	(xrf1) =	vsort.dscd.msk.f32 $0xffff, v22, v0;
	(erf) = vpow2.f32 v23;
	v14 =	vpop (erf)  }
0x35c: {  	v27 =	vmul.f32 $1.442695020e+00, v10;
	v23 =	vld [tilespmem:s11+$0xA0];
	(xrf1) =	vsort.ascd.msk.f32 $0xffff, v29, v1;
	v29 =	vadd.s32 s31, v4;
	v21 =	vmul.f32 v14, v21;
	v14 =	vpop (erf);
	s31 =	smov.u32 s4;
	s4 =	smov.u32 s15  }
0x35d: {  	v31 =	vld [tilespmem:s11+$0x90];
	v32, v33, _ =	vpop (xrf1);
	v14 =	vmul.f32 v14, v26  }
0x35e: {  	v26 =	vld [tilespmem:s11+$0x80];
	(xrf1) =	vsort.ascd.msk.f32 $0xffff, v30, v3;
	[tilespmem:v28+s25+$0x0] =	vst.idx.msk $0xff, v21;
	v10 =	vpop (erf)  }
0x35f: {  	v21 =	vld [tilespmem:s11+$0x30];
	(xrf1) =	vsort.dscd.msk.f32 $0xffff, v11, v0;
	v11, v30, _ =	vpop (xrf1);
	[tilespmem:v19+s25+$0x0] =	vst.idx.msk $0xff, v14;
	v13 =	vmul.f32 v10, v13  }
0x360: {  	v22 =	vld [tilespmem:s11+$0x20];
	v11 =	vsel vm0, v32, v11;
	v30 =	vsel vm0, v33, v30;
	v33 =	vpop (erf);
	[tilespmem:v28+s22+$0x0] =	vst.idx.msk $0xff, v12;
	v12 =	vadd.s32 s28, v4;
	s28 =	smov.u32 s0;
	s0 =	smov.u32 s13  }
0x361: {  	v28 =	vld [tilespmem:s11+$0x10];
	v14 =	vnsel vm0, $0x0, v33;
	v32, v10, _ =	vpop (xrf1);
	[tilespmem:v29+s25+$0x0] =	vst.idx.msk $0xff, v13  }
0x362: {  	v33 =	vld [tilespmem:s11+$0x0];
	(xrf1) =	vsort.dscd.msk.f32 $0xffff, v17, v2;
	v13 =	vmul.f32 $1.442695020e+00, v32;
	(erf) = vpow2.f32 v27;
	[tilespmem:v29+s22+$0x0] =	vst.idx.msk $0xff, v6;
	v6 =	vpop (erf)  }
0x363: {  	(xrf1) =	vsort.ascd.msk.f32 $0xffff, v9, v3;
	v27, v9, _ =	vpop (xrf1)  }
0x364: {  	v17 =	vld [tilespmem:s11+$0xFFFFFFB0];
	v29 =	vmul.f32 v6, v25;
	v6 =	vmov v18;
	v18 =	vmul.f32 $1.442695020e+00, v27  }
0x365: {  	v32 =	vld [tilespmem:s11+$0xFFFFFFA0];
	(xrf1) =	vsort.dscd.msk.f32 $0xffff, v11, v30;
	v11 =	vpop (erf);
	[tilespmem:v19+s22+$0x0] =	vst.idx.msk $0xff, v8  }
0x366: {  	v19 =	vld [tilespmem:s11+$0xFFFFFF90];
	(xrf1) =	vsort.dscd.msk.f32 $0xffff, v23, v2;
	v11 =	vnsel vm0, $0x0, v11;
	(erf) = vpow2.f32 v13;
	v23, v8, _ =	vpop (xrf1);
	[tilespmem:v12+s25+$0x0] =	vst.idx.msk $0xff, v29  }
0x367: {  	v35 =	vld [tilespmem:s11+$0xFFFFFF80];
	(xrf1) =	vsort.ascd.msk.f32 $0xffff, v31, v1;
	v13, v25, _ =	vpop (xrf1);
	v31 =	vsel vm0, v8, v16;
	(erf) = vpow2.f32 v18;
	[tilespmem:v12+s22+$0x0] =	vst.idx.msk $0xff, v24  }
0x368: {  	v12 =	vld [tilespmem:s11+$0xFFFFFF30];
	v18, v16, _ =	vpop (xrf1)  }
0x369: {  	v27 =	vld [tilespmem:s11+$0xFFFFFF20];
	v13 =	vsel vm0, v18, v13;
	v16 =	vsel vm0, v16, v25;
	(xrf1) =	vsort.dscd.msk.f32 $0xffff, v26, v0;
	v34, v8, _ =	vpop (xrf1)  }
0x36a: {  	v44 =	vld [tilespmem:s11+$0xFFFFFF10];
	(xrf1) =	vsort.ascd.msk.f32 $0xffff, v17, v3;
	v17, v18, _ =	vpop (xrf1)  }
0x36b: {  	v37 =	vld [tilespmem:s11+$0xFFFFFF00];
	(xrf1) =	vsort.ascd.msk.f32 $0xffff, v19, v1;
	v19, v24, _ =	vpop (xrf1)  }
0x36c: {  	v26 =	vld [tilespmem:s11+$0xFFFFFEB0];
	v17 =	vsel vm0, v17, v19;
	v18 =	vsel vm0, v18, v24;
	v19 =	vpop (erf);
	(xrf2) =	vadd.scan.msk.f32 $0xffff, v14  }
0x36d: {  	v45 =	vld [tilespmem:s11+$0xFFFFFEA0];
	v29, v38, _ =	vpop (xrf1);
	(xrf1) =	vsort.ascd.msk.f32 $0xffff, v13, v16;
	v13 =	vnsel vm0, $0x0, v19  }
0x36e: {  	v16 =	vld [tilespmem:s11+$0xFFFFFE90];
	(xrf1) =	vsort.ascd.msk.f32 $0xffff, v28, v1;
	v24, v25, _ =	vpop (xrf1)  }
0x36f: {  	v30 =	vld [tilespmem:s11+$0xFFFFFE80];
	(xrf1) =	vsort.dscd.msk.f32 $0xffff, v33, v0;
	v19 =	vpop (erf)  }
0x370: {  	v39 =	vld [tilespmem:s11+$0xFFFFFE30];
	v19 =	vnsel vm0, $0x0, v19;
	v33 =	vpop (erf);
	(xrf2) =	vadd.scan.msk.f32 $0xffff, v11  }
0x371: {  	v36 =	vld [tilespmem:s11+$0xFFFFFE20];
	(xrf1) =	vsort.ascd.msk.f32 $0xffff, v12, v3;
	v12, v41, _ =	vpop (xrf1)  }
0x372: {  	v40 =	vld [tilespmem:s11+$0xFFFFFE10];
	v28 =	vsel vm0, v12, v29;
	v29 =	vsel vm0, v41, v38;
	(xrf1) =	vsort.dscd.msk.f32 $0xffff, v32, v2;
	v32, v38, _ =	vpop (xrf1)  }
0x373: {  	v46 =	vmul.f32 $1.442695020e+00, v34;
	v41 =	vld [tilespmem:s11+$0xFFFFFE00];
	(xrf1) =	vsort.dscd.msk.f32 $0xffff, v27, v2;
	v27, v12, _ =	vpop (xrf1)  }
0x374: {  	(xrf1) =	vsort.ascd.msk.f32 $0xffff, v16, v1;
	v16, v42, _ =	vpop (xrf1);
	v34 =	vmul.f32 $1.442695020e+00, v27  }
0x375: {  	v43, v47, _ =	vpop (xrf1)  }
0x376: {  	v16 =	vsel vm0, v16, v32;
	v27 =	vsel vm0, v42, v38;
	(xrf1) =	vsort.ascd.msk.f32 $0xffff, v20, v1;
	v32, _, _ =	vpop (xrf2)  }
.Ltmp2:
0x377: {  	v20 =	vnsel vm0, $0x0, v33;
	v48, v49, _ =	vpop (xrf1);
	(xrf1) =	vsort.ascd.msk.f32 $0xffff, v16, v27;
	v27 =	vbroadcast v32, $0xF;
	(pc) =	sbr.rel @p0 .LBB2_6-.Ltmp2, $4  }
0x378: {  	v42 =	vsel vm0, v23, v15;
	(xrf1) =	vsort.dscd.msk.f32 $0xffff, v35, v0;
	v33, v35, _ =	vpop (xrf1)  }
0x379: {  	(xrf1) =	vsort.dscd.msk.f32 $0xffff, v37, v0;
	v38, v37, _ =	vpop (xrf1)  }
0x37a: {  	v32 =	vsel vm0, v48, v43;
	v43 =	vsel vm0, v49, v47;
	(xrf1) =	vsort.ascd.msk.f32 $0xffff, v44, v1;
	(erf) = vpow2.f32 v46;
	v23, _, _ =	vpop (xrf2)  }
0x37b: {  	(xrf1) =	vsort.dscd.msk.f32 $0xffff, v45, v2;
	v15, v16, _ =	vpop (xrf1);
	v23 =	vbroadcast v23, $0xF  }
0x37c: {  	(xrf1) =	vsort.dscd.msk.f32 $0xffff, v42, v31  }
0x37d: {  	v31, v42, _ =	vpop (xrf1);
	(xrf1) =	vsort.dscd.msk.f32 $0xffff, v32, v43  }
0x37e: {  	v32, v43, _ =	vpop (xrf1);
	(xrf1) =	vsort.ascd.msk.f32 $0xffff, v39, v3  }
0x37f: {  	v61, v44, _ =	vpop (xrf1);
	(xrf1) =	vsort.dscd.msk.f32 $0xffff, v41, v0  }
0x380: {  	v62, v45, _ =	vpop (xrf1);
	(xrf1) =	vsort.ascd.msk.f32 $0xffff, v40, v1  }
0x381: {  	v63, v46, _ =	vpop (xrf1);
	(xrf1) =	vsort.ascd.msk.f32 $0xffff, v26, v3  }
0x382: {  	v26, v47, _ =	vpop (xrf1);
	(xrf1) =	vsort.dscd.msk.f32 $0xffff, v36, v2  }
0x383: {  	(xrf1) =	vsort.dscd.msk.f32 $0xffff, v30, v0  }
0x384: {  	v30, v48, _ =	vpop (xrf1)  }
0x385: {  	v49, v50, _ =	vpop (xrf1)  }
0x386: {  	(xrf1) =	vsort.ascd.msk.f32 $0xffff, v21, v3;
	v21 =	vsel vm0, v25, v48;
	v24 =	vsel vm0, v24, v30;
	v51, v52, _ =	vpop (xrf1)  }
0x387: {  	(xrf1) =	vsort.ascd.msk.f32 $0xffff, v28, v29;
	v53, v54, _ =	vpop (xrf1);
	v29 =	vsel vm0, v51, v38  }
0x388: {  	(xrf2) =	vadd.scan.msk.f32 $0xffff, v19;
	v25, v28, _ =	vpop (xrf1)  }
0x389: {  	v33 =	vsel vm0, v62, v33;
	(xrf1) =	vsort.dscd.msk.f32 $0xffff, v24, v21;
	v30 =	vsel vm0, v52, v37;
	v24, v55, _ =	vpop (xrf1)  }
0x38a: {  	(xrf1) =	vsort.dscd.msk.f32 $0xffff, v29, v30;
	v30 =	vsel vm0, v45, v35;
	v29, v21, _ =	vpop (xrf1)  }
0x38b: {  	(erf) = vpow2.f32 v34;
	(xrf2) =	vadd.scan.msk.f32 $0xffff, v20;
	v56, v57, _ =	vpop (xrf1)  }
0x38c: {  	(xrf1) =	vsort.dscd.msk.f32 $0xffff, v22, v2;
	v22 =	vsel vm0, v63, v61;
	v58, v59, _ =	vpop (xrf1)  }
0x38d: {  	v28 =	vsel vm0, v54, v28;
	(xrf1) =	vsort.ascd.msk.f32 $0xffff, v33, v30;
	v30, v33, _ =	vpop (xrf1)  }
0x38e: {  	v60 =	vsel vm0, v46, v44;
	v61, v62, _ =	vpop (xrf1)  }
0x38f: {  	v25 =	vsel vm0, v53, v25;
	(xrf1) =	vsort.ascd.msk.f32 $0xffff, v22, v60;
	v22, v39, _ =	vpop (xrf1)  }
0x390: {  	(xrf1) =	vsort.dscd.msk.f32 $0xffff, v25, v28;
	v28, v63, _ =	vpop (xrf1)  }
0x391: {  	v25 =	vmul.f32 $1.442695020e+00, v29;
	v22 =	vsel vm0, v24, v22;
	v24 =	vsel vm0, v55, v39;
	v29, v48, _ =	vpop (xrf1)  }
0x392: {  	v36 =	vpop (erf);
	v34 =	vsel vm0, v56, v49;
	v35 =	vsel vm0, v57, v50;
	v26 =	vsel vm0, v29, v26  }
0x393: {  	(erf) = vrcp.f32 v27;
	v27, _, _ =	vpop (xrf2);
	(xrf1) =	vsort.dscd.msk.f32 $0xffff, v34, v35;
	v29 =	vsel vm0, v48, v47  }
0x394: {  	(xrf1) =	vsort.ascd.msk.f32 $0xffff, v22, v24;
	v24 =	vpop (erf)  }
0x395: {  	(xrf1) =	vsort.dscd.msk.f32 $0xffff, v26, v29;
	v26, _, _ =	vpop (xrf2)  }
0x396: {  	v33 =	vsel vm0, v33, v62;
	v22 =	vnsel vm0, $0x0, v36;
	v28 =	vsel vm0, v28, v58;
	v29, v49, _ =	vpop (xrf1)  }
0x397: {  	(erf) = vpow2.f32 v25;
	v51 =	vsel vm0, v63, v59;
	v25 =	vnsel vm0, $0x0, v24;
	(xrf2) =	vadd.scan.msk.f32 $0xffff, v22;
	v24, v50, _ =	vpop (xrf1)  }
0x398: {  	v30 =	vsel vm0, v30, v61;
	(xrf1) =	vsort.ascd.msk.f32 $0xffff, v28, v51;
	v52, v53, _ =	vpop (xrf1)  }
0x399: {  	(xrf2) =	vadd.scan.msk.f32 $0xffff, v25;
	v28, v36, _ =	vpop (xrf1)  }
0x39a: {  	v27 =	vbroadcast v27, $0xF;
	v24 =	vsel vm0, v52, v24;
	v35 =	vsel vm0, v53, v50;
	v54, v55, _ =	vpop (xrf1);
	(xrf1) =	vsort.dscd.msk.f32 $0xffff, v30, v33  }
0x39b: {  	v30, v33, _ =	vpop (xrf1);
	(xrf1) =	vsort.dscd.msk.f32 $0xffff, v24, v35  }
0x39c: {  	v24 =	vsel vm0, v28, v30;
	v28 =	vsel vm0, v36, v33;
	v30 =	vsel vm0, v32, v31  }
0x39d: {  	(xrf2) =	vadd.scan.msk.f32 $0xffff, v13  }
0x39e: {  	(erf) = vrcp.f32 v27;
	v27 =	vpop (erf);
	v26 =	vbroadcast v26, $0xF;
	(xrf1) =	vsort.dscd.msk.f32 $0xffff, v24, v28;
	v24 =	vsel vm0, v54, v29  }
0x39f: {  	v31 =	vsel vm0, v43, v42;
	v28, v33, _ =	vpop (xrf1)  }
0x3a0: {  	(erf) = vrcp.f32 v26;
	v26 =	vsel vm0, v55, v49;
	(xrf1) =	vsort.dscd.msk.f32 $0xffff, v30, v31;
	v29, v30, _ =	vpop (xrf1)  }
0x3a1: {  	(xrf1) =	vsort.ascd.msk.f32 $0xffff, v24, v26;
	v59, _, _ =	vpop (xrf2)  }
0x3a2: {  	v31, v24, _ =	vpop (xrf1)  }
0x3a3: {  	v58, v57, _ =	vpop (xrf1)  }
0x3a4: {  	v28 =	vsel vm0, v29, v28;
	v29 =	vsel vm0, v30, v33;
	v30, v33, _ =	vpop (xrf1)  }
0x3a5: {  	(xrf1) =	vsort.dscd.msk.f32 $0xffff, v28, v29;
	v28 =	vsel vm0, v30, v58;
	v29 =	vsel vm0, v33, v57;
	v30, _, _ =	vpop (xrf2)  }
0x3a6: {  	v56 =	vpop (erf);
	(xrf1) =	vsort.dscd.msk.f32 $0xffff, v28, v29;
	v29 =	vbroadcast v30, $0xF  }
0x3a7: {  	v26 =	vnsel vm0, $0x0, v56;
	(xrf1) =	vsort.dscd.msk.f32 $0xffff, v17, v18;
	v17, _, _ =	vpop (xrf2)  }
0x3a8: {  	(xrf2) =	vadd.scan.msk.f32 $0xffff, v26;
	v28 =	vpop (erf)  }
0x3a9: {  	(erf) = vrcp.f32 v23;
	v23 =	vpop (erf)  }
0x3aa: {  	(erf) = vrcp.f32 v29;
	v29, v30, _ =	vpop (xrf1)  }
0x3ab: {  	v60 =	vbroadcast v59, $0xF;
	v31 =	vmul.f32 $1.442695020e+00, v31;
	v33, v34, _ =	vpop (xrf1)  }
0x3ac: {  	v61 =	vbroadcast v17, $0xF;
	v62, v18, _ =	vpop (xrf1)  }
0x3ad: {  	(erf) = vrcp.f32 v60;
	v63, v17, _ =	vpop (xrf1)  }
0x3ae: {  	(erf) = vrcp.f32 v61;
	v29 =	vsel vm0, v33, v29;
	v30 =	vsel vm0, v34, v30;
	v41, v40, _ =	vpop (xrf1)  }
0x3af: {  	(erf) = vpow2.f32 v31;
	(xrf1) =	vsort.dscd.msk.f32 $0xffff, v29, v30;
	v31, v42, _ =	vpop (xrf1)  }
0x3b0: {  	v29 =	vsel vm0, v41, v31;
	v30 =	vsel vm0, v40, v42  }
0x3b1: {  	(xrf1) =	vsort.dscd.msk.f32 $0xffff, v29, v30  }
0x3b2: {  	v43, _, _ =	vpop (xrf2)  }
0x3b3: {  	v30, v33, _ =	vpop (xrf1)  }
0x3b4: {  	v34 =	vbroadcast v43, $0xF;
	v44, v37, _ =	vpop (xrf1)  }
0x3b5: {  	v36 =	vmul.f32 $1.442695020e+00, v62;
	v32 =	vmul.f32 $1.442695020e+00, v63;
	v45, v46, _ =	vpop (xrf1)  }
0x3b6: {  	v31 =	vpop (erf);
	(erf) = vrcp.f32 v34;
	v16 =	vsel vm0, v46, v16;
	v15 =	vsel vm0, v45, v15  }
0x3b7: {  	v29 =	vpop (erf);
	(erf) = vpow2.f32 v36;
	(xrf1) =	vsort.dscd.msk.f32 $0xffff, v15, v16;
	v16 =	vmul.f32 $1.442695020e+00, v30  }
0x3b8: {  	v40 =	vpop (erf);
	(erf) = vpow2.f32 v32  }
0x3b9: {  	v34 =	vpop (erf);
	(erf) = vpow2.f32 v16;
	v16 =	vmul.f32 $1.442695020e+00, v44  }
0x3ba: {  	v15 =	vpop (erf)  }
0x3bb: {  	v15 =	vnsel vm0, $0x0, v15  }
0x3bc: {  	(xrf2) =	vadd.scan.msk.f32 $0xffff, v15  }
0x3bd: {  	(erf) = vpow2.f32 v16;
	v16, v30, _ =	vpop (xrf1)  }
0x3be: {  	v16 =	vmul.f32 $1.442695020e+00, v16  }
0x3bf: {  	v47, v48, _ =	vpop (xrf1)  }
0x3c0: {  	v49 =	vpop (erf);
	v32 =	vmul.f32 $1.442695020e+00, v47  }
0x3c1: {  	v50 =	vpop (erf);
	(erf) = vpow2.f32 v16  }
0x3c2: {  	v16 =	vpop (erf);
	(erf) = vpow2.f32 v32;
	_ =	sdelay $0x1  }
0x3c3: {  	v51 =	vnsel vm0, $0x0, v50;
	v52 =	vpop (erf)  }
0x3c4: {  	(xrf2) =	vadd.scan.msk.f32 $0xffff, v51;
	v38 =	vnsel vm0, $0x0, v52  }
0x3c5: {  	v53, _, _ =	vpop (xrf2);
	(xrf2) =	vadd.scan.msk.f32 $0xffff, v38  }
0x3c6: {  	v54, v55, _ =	vpop (xrf1);
	v39 =	vbroadcast v53, $0xF  }
0x3c7: {  	v58 =	vadd.s32 s6, v4;
	v56 =	vpop (erf);
	v41 =	vmul.f32 $1.442695020e+00, v54  }
0x3c8: {  	v57 =	vnsel vm0, $0x0, v56;
	(erf) = vrcp.f32 v39  }
0x3c9: {  	v60 =	vadd.s32 s7, v4;
	(xrf2) =	vadd.scan.msk.f32 $0xffff, v57;
	(erf) = vpow2.f32 v41;
	v59 =	vpop (erf)  }
0x3ca: {  	v14 =	vmul.f32 v27, v14;
	v43 =	vnsel vm0, $0x0, v59;
	v61 =	vpop (erf)  }
0x3cb: {  	v62 =	vadd.s32 s1, v4;
	(xrf2) =	vadd.scan.msk.f32 $0xffff, v43;
	v27 =	vnsel vm0, $0x0, v61  }
0x3cc: {  	[tilespmem:v58+s25+$0x0] =	vst.idx.msk $0xff, v14;
	v14 =	vmul.f32 v28, v19;
	(xrf2) =	vadd.scan.msk.f32 $0xffff, v27  }
0x3cd: {  	[tilespmem:v58+s22+$0x0] =	vst.idx.msk $0xff, v7;
	v7 =	vadd.s32 s5, v4  }
0x3ce: {  	[tilespmem:v60+s25+$0x0] =	vst.idx.msk $0xff, v14;
	v14 =	vmul.f32 v23, v20;
	v16 =	vnsel vm0, $0x0, v16;
	v63, _, _ =	vpop (xrf2)  }
0x3cf: {  	[tilespmem:v60+s22+$0x0] =	vst.idx.msk $0xff, v10;
	v19, _, _ =	vpop (xrf2);
	(xrf2) =	vadd.scan.msk.f32 $0xffff, v16  }
0x3d0: {  	v11 =	vmul.f32 v31, v11;
	[tilespmem:v62+s25+$0x0] =	vst.idx.msk $0xff, v14;
	v14 =	vadd.s32 s26, v4  }
0x3d1: {  	v10 =	vadd.s32 s30, v4;
	[tilespmem:v62+s22+$0x0] =	vst.idx.msk $0xff, v9;
	v19 =	vbroadcast v19, $0xF;
	v20 =	vpop (erf)  }
0x3d2: {  	[tilespmem:v7+s25+$0x0] =	vst.idx.msk $0xff, v11;
	v11 =	vadd.s32 s31, v4;
	v23 =	vpop (erf)  }
0x3d3: {  	[tilespmem:v7+s22+$0x0] =	vst.idx.msk $0xff, v5;
	v5 =	vmul.f32 v40, v22;
	v9, _, _ =	vpop (xrf2);
	(erf) = vrcp.f32 v19;
	v23 =	vnsel vm0, $0x0, v23  }
0x3d4: {  	v9 =	vbroadcast v9, $0xF;
	v19 =	vmul.f32 v29, v25;
	(xrf2) =	vadd.scan.msk.f32 $0xffff, v23  }
0x3d5: {  	[tilespmem:v14+s25+$0x0] =	vst.idx.msk $0xff, v5;
	v5 =	vmul.f32 v34, v13;
	v7, _, _ =	vpop (xrf2)  }
0x3d6: {  	(erf) = vrcp.f32 v9;
	v9 =	vadd.s32 s28, v4;
	[tilespmem:v10+s25+$0x0] =	vst.idx.msk $0xff, v19;
	v19 =	vbroadcast v63, $0xF;
	v13, _, _ =	vpop (xrf2)  }
0x3d7: {  	[tilespmem:v10+s22+$0x0] =	vst.idx.msk $0xff, v12;
	v10 =	vbroadcast v13, $0xF  }
0x3d8: {  	[tilespmem:v11+s25+$0x0] =	vst.idx.msk $0xff, v5;
	v5 =	vadd.s32 s9, v4;
	(erf) = vrcp.f32 v19;
	v7 =	vbroadcast v7, $0xF  }
0x3d9: {  	[tilespmem:v11+s22+$0x0] =	vst.idx.msk $0xff, v6;
	v6 =	vmul.f32 v49, v26;
	v11, _, _ =	vpop (xrf2);
	(erf) = vrcp.f32 v10  }
0x3da: {  	v10 =	vbroadcast v11, $0xF  }
0x3db: {  	[tilespmem:v9+s25+$0x0] =	vst.idx.msk $0xff, v6;
	v6 =	vmul.f32 v20, v15  }
0x3dc: {  	[tilespmem:v14+s22+$0x0] =	vst.idx.msk $0xff, v8;
	v8 =	vadd.s32 s10, v4;
	(erf) = vrcp.f32 v7;
	v7 =	vpop (erf)  }
0x3dd: {  	[tilespmem:v5+s25+$0x0] =	vst.idx.msk $0xff, v6;
	v6 =	vmul.f32 v7, v38  }
0x3de: {  	[tilespmem:v9+s22+$0x0] =	vst.idx.msk $0xff, v21;
	v9 =	vadd.s32 s16, v4;
	(erf) = vrcp.f32 v10;
	v10, _, _ =	vpop (xrf2)  }
0x3df: {  	v7 =	vbroadcast v10, $0xF  }
0x3e0: {  	[tilespmem:v5+s22+$0x0] =	vst.idx.msk $0xff, v24;
	v5 =	vpop (erf);
	v10 =	vadd.s32 s8, v4  }
0x3e1: {  	v5 =	vmul.f32 v5, v57;
	[tilespmem:v8+s25+$0x0] =	vst.idx.msk $0xff, v6;
	v6 =	vpop (erf);
	(erf) = vrcp.f32 v7  }
0x3e2: {  	[tilespmem:v8+s22+$0x0] =	vst.idx.msk $0xff, v33;
	v7 =	vadd.s32 s3, v4;
	v8 =	vpop (erf)  }
0x3e3: {  	[tilespmem:v9+s25+$0x0] =	vst.idx.msk $0xff, v5;
	v5 =	vmul.f32 v6, v51;
	v6 =	vadd.s32 s29, v4;
	v8 =	vmul.f32 v8, v27  }
0x3e4: {  	[tilespmem:v9+s22+$0x0] =	vst.idx.msk $0xff, v37  }
0x3e5: {  	[tilespmem:v10+s25+$0x0] =	vst.idx.msk $0xff, v5;
	v5 =	vadd.s32 s4, v4;
	v9 =	vpop (erf)  }
0x3e6: {  	[tilespmem:v10+s22+$0x0] =	vst.idx.msk $0xff, v18;
	v9 =	vmul.f32 v9, v43  }
0x3e7: {  	[tilespmem:v7+s25+$0x0] =	vst.idx.msk $0xff, v8;
	v8 =	vpop (erf)  }
0x3e8: {  	[tilespmem:v6+s25+$0x0] =	vst.idx.msk $0xff, v9;
	v9 =	vadd.s32 s0, v4;
	v8 =	vmul.f32 v8, v16  }
0x3e9: {  	[tilespmem:v7+s22+$0x0] =	vst.idx.msk $0xff, v48  }
0x3ea: {  	v7 =	vpop (erf);
	[tilespmem:v5+s25+$0x0] =	vst.idx.msk $0xff, v8  }
0x3eb: {  	[tilespmem:v5+s22+$0x0] =	vst.idx.msk $0xff, v17;
	v5 =	vmul.f32 v7, v23  }
0x3ec: {  	[tilespmem:v6+s22+$0x0] =	vst.idx.msk $0xff, v30  }
0x3ed: {  	[tilespmem:v9+s25+$0x0] =	vst.idx.msk $0xff, v5  }
0x3ee: {  	[tilespmem:v9+s22+$0x0] =	vst.idx.msk $0xff, v55  }
0x3ef: {  	s16 =	simm.s32 $0x0;
	s15 =	rddreg [dreg:$0xc]  }
0x3f0: {  	[hbm4b:s15+s16] =	stream.linear.scatter [tilespmem:s25], [sflag:$0x3], $0x800, $0x38;
	[tilespmem:$0x12000] =	vst v63  }
0x3f1: {  	s18 =	simm.s32 $0x2;
	s17 =	rddreg [dreg:$0xd]  }
0x3f2: {  	[hbm4b:s17+s16] =	stream.linear.scatter [tilespmem:s22], [sflag:$0x3], $0x800, $0x38;
	[tilespmem:$0x12000] =	vst v63  }
0x3f3: {  	_ =	swait.ge [sflag:s18], $0x8000  }
0x3f4: {  	[sflag:s18] =	ssyncset.done $0x0  }
0x3f5: {  	s19 =	simm.s32 $0x4;
	[sflag:s18] =	ssyncadd.s32 $0xFFFF8000  }
0x3f6: {  	_ =	swait.ge [sflag:s19], $0x800  }
0x3f7: {  	[sflag:s19] =	ssyncset.done $0x0  }
0x3f8: {  	[sflag:s19] =	ssyncadd.s32 $0xFFFFF800  }
0x3f9: {  	_ =	swait.ge [sflag:s19], $0x800  }
0x3fa: {  	[sflag:s19] =	ssyncset.done $0x0  }
0x3fb: {  	s20 =	simm.s32 $0x83B0;
	[sflag:s19] =	ssyncadd.s32 $0xFFFFF800  }
0x3fc: {  	v5 =	vld [tilespmem:s20+$0x0]  }
0x3fd: {  	v6 =	vld [tilespmem:s20+$0xFFFFFFF0];
	_ =	sdelay $0x2  }
0x3fe: {  	v7 =	vld [tilespmem:s20+$0xFFFFFFD0]  }
0x3ff: {  	v8 =	vld [tilespmem:s20+$0xFFFFFFE0];
	(xrf1) =	vsort.ascd.msk.f32 $0xffff, v5, v3  }
0x400: {  	v9 =	vld [tilespmem:s20+$0xFFFFFF80];
	(xrf1) =	vsort.dscd.msk.f32 $0xffff, v6, v2  }
0x401: {  	v5 =	vld [tilespmem:s20+$0xFFFFFF50]  }
0x402: {  	v6 =	vld [tilespmem:s20+$0xFFFFFF70]  }
0x403: {  	v10 =	vld [tilespmem:s20+$0xFFFFFF00];
	(xrf1) =	vsort.dscd.msk.f32 $0xffff, v7, v0  }
0x404: {  	v7 =	vld [tilespmem:s20+$0xFFFFFEF0];
	(xrf1) =	vsort.ascd.msk.f32 $0xffff, v8, v1  }
0x405: {  	(xrf1) =	vsort.ascd.msk.f32 $0xffff, v9, v3  }
0x406: {  	(xrf1) =	vsort.dscd.msk.f32 $0xffff, v5, v0  }
0x407: {  	(xrf1) =	vsort.dscd.msk.f32 $0xffff, v6, v2  }
0x408: {  	v5 =	vld [tilespmem:s20+$0xFFFFFEE0];
	(xrf1) =	vsort.ascd.msk.f32 $0xffff, v10, v3  }
0x409: {  	v6 =	vld [tilespmem:s20+$0xFFFFFED0];
	(xrf1) =	vsort.dscd.msk.f32 $0xffff, v7, v2  }
0x40a: {  	v7 =	vld [tilespmem:s20+$0xFFFFFE00]  }
0x40b: {  	v8 =	vld [tilespmem:s20+$0xFFFFFDE0];
	_ =	sdelay $0x1  }
0x40c: {  	v10 =	vld [tilespmem:s20+$0xFFFFFE60];
	(xrf1) =	vsort.ascd.msk.f32 $0xffff, v5, v1;
	v5, v9, _ =	vpop (xrf1)  }
0x40d: {  	v11 =	vld [tilespmem:s20+$0xFFFFFE50];
	(xrf1) =	vsort.dscd.msk.f32 $0xffff, v6, v0;
	v6, v13, _ =	vpop (xrf1)  }
0x40e: {  	v12 =	vld [tilespmem:s20+$0xFFFFFD80];
	(xrf1) =	vsort.ascd.msk.f32 $0xffff, v7, v3;
	v9 =	vsel vm0, v13, v9  }
0x40f: {  	v7 =	vld [tilespmem:s20+$0xFFFFFDF0];
	(xrf1) =	vsort.ascd.msk.f32 $0xffff, v8, v1;
	v14 =	vsel vm0, v6, v5  }
0x410: {  	v13 =	vld [tilespmem:s20+$0xFFFFFD70];
	v6, v5, _ =	vpop (xrf1);
	(xrf1) =	vsort.ascd.msk.f32 $0xffff, v14, v9  }
0x411: {  	v14 =	vld [tilespmem:s20+$0xFFFFFCE0];
	(xrf1) =	vsort.ascd.msk.f32 $0xffff, v10, v1;
	v9, v8, _ =	vpop (xrf1)  }
0x412: {  	(xrf1) =	vsort.dscd.msk.f32 $0xffff, v11, v0;
	v16, v17, _ =	vpop (xrf1)  }
0x413: {  	(xrf1) =	vsort.ascd.msk.f32 $0xffff, v12, v3;
	v11, v18, _ =	vpop (xrf1)  }
0x414: {  	v10 =	vld [tilespmem:s20+$0xFFFFFF60];
	(xrf1) =	vsort.dscd.msk.f32 $0xffff, v7, v2;
	v19, v20, _ =	vpop (xrf1)  }
0x415: {  	(xrf1) =	vsort.dscd.msk.f32 $0xffff, v13, v2;
	v15, v21, _ =	vpop (xrf1)  }
0x416: {  	v12 =	vld [tilespmem:s20+$0xFFFFFDD0];
	(xrf1) =	vsort.ascd.msk.f32 $0xffff, v14, v1;
	v14, v22, _ =	vpop (xrf1)  }
0x417: {  	v7 =	vld [tilespmem:s20+$0xFFFFFD50];
	v14 =	vsel vm0, v14, v15;
	v15 =	vsel vm0, v22, v21  }
0x418: {  	v13 =	vld [tilespmem:s20+$0xFFFFFD60]  }
0x419: {  	(xrf1) =	vsort.ascd.msk.f32 $0xffff, v10, v1  }
0x41a: {  	(xrf1) =	vsort.ascd.msk.f32 $0xffff, v14, v15  }
0x41b: {  	v23 =	vld [tilespmem:s20+$0xFFFFFCF0];
	(xrf1) =	vsort.dscd.msk.f32 $0xffff, v12, v0;
	v14, v15, _ =	vpop (xrf1)  }
0x41c: {  	(xrf1) =	vsort.dscd.msk.f32 $0xffff, v7, v0;
	v21, v22, _ =	vpop (xrf1)  }
0x41d: {  	v10 =	vld [tilespmem:s20+$0xFFFFFC80];
	(xrf1) =	vsort.ascd.msk.f32 $0xffff, v13, v1;
	v13 =	vsel vm0, v21, v14  }
0x41e: {  	v12 =	vld [tilespmem:s20+$0xFFFFFC50]  }
0x41f: {  	v7 =	vld [tilespmem:s20+$0xFFFFFC60];
	v25, v26, _ =	vpop (xrf1)  }
0x420: {  	v24 =	vld [tilespmem:s20+$0xFFFFFD00];
	v14 =	vsel vm0, v22, v15;
	(xrf1) =	vsort.dscd.msk.f32 $0xffff, v23, v2;
	v22, v23, _ =	vpop (xrf1)  }
0x421: {  	v21 =	vld [tilespmem:s20+$0xFFFFFC70];
	(xrf1) =	vsort.dscd.msk.f32 $0xffff, v13, v14;
	v15, v13, _ =	vpop (xrf1)  }
0x422: {  	v14 =	vld [tilespmem:s20+$0xFFFFFCD0];
	(xrf1) =	vsort.ascd.msk.f32 $0xffff, v10, v3;
	v10, v27, _ =	vpop (xrf1)  }
0x423: {  	(xrf1) =	vsort.dscd.msk.f32 $0xffff, v12, v0;
	v12, v28, _ =	vpop (xrf1)  }
0x424: {  	(xrf1) =	vsort.ascd.msk.f32 $0xffff, v7, v1;
	v29, v30, _ =	vpop (xrf1)  }
0x425: {  	v7 =	vld [tilespmem:s20+$0xFFFFFE80];
	(xrf1) =	vsort.ascd.msk.f32 $0xffff, v24, v3;
	v24, v31, _ =	vpop (xrf1)  }
0x426: {  	(xrf1) =	vsort.dscd.msk.f32 $0xffff, v21, v2;
	v21, v42, _ =	vpop (xrf1)  }
0x427: {  	(xrf1) =	vsort.dscd.msk.f32 $0xffff, v14, v0;
	v14, v43, _ =	vpop (xrf1)  }
0x428: {  	v44, v45, _ =	vpop (xrf1)  }
0x429: {  	v17 =	vsel vm0, v20, v17;
	v11 =	vsel vm0, v11, v44  }
0x42a: {  	v16 =	vsel vm0, v19, v16;
	(xrf1) =	vsort.ascd.msk.f32 $0xffff, v7, v3;
	v19, v20, _ =	vpop (xrf1);
	v7 =	vsel vm0, v18, v45  }
0x42b: {  	v18, v35, _ =	vpop (xrf1)  }
0x42c: {  	(xrf1) =	vsort.ascd.msk.f32 $0xffff, v16, v17;
	v16 =	vld [tilespmem:s20+$0xFFFFFE70];
	v17, v46, _ =	vpop (xrf1)  }
0x42d: {  	(xrf1) =	vsort.dscd.msk.f32 $0xffff, v11, v7;
	v18 =	vsel vm0, v18, v22;
	v22 =	vsel vm0, v35, v23;
	v7, v11, _ =	vpop (xrf1)  }
0x42e: {  	(xrf1) =	vsort.dscd.msk.f32 $0xffff, v18, v22;
	v22 =	vsel vm0, v24, v25;
	v47, v48, _ =	vpop (xrf1)  }
0x42f: {  	v21 =	vsel vm0, v21, v29;
	v18 =	vsel vm0, v31, v26;
	v23, v35, _ =	vpop (xrf1)  }
0x430: {  	v11 =	vsel vm0, v46, v11;
	v49, v50, _ =	vpop (xrf1)  }
0x431: {  	v25 =	vsel vm0, v42, v30;
	(xrf1) =	vsort.dscd.msk.f32 $0xffff, v16, v2;
	v7 =	vsel vm0, v17, v7;
	v16, v24, _ =	vpop (xrf1)  }
0x432: {  	(xrf1) =	vsort.ascd.msk.f32 $0xffff, v22, v18;
	v18, v22, _ =	vpop (xrf1)  }
0x433: {  	(xrf1) =	vsort.ascd.msk.f32 $0xffff, v21, v25;
	v17, v21, _ =	vpop (xrf1)  }
0x434: {  	(xrf1) =	vsort.dscd.msk.f32 $0xffff, v7, v11;
	v7, v11, _ =	vpop (xrf1)  }
0x435: {  	v19 =	vsel vm0, v23, v19;
	v20 =	vsel vm0, v35, v20;
	v17 =	vsel vm0, v47, v17;
	v23, v25, _ =	vpop (xrf1)  }
0x436: {  	(xrf1) =	vsort.dscd.msk.f32 $0xffff, v19, v20;
	v14 =	vsel vm0, v23, v14  }
0x437: {  	v21 =	vsel vm0, v48, v21;
	v11 =	vsel vm0, v11, v50;
	v19 =	vsel vm0, v25, v43  }
0x438: {  	(xrf1) =	vsort.ascd.msk.f32 $0xffff, v17, v21;
	v7 =	vsel vm0, v7, v49  }
0x439: {  	(xrf1) =	vsort.dscd.msk.f32 $0xffff, v14, v19;
	v14, v17, _ =	vpop (xrf1)  }
0x43a: {  	v19, v20, _ =	vpop (xrf1)  }
0x43b: {  	(xrf1) =	vsort.ascd.msk.f32 $0xffff, v7, v11;
	v7, v11, _ =	vpop (xrf1)  }
0x43c: {  	v11 =	vsel vm0, v11, v20  }
0x43d: {  	v16 =	vsel vm0, v16, v18;
	v18 =	vsel vm0, v24, v22;
	v7 =	vsel vm0, v7, v19  }
0x43e: {  	(xrf1) =	vsort.dscd.msk.f32 $0xffff, v16, v18  }
0x43f: {  	(xrf1) =	vsort.dscd.msk.f32 $0xffff, v7, v11  }
0x440: {  	v7, v11, _ =	vpop (xrf1)  }
0x441: {  	v16, v18, _ =	vpop (xrf1)  }
0x442: {  	v19, v20, _ =	vpop (xrf1)  }
0x443: {  	v7 =	vsel vm0, v7, v19;
	v11 =	vsel vm0, v11, v20  }
0x444: {  	v10 =	vsel vm0, v12, v10  }
0x445: {  	v12 =	vsel vm0, v28, v27;
	v19, v20, _ =	vpop (xrf1);
	(xrf1) =	vsort.dscd.msk.f32 $0xffff, v7, v11  }
0x446: {  	v14 =	vsel vm0, v16, v14;
	v16 =	vsel vm0, v18, v17;
	(xrf1) =	vsort.dscd.msk.f32 $0xffff, v10, v12;
	v11, v21, _ =	vpop (xrf1)  }
0x447: {  	(xrf1) =	vsort.ascd.msk.f32 $0xffff, v14, v16;
	v10, v7, _ =	vpop (xrf1);
	v11 =	vsel vm0, v11, v19;
	v14 =	vsel vm0, v21, v20  }
0x448: {  	v12, v17, _ =	vpop (xrf1);
	(xrf1) =	vsort.dscd.msk.f32 $0xffff, v11, v14  }
0x449: {  	s11 =	simm.s32 $0x87B0;
	v5 =	vsel vm0, v5, v8;
	v18, v19, _ =	vpop (xrf1)  }
0x44a: {  	v6 =	vsel vm0, v6, v9;
	v16 =	vld [tilespmem:s11+$0x0];
	v12 =	vsel vm0, v18, v12;
	v14 =	vsel vm0, v19, v17  }
0x44b: {  	v11 =	vld [tilespmem:s11+$0xFFFFFFF0];
	v8 =	vmul.f32 $1.442695020e+00, v10;
	v9, v10, _ =	vpop (xrf1);
	(xrf1) =	vsort.dscd.msk.f32 $0xffff, v12, v14  }
0x44c: {  	v17, v18, _ =	vpop (xrf1)  }
0x44d: {  	v12 =	vld [tilespmem:s11+$0xFFFFFFD0];
	(xrf1) =	vsort.dscd.msk.f32 $0xffff, v6, v5;
	v6, v5, _ =	vpop (xrf1)  }
0x44e: {  	v14 =	vld [tilespmem:s11+$0xFFFFFFE0];
	v6 =	vmul.f32 $1.442695020e+00, v6  }
0x44f: {  	(erf) = vpow2.f32 v8;
	v8 =	vld [tilespmem:s11+$0xFFFFFF80];
	(xrf1) =	vsort.ascd.msk.f32 $0xffff, v16, v3  }
0x450: {  	v9 =	vsel vm0, v17, v9;
	v10 =	vsel vm0, v18, v10;
	(xrf1) =	vsort.dscd.msk.f32 $0xffff, v11, v2  }
0x451: {  	(xrf1) =	vsort.dscd.msk.f32 $0xffff, v9, v10  }
0x452: {  	v11 =	vld [tilespmem:s11+$0xFFFFFF50];
	(erf) = vpow2.f32 v6;
	(xrf1) =	vsort.dscd.msk.f32 $0xffff, v12, v0  }
0x453: {  	v9 =	vld [tilespmem:s11+$0xFFFFFF70];
	(xrf1) =	vsort.ascd.msk.f32 $0xffff, v14, v1;
	v10, v6, _ =	vpop (xrf1)  }
0x454: {  	v12 =	vld [tilespmem:s11+$0xFFFFFF00];
	(xrf1) =	vsort.ascd.msk.f32 $0xffff, v8, v3;
	v8, v14, _ =	vpop (xrf1)  }
0x455: {  	v16 =	vmul.f32 $1.442695020e+00, v10;
	v17, v18, _ =	vpop (xrf1)  }
0x456: {  	v21, v10, _ =	vpop (xrf1)  }
0x457: {  	(xrf1) =	vsort.dscd.msk.f32 $0xffff, v11, v0;
	v11 =	vld [tilespmem:s11+$0xFFFFFEF0];
	(erf) = vpow2.f32 v16;
	v8 =	vsel vm0, v8, v17;
	v17 =	vmul.f32 $1.442695020e+00, v21  }
0x458: {  	v19 =	vld [tilespmem:s11+$0xFFFFFEE0];
	(xrf1) =	vsort.dscd.msk.f32 $0xffff, v9, v2  }
0x459: {  	(xrf1) =	vsort.ascd.msk.f32 $0xffff, v12, v3;
	v12, v9, _ =	vpop (xrf1)  }
0x45a: {  	v20 =	vpop (erf);
	v16 =	vld [tilespmem:s11+$0xFFFFFED0];
	v14 =	vsel vm0, v14, v18;
	v12 =	vmul.f32 $1.442695020e+00, v12  }
0x45b: {  	v18 =	vld [tilespmem:s11+$0xFFFFFE00];
	(xrf1) =	vsort.dscd.msk.f32 $0xffff, v8, v14;
	v22 =	vpop (erf);
	(erf) = vpow2.f32 v17  }
0x45c: {  	(xrf1) =	vsort.dscd.msk.f32 $0xffff, v11, v2;
	v32, v17, _ =	vpop (xrf1)  }
0x45d: {  	v23 =	vld [tilespmem:s11+$0xFFFFFDE0];
	(xrf1) =	vsort.ascd.msk.f32 $0xffff, v19, v1;
	v11, v19, _ =	vpop (xrf1)  }
0x45e: {  	(erf) = vpow2.f32 v12;
	v12, v24, _ =	vpop (xrf1)  }
0x45f: {  	v26 =	vld [tilespmem:s11+$0xFFFFFE60];
	(xrf1) =	vsort.dscd.msk.f32 $0xffff, v16, v0;
	v16, v8, _ =	vpop (xrf1)  }
0x460: {  	s21 =	simm.s32 $0x0;
	s2 =	simm.s32 $0x2;
	s23 =	simm.s32 $0x0;
	v51 =	vld [tilespmem:s11+$0xFFFFFCE0];
	v14 =	vnsel vm0, $0x0, v20;
	(xrf1) =	vsort.ascd.msk.f32 $0xffff, v18, v3;
	v11 =	vsel vm0, v12, v11;
	v12 =	vsel vm0, v24, v19;
	v19 =	vpop (erf)  }
0x461: {  	s24 =	simm.s32 $0x7;
	s2 =	sand.u32 $0x7A, s2;
	s7 =	simm.s32 $0x5;
	v29 =	vld [tilespmem:s11+$0xFFFFFE50];
	(xrf2) =	vadd.scan.msk.f32 $0xffff, v14;
	v18, v28, _ =	vpop (xrf1)  }
0x462: {  	s5 =	sand.u32 $0x7D, s7;
	s10 =	simm.s32 $0x6;
	s9 =	simm.s32 $0x4;
	v52 =	vld [tilespmem:s11+$0xFFFFFDD0];
	(xrf1) =	vsort.ascd.msk.f32 $0xffff, v23, v1;
	v20, v23, _ =	vpop (xrf1)  }
0x463: {  	s12 =	sand.u32 $0x7E, s10;
	s13 =	sand.u32 $0x7C, s9;
	s3 =	sand.u32 $0xFFFFFC00, s23;
	v30 =	vld [tilespmem:s11+$0xFFFFFD80];
	v33, v34, _ =	vpop (xrf1);
	(xrf1) =	vsort.ascd.msk.f32 $0xffff, v11, v12  }
0x464: {  	s6 =	sor.u32 s3, s5;
	s7 =	sor.u32 s3, s2;
	s30 =	sor.u32 s3, s13;
	v12 =	vld [tilespmem:s11+$0xFFFFFDF0];
	v11 =	vnsel vm0, $0x0, v22;
	v35 =	vpop (erf);
	(xrf1) =	vsort.ascd.msk.f32 $0xffff, v26, v1  }
0x465: {  	s5 =	sor.u32 s3, s12;
	s12 =	simm.s32 $0x8;
	s4 =	sand.u32 $0x7F, s24;
	v31 =	vld [tilespmem:s11+$0xFFFFFD70];
	v24, v25, _ =	vpop (xrf1);
	(xrf2) =	vadd.scan.msk.f32 $0xffff, v11  }
0x466: {  	s28 =	sor.u32 s3, s4;
	s0 =	sand.u32 $0x78, s21;
	s21 =	simm.s32 $0xC;
	v54 =	vld [tilespmem:s11+$0xFFFFFD60];
	(xrf1) =	vsort.dscd.msk.f32 $0xffff, v29, v0;
	v29, v38, _ =	vpop (xrf1)  }
0x467: {  	s26 =	sor.u32 s0, s3;
	s25 =	simm.s32 $0x3;
	s15 =	simm.s32 $0x9;
	v27 =	vld [tilespmem:s11+$0xFFFFFF60];
	v37 =	vpop (erf)  }
0x468: {  	s24 =	sand.u32 $0x7C, s21;
	s14 =	sand.u32 $0x7B, s25;
	s0 =	sand.u32 $0x79, s15;
	v56 =	vld [tilespmem:s11+$0xFFFFFD50];
	(xrf1) =	vsort.ascd.msk.f32 $0xffff, v30, v3;
	v30, v53, _ =	vpop (xrf1)  }
0x469: {  	s22 =	simm.s32 $0x1;
	s31 =	sor.u32 s3, s14;
	s16 =	simm.s32 $0xA;
	v61 =	vld [tilespmem:s11+$0xFFFFFCF0];
	(xrf1) =	vsort.dscd.msk.f32 $0xffff, v12, v2;
	v55, v12, _ =	vpop (xrf1)  }
0x46a: {  	s17 =	simm.s32 $0x40;
	s14 =	simm.s32 $0xE;
	s1 =	sand.u32 $0x79, s22;
	v36 =	vld [tilespmem:s11+$0xFFFFFC70];
	(xrf1) =	vsort.dscd.msk.f32 $0xffff, v31, v2;
	v57, v58, _ =	vpop (xrf1)  }
0x46b: {  	s13 =	sand.u32 $0xFFFFFC00, s17;
	s2 =	sand.u32 $0x7A, s16;
	s22 =	sand.u32 $0x78, s12;
	v40 =	vld [tilespmem:s11+$0xFFFFFC60];
	v31 =	vsel vm0, v17, v13;
	(xrf1) =	vsort.ascd.msk.f32 $0xffff, v51, v1;
	v60, v59, _ =	vpop (xrf1)  }
0x46c: {  	s23 =	sand.u32 $0x7E, s14;
	s1 =	sor.u32 s3, s1;
	s29 =	sor.u32 s22, s13;
	v41 =	vld [tilespmem:s11+$0xFFFFFC50];
	v16 =	vmul.f32 $1.442695020e+00, v16;
	v62 =	vsel vm0, v57, v30;
	v39 =	vsel vm0, v58, v53;
	(xrf1) =	vsort.ascd.msk.f32 $0xffff, v27, v1;
	v27, _, _ =	vpop (xrf2)  }
0x46d: {  	s16 =	sor.u32 s13, s0;
	s10 =	sor.u32 s13, s2;
	s8 =	sor.u32 s13, s23;
	v21 =	vld [tilespmem:s11+$0xFFFFFE80];
	v17 =	vsel vm0, v18, v20;
	v18 =	vsel vm0, v28, v23;
	(xrf1) =	vsort.ascd.msk.f32 $0xffff, v62, v39;
	v23, v63, _ =	vpop (xrf1)  }
0x46e: {  	s22 =	simm.s32 $0x11800;
	s18 =	simm.s32 $0xF;
	s19 =	simm.s32 $0xB;
	v22 =	vld [tilespmem:s11+$0xFFFFFE70];
	v13 =	vnsel vm0, $0x0, v19;
	v19 =	vnsel vm0, $0x0, v35;
	v28 =	vsel vm0, v29, v33;
	(xrf1) =	vsort.dscd.msk.f32 $0xffff, v52, v0;
	v33, v35, _ =	vpop (xrf1)  }
0x46f: {  	s4 =	sand.u32 $0x7F, s18;
	s25 =	sand.u32 $0x7B, s19;
	s20 =	simm.s32 $0xD;
	v42 =	vsel vm0, v32, v15;
	(erf) = vpow2.f32 v16;
	v26 =	vld [tilespmem:s11+$0xFFFFFD00];
	(xrf1) =	vsort.dscd.msk.f32 $0xffff, v56, v0;
	v32 =	vsel vm0, v23, v60;
	v23, _, _ =	vpop (xrf2)  }
0x470: {  	s0 =	sor.u32 s13, s4;
	s4 =	sor.u32 s13, s25;
	s3 =	sand.u32 $0x7D, s20;
	v29 =	vsel vm0, v38, v34;
	v34 =	vmul.f32 $1.442695020e+00, v55;
	v20 =	vnsel vm0, $0x0, v37;
	v39 =	vld [tilespmem:s11+$0xFFFFFC80];
	v38, v37, _ =	vpop (xrf1);
	(xrf1) =	vsort.ascd.msk.f32 $0xffff, v54, v1  }
0x471: {  	s25 =	simm.s32 $0x10800;
	s9 =	sor.u32 s13, s3;
	s3 =	sor.u32 s13, s24;
	v30 =	vld [tilespmem:s11+$0xFFFFFCD0];
	v27 =	vbroadcast v27, $0xF;
	v43 =	vsel vm0, v63, v59;
	v23 =	vbroadcast v23, $0xF;
	(xrf1) =	vsort.dscd.msk.f32 $0xffff, v61, v2;
	v15, v16, _ =	vpop (xrf1)  }
.LBB2_8:
0x472: {  	s2 =	sadd.s32 $0x9, s12  }
0x473: {  	s13 =	sadd.s32 $0xA, s12;
	v44, v45, _ =	vpop (xrf1);
	(xrf1) =	vsort.dscd.msk.f32 $0xffff, v42, v31;
	s14 =	smov.u32 s12;
	s12 =	sadd.s32 $0x8, s12  }
0x474: {  	s15 =	sshll.u32 s12, $0x3;
	s17 =	sadd.s32 $0xF, s14;
	p0 =	slt.u32 s12, $0xF8;
	v31, v42, _ =	vpop (xrf1);
	(xrf1) =	vsort.dscd.msk.f32 $0xffff, v32, v43  }
0x475: {  	s18 =	sadd.s32 $0xB, s14;
	s19 =	sadd.s32 $0xD, s14;
	s15 =	sand.u32 $0xFFFFFC00, s15;
	v31 =	vsel vm0, v31, v44;
	v32 =	vsel vm0, v42, v45;
	(xrf1) =	vsort.ascd.msk.f32 $0xffff, v39, v3  }
0x476: {  	s2 =	sand.u32 $0x79, s2;
	s13 =	sand.u32 $0x7A, s13;
	s20 =	sadd.s32 $0xC, s14;
	v39, v42, _ =	vpop (xrf1)  }
0x477: {  	s21 =	sand.u32 $0x78, s12;
	s23 =	sadd.s32 $0xE, s14;
	s19 =	sand.u32 $0x7D, s19;
	v43, v44, _ =	vpop (xrf1)  }
0x478: {  	s14 =	sor.u32 s21, s15;
	s2 =	sor.u32 s15, s2;
	s21 =	sand.u32 $0x7E, s23;
	(xrf1) =	vsort.dscd.msk.f32 $0xffff, v41, v0;
	v41, v45, _ =	vpop (xrf1)  }
0x479: {  	s20 =	sand.u32 $0x7C, s20;
	s24 =	sor.u32 s15, s19;
	s19 =	sand.u32 $0x7F, s17;
	(xrf1) =	vsort.ascd.msk.f32 $0xffff, v40, v1;
	v40, v46, _ =	vpop (xrf1)  }
0x47a: {  	s23 =	sor.u32 s15, s13;
	s17 =	sor.u32 s15, s20;
	s20 =	sor.u32 s15, s21;
	v47 =	vpop (erf);
	(xrf2) =	vadd.scan.msk.f32 $0xffff, v19  }
0x47b: {  	s18 =	sand.u32 $0x7B, s18;
	s13 =	sor.u32 s15, s19;
	v39 =	vsel vm0, v41, v39;
	v41 =	vsel vm0, v45, v42;
	(xrf1) =	vsort.ascd.msk.f32 $0xffff, v26, v3;
	v42, v45, _ =	vpop (xrf1);
	v26 =	vnsel vm0, $0x0, v47  }
0x47c: {  	s15 =	sor.u32 s15, s18;
	(xrf1) =	vsort.dscd.msk.f32 $0xffff, v36, v2;
	v36, v47, _ =	vpop (xrf1);
	(erf) = vpow2.f32 v34  }
0x47d: {  	v25 =	vsel vm0, v25, v45;
	(xrf1) =	vsort.dscd.msk.f32 $0xffff, v30, v0;
	v30, v34, _ =	vpop (xrf1)  }
0x47e: {  	v35 =	vsel vm0, v44, v35;
	v42 =	vsel vm0, v24, v42;
	v44, v45, _ =	vpop (xrf1);
	(xrf2) =	vadd.scan.msk.f32 $0xffff, v20  }
0x47f: {  	v33 =	vsel vm0, v43, v33;
	v43, v48, _ =	vpop (xrf1)  }
0x480: {  	v30 =	vsel vm0, v30, v38;
	v34 =	vsel vm0, v34, v37;
	v37, v38, _ =	vpop (xrf1);
	(xrf1) =	vsort.ascd.msk.f32 $0xffff, v21, v3  }
0x481: {  	(xrf1) =	vsort.ascd.msk.f32 $0xffff, v28, v29;
	v21, v24, _ =	vpop (xrf1)  }
0x482: {  	v28, v29, _ =	vpop (xrf1);
	(xrf1) =	vsort.dscd.msk.f32 $0xffff, v42, v25;
	v42 =	vmul.f32 $1.442695020e+00, v21  }
0x483: {  	v25 =	vsel vm0, v28, v36;
	v28 =	vsel vm0, v29, v47;
	v29, v36, _ =	vpop (xrf1);
	(xrf1) =	vsort.dscd.msk.f32 $0xffff, v30, v34;
	(erf) = vrcp.f32 v27  }
0x484: {  	(xrf1) =	vsort.dscd.msk.f32 $0xffff, v22, v2;
	v22, _, _ =	vpop (xrf2);
	(erf) = vpow2.f32 v42  }
0x485: {  	v27 =	vsel vm0, v44, v43;
	v30 =	vsel vm0, v45, v48;
	(xrf1) =	vsort.ascd.msk.f32 $0xffff, v33, v35;
	v21 =	vpop (erf)  }
0x486: {  	v33, v34, _ =	vpop (xrf1);
	v21 =	vnsel vm0, $0x0, v21  }
0x487: {  	v22 =	vbroadcast v22, $0xF;
	v35, v42, _ =	vpop (xrf1)  }
0x488: {  	(xrf1) =	vsort.ascd.msk.f32 $0xffff, v39, v41;
	v39, _, _ =	vpop (xrf2)  }
0x489: {  	v41, v43, _ =	vpop (xrf1);
	(xrf1) =	vsort.dscd.msk.f32 $0xffff, v27, v30;
	v27 =	vbroadcast v39, $0xF  }
0x48a: {  	v30 =	vsel vm0, v33, v35;
	v33 =	vsel vm0, v34, v42;
	v34 =	vsel vm0, v37, v41;
	v35, v37, _ =	vpop (xrf1);
	(xrf2) =	vadd.scan.msk.f32 $0xffff, v26  }
0x48b: {  	v42 =	vadd.s32 s6, v4;
	s6 =	smov.u32 s9;
	s9 =	smov.u32 s24;
	v38 =	vsel vm0, v38, v43;
	v39, v41, _ =	vpop (xrf1)  }
0x48c: {  	v29 =	vsel vm0, v35, v29;
	v35 =	vsel vm0, v37, v36;
	(xrf1) =	vsort.dscd.msk.f32 $0xffff, v25, v28;
	(erf) = vrcp.f32 v22;
	v22 =	vpop (erf)  }
0x48d: {  	v39 =	vsel vm0, v39, v40;
	v36 =	vsel vm0, v41, v46;
	(xrf1) =	vsort.ascd.msk.f32 $0xffff, v34, v38;
	v25 =	vpop (erf)  }
0x48e: {  	v14 =	vmul.f32 v22, v14;
	v34, v37, _ =	vpop (xrf1);
	v25 =	vnsel vm0, $0x0, v25;
	(xrf2) =	vadd.scan.msk.f32 $0xffff, v21  }
0x48f: {  	(xrf1) =	vsort.dscd.msk.f32 $0xffff, v39, v36;
	v22, v28, _ =	vpop (xrf1)  }
0x490: {  	(xrf1) =	vsort.ascd.msk.f32 $0xffff, v29, v35;
	v29, v35, _ =	vpop (xrf1);
	[tilespmem:v42+s25+$0x0] =	vst.idx.msk $0xff, v14;
	(erf) = vrcp.f32 v27  }
0x491: {  	v14 =	vsel vm0, v29, v22;
	v22 =	vsel vm0, v35, v28;
	v27, v28, _ =	vpop (xrf1);
	[tilespmem:v42+s22+$0x0] =	vst.idx.msk $0xff, v7  }
0x492: {  	v7, v29, _ =	vpop (xrf1);
	(xrf2) =	vadd.scan.msk.f32 $0xffff, v13  }
0x493: {  	v35 =	vadd.s32 s7, v4;
	s7 =	smov.u32 s10;
	s10 =	smov.u32 s23;
	(xrf1) =	vsort.dscd.msk.f32 $0xffff, v30, v33;
	v30, v33, _ =	vpop (xrf1)  }
0x494: {  	(xrf1) =	vsort.dscd.msk.f32 $0xffff, v14, v22;
	v14, _, _ =	vpop (xrf2)  }
0x495: {  	v38 =	vsel vm0, v27, v30;
	v36 =	vsel vm0, v28, v33;
	v28 =	vpop (erf);
	(xrf2) =	vadd.scan.msk.f32 $0xffff, v25  }
0x496: {  	v30, v33, _ =	vpop (xrf1);
	(xrf1) =	vsort.dscd.msk.f32 $0xffff, v38, v36;
	v36 =	vmul.f32 v28, v19  }
0x497: {  	v22, v27, _ =	vpop (xrf1);
	(erf) = vrcp.f32 v23  }
0x498: {  	v28 =	vsel vm0, v29, v37;
	v29 =	vadd.s32 s1, v4;
	s1 =	smov.u32 s16;
	s16 =	smov.u32 s2;
	v23 =	vsel vm0, v7, v34;
	[tilespmem:v35+s25+$0x0] =	vst.idx.msk $0xff, v36;
	v7, _, _ =	vpop (xrf2)  }
0x499: {  	(xrf1) =	vsort.dscd.msk.f32 $0xffff, v31, v32;
	[tilespmem:v35+s22+$0x0] =	vst.idx.msk $0xff, v10;
	v10 =	vbroadcast v7, $0xF;
	v19 =	vpop (erf)  }
0x49a: {  	v14 =	vbroadcast v14, $0xF;
	v22 =	vsel vm0, v22, v30;
	v27 =	vsel vm0, v27, v33;
	v30, v7, _ =	vpop (xrf1)  }
0x49b: {  	v19 =	vmul.f32 v19, v20;
	v31, v32, _ =	vpop (xrf1);
	(xrf1) =	vsort.ascd.msk.f32 $0xffff, v23, v28  }
0x49c: {  	s11 =	sadd.s32 $0x400, s11;
	v20 =	vmul.f32 $1.442695020e+00, v30;
	v23, _, _ =	vpop (xrf2);
	(erf) = vrcp.f32 v10  }
0x49d: {  	v28, v30, _ =	vpop (xrf1)  }
0x49e: {  	v10 =	vld [tilespmem:s11+$0x0];
	(xrf1) =	vsort.dscd.msk.f32 $0xffff, v22, v27;
	[tilespmem:v29+s25+$0x0] =	vst.idx.msk $0xff, v19;
	v33 =	vbroadcast v23, $0xF;
	(erf) = vrcp.f32 v14  }
0x49f: {  	v14 =	vld [tilespmem:s11+$0xFFFFFFF0];
	v22 =	vsel vm0, v28, v31;
	v30 =	vsel vm0, v30, v32;
	[tilespmem:v29+s22+$0x0] =	vst.idx.msk $0xff, v9;
	v9 =	vadd.s32 s5, v4;
	s5 =	smov.u32 s8;
	s8 =	smov.u32 s20;
	v27, v28, _ =	vpop (xrf1)  }
0x4a0: {  	v29 =	vld [tilespmem:s11+$0xFFFFFFE0];
	(xrf1) =	vsort.dscd.msk.f32 $0xffff, v22, v30;
	(erf) = vrcp.f32 v33;
	v19, _, _ =	vpop (xrf2)  }
0x4a1: {  	v22 =	vld [tilespmem:s11+$0xFFFFFFD0];
	v19 =	vbroadcast v19, $0xF;
	v23 =	vpop (erf)  }
0x4a2: {  	v30 =	vld [tilespmem:s11+$0xFFFFFF80];
	v31, v32, _ =	vpop (xrf1);
	(erf) = vpow2.f32 v20;
	(xrf1) =	vsort.dscd.msk.f32 $0xffff, v17, v18;
	v11 =	vmul.f32 v23, v11  }
0x4a3: {  	v17 =	vld [tilespmem:s11+$0xFFFFFF70];
	(xrf1) =	vsort.ascd.msk.f32 $0xffff, v10, v3;
	v33 =	vsel vm0, v31, v27;
	v31 =	vsel vm0, v32, v28;
	v23, v27, _ =	vpop (xrf1);
	v28 =	vadd.s32 s30, v4;
	s30 =	smov.u32 s3;
	s3 =	smov.u32 s17  }
0x4a4: {  	v20 =	vld [tilespmem:s11+$0xFFFFFF60];
	(xrf1) =	vsort.dscd.msk.f32 $0xffff, v14, v2;
	v23 =	vmul.f32 $1.442695020e+00, v23;
	[tilespmem:v9+s25+$0x0] =	vst.idx.msk $0xff, v11;
	(erf) = vrcp.f32 v19  }
0x4a5: {  	v19 =	vadd.s32 s26, v4;
	s26 =	smov.u32 s29;
	s29 =	smov.u32 s14;
	v11 =	vld [tilespmem:s11+$0xFFFFFF50];
	(xrf1) =	vsort.dscd.msk.f32 $0xffff, v33, v31;
	v10, v18, _ =	vpop (xrf1);
	[tilespmem:v9+s22+$0x0] =	vst.idx.msk $0xff, v5;
	v5 =	vmov v27  }
0x4a6: {  	v9 =	vld [tilespmem:s11+$0xFFFFFF00];
	(xrf1) =	vsort.dscd.msk.f32 $0xffff, v22, v0;
	(erf) = vpow2.f32 v23;
	v14 =	vpop (erf)  }
0x4a7: {  	v27 =	vmul.f32 $1.442695020e+00, v10;
	v23 =	vld [tilespmem:s11+$0xFFFFFEF0];
	(xrf1) =	vsort.ascd.msk.f32 $0xffff, v29, v1;
	v29 =	vadd.s32 s31, v4;
	v21 =	vmul.f32 v14, v21;
	v14 =	vpop (erf);
	s31 =	smov.u32 s4;
	s4 =	smov.u32 s15  }
0x4a8: {  	v31 =	vld [tilespmem:s11+$0xFFFFFEE0];
	v32, v33, _ =	vpop (xrf1);
	v14 =	vmul.f32 v14, v26  }
0x4a9: {  	v26 =	vld [tilespmem:s11+$0xFFFFFED0];
	(xrf1) =	vsort.ascd.msk.f32 $0xffff, v30, v3;
	[tilespmem:v28+s25+$0x0] =	vst.idx.msk $0xff, v21;
	v10 =	vpop (erf)  }
0x4aa: {  	v21 =	vld [tilespmem:s11+$0xFFFFFE80];
	(xrf1) =	vsort.dscd.msk.f32 $0xffff, v11, v0;
	v11, v30, _ =	vpop (xrf1);
	[tilespmem:v19+s25+$0x0] =	vst.idx.msk $0xff, v14;
	v13 =	vmul.f32 v10, v13  }
0x4ab: {  	v22 =	vld [tilespmem:s11+$0xFFFFFE70];
	v11 =	vsel vm0, v32, v11;
	v30 =	vsel vm0, v33, v30;
	v33 =	vpop (erf);
	[tilespmem:v28+s22+$0x0] =	vst.idx.msk $0xff, v12;
	v12 =	vadd.s32 s28, v4;
	s28 =	smov.u32 s0;
	s0 =	smov.u32 s13  }
0x4ac: {  	v28 =	vld [tilespmem:s11+$0xFFFFFE60];
	v14 =	vnsel vm0, $0x0, v33;
	v32, v10, _ =	vpop (xrf1);
	[tilespmem:v29+s25+$0x0] =	vst.idx.msk $0xff, v13  }
0x4ad: {  	v33 =	vld [tilespmem:s11+$0xFFFFFE50];
	(xrf1) =	vsort.dscd.msk.f32 $0xffff, v17, v2;
	v13 =	vmul.f32 $1.442695020e+00, v32;
	(erf) = vpow2.f32 v27;
	[tilespmem:v29+s22+$0x0] =	vst.idx.msk $0xff, v6;
	v6 =	vpop (erf)  }
0x4ae: {  	(xrf1) =	vsort.ascd.msk.f32 $0xffff, v9, v3;
	v27, v9, _ =	vpop (xrf1)  }
0x4af: {  	v17 =	vld [tilespmem:s11+$0xFFFFFE00];
	v29 =	vmul.f32 v6, v25;
	v6 =	vmov v18;
	v18 =	vmul.f32 $1.442695020e+00, v27  }
0x4b0: {  	v32 =	vld [tilespmem:s11+$0xFFFFFDF0];
	(xrf1) =	vsort.dscd.msk.f32 $0xffff, v11, v30;
	v11 =	vpop (erf);
	[tilespmem:v19+s22+$0x0] =	vst.idx.msk $0xff, v8  }
0x4b1: {  	v19 =	vld [tilespmem:s11+$0xFFFFFDE0];
	(xrf1) =	vsort.dscd.msk.f32 $0xffff, v23, v2;
	v11 =	vnsel vm0, $0x0, v11;
	(erf) = vpow2.f32 v13;
	v23, v8, _ =	vpop (xrf1);
	[tilespmem:v12+s25+$0x0] =	vst.idx.msk $0xff, v29  }
0x4b2: {  	v35 =	vld [tilespmem:s11+$0xFFFFFDD0];
	(xrf1) =	vsort.ascd.msk.f32 $0xffff, v31, v1;
	v13, v25, _ =	vpop (xrf1);
	v31 =	vsel vm0, v8, v16;
	(erf) = vpow2.f32 v18;
	[tilespmem:v12+s22+$0x0] =	vst.idx.msk $0xff, v24  }
0x4b3: {  	v12 =	vld [tilespmem:s11+$0xFFFFFD80];
	v18, v16, _ =	vpop (xrf1)  }
0x4b4: {  	v27 =	vld [tilespmem:s11+$0xFFFFFD70];
	v13 =	vsel vm0, v18, v13;
	v16 =	vsel vm0, v16, v25;
	(xrf1) =	vsort.dscd.msk.f32 $0xffff, v26, v0;
	v34, v8, _ =	vpop (xrf1)  }
0x4b5: {  	v44 =	vld [tilespmem:s11+$0xFFFFFD60];
	(xrf1) =	vsort.ascd.msk.f32 $0xffff, v17, v3;
	v17, v18, _ =	vpop (xrf1)  }
0x4b6: {  	v37 =	vld [tilespmem:s11+$0xFFFFFD50];
	(xrf1) =	vsort.ascd.msk.f32 $0xffff, v19, v1;
	v19, v24, _ =	vpop (xrf1)  }
0x4b7: {  	v26 =	vld [tilespmem:s11+$0xFFFFFD00];
	v17 =	vsel vm0, v17, v19;
	v18 =	vsel vm0, v18, v24;
	v19 =	vpop (erf);
	(xrf2) =	vadd.scan.msk.f32 $0xffff, v14  }
0x4b8: {  	v45 =	vld [tilespmem:s11+$0xFFFFFCF0];
	v29, v38, _ =	vpop (xrf1);
	(xrf1) =	vsort.ascd.msk.f32 $0xffff, v13, v16;
	v13 =	vnsel vm0, $0x0, v19  }
0x4b9: {  	v16 =	vld [tilespmem:s11+$0xFFFFFCE0];
	(xrf1) =	vsort.ascd.msk.f32 $0xffff, v28, v1;
	v24, v25, _ =	vpop (xrf1)  }
0x4ba: {  	v30 =	vld [tilespmem:s11+$0xFFFFFCD0];
	(xrf1) =	vsort.dscd.msk.f32 $0xffff, v33, v0;
	v19 =	vpop (erf)  }
0x4bb: {  	v39 =	vld [tilespmem:s11+$0xFFFFFC80];
	v19 =	vnsel vm0, $0x0, v19;
	v33 =	vpop (erf);
	(xrf2) =	vadd.scan.msk.f32 $0xffff, v11  }
0x4bc: {  	v36 =	vld [tilespmem:s11+$0xFFFFFC70];
	(xrf1) =	vsort.ascd.msk.f32 $0xffff, v12, v3;
	v12, v41, _ =	vpop (xrf1)  }
0x4bd: {  	v40 =	vld [tilespmem:s11+$0xFFFFFC60];
	v28 =	vsel vm0, v12, v29;
	v29 =	vsel vm0, v41, v38;
	(xrf1) =	vsort.dscd.msk.f32 $0xffff, v32, v2;
	v32, v38, _ =	vpop (xrf1)  }
0x4be: {  	v46 =	vmul.f32 $1.442695020e+00, v34;
	v41 =	vld [tilespmem:s11+$0xFFFFFC50];
	(xrf1) =	vsort.dscd.msk.f32 $0xffff, v27, v2;
	v27, v12, _ =	vpop (xrf1)  }
0x4bf: {  	(xrf1) =	vsort.ascd.msk.f32 $0xffff, v16, v1;
	v16, v42, _ =	vpop (xrf1);
	v34 =	vmul.f32 $1.442695020e+00, v27  }
0x4c0: {  	v43, v47, _ =	vpop (xrf1)  }
0x4c1: {  	v16 =	vsel vm0, v16, v32;
	v27 =	vsel vm0, v42, v38;
	(xrf1) =	vsort.ascd.msk.f32 $0xffff, v20, v1;
	v32, _, _ =	vpop (xrf2)  }
.Ltmp3:
0x4c2: {  	v20 =	vnsel vm0, $0x0, v33;
	v48, v49, _ =	vpop (xrf1);
	(xrf1) =	vsort.ascd.msk.f32 $0xffff, v16, v27;
	v27 =	vbroadcast v32, $0xF;
	(pc) =	sbr.rel @p0 .LBB2_8-.Ltmp3, $4  }
0x4c3: {  	v42 =	vsel vm0, v23, v15;
	(xrf1) =	vsort.dscd.msk.f32 $0xffff, v35, v0;
	v33, v35, _ =	vpop (xrf1)  }
0x4c4: {  	(xrf1) =	vsort.dscd.msk.f32 $0xffff, v37, v0;
	v38, v37, _ =	vpop (xrf1)  }
0x4c5: {  	v32 =	vsel vm0, v48, v43;
	v43 =	vsel vm0, v49, v47;
	(xrf1) =	vsort.ascd.msk.f32 $0xffff, v44, v1;
	(erf) = vpow2.f32 v46;
	v23, _, _ =	vpop (xrf2)  }
0x4c6: {  	(xrf1) =	vsort.dscd.msk.f32 $0xffff, v45, v2;
	v15, v16, _ =	vpop (xrf1);
	v23 =	vbroadcast v23, $0xF  }
0x4c7: {  	_ = 	snop  }
0x4c8: {  	(xrf1) =	vsort.dscd.msk.f32 $0xffff, v42, v31  }
0x4c9: {  	v31, v42, _ =	vpop (xrf1);
	(xrf1) =	vsort.dscd.msk.f32 $0xffff, v32, v43  }
0x4ca: {  	v32, v43, _ =	vpop (xrf1);
	(xrf1) =	vsort.ascd.msk.f32 $0xffff, v39, v3  }
0x4cb: {  	v39, v44, _ =	vpop (xrf1);
	(xrf1) =	vsort.dscd.msk.f32 $0xffff, v41, v0  }
0x4cc: {  	v62, v45, _ =	vpop (xrf1);
	(xrf1) =	vsort.ascd.msk.f32 $0xffff, v40, v1  }
0x4cd: {  	v40, v46, _ =	vpop (xrf1);
	(xrf1) =	vsort.ascd.msk.f32 $0xffff, v26, v3  }
0x4ce: {  	v26, v47, _ =	vpop (xrf1);
	(xrf1) =	vsort.dscd.msk.f32 $0xffff, v36, v2  }
0x4cf: {  	v63, v48, _ =	vpop (xrf1);
	(xrf1) =	vsort.dscd.msk.f32 $0xffff, v30, v0  }
0x4d0: {  	v30 =	vpop (erf)  }
0x4d1: {  	(xrf2) =	vadd.scan.msk.f32 $0xffff, v19;
	v49, v50, _ =	vpop (xrf1)  }
0x4d2: {  	(xrf2) =	vadd.scan.msk.f32 $0xffff, v20;
	v51, v52, _ =	vpop (xrf1)  }
0x4d3: {  	(xrf1) =	vsort.ascd.msk.f32 $0xffff, v21, v3;
	v53, v54, _ =	vpop (xrf1)  }
0x4d4: {  	v48 =	vsel vm0, v25, v48;
	v24 =	vsel vm0, v24, v63;
	(xrf1) =	vsort.ascd.msk.f32 $0xffff, v28, v29;
	v25, v55, _ =	vpop (xrf1)  }
0x4d5: {  	(erf) = vpow2.f32 v34;
	v56 =	vsel vm0, v51, v38;
	v57 =	vsel vm0, v52, v37;
	(xrf1) =	vsort.dscd.msk.f32 $0xffff, v24, v48;
	v59, v58, _ =	vpop (xrf1)  }
0x4d6: {  	v33 =	vsel vm0, v62, v33;
	(xrf1) =	vsort.dscd.msk.f32 $0xffff, v56, v57;
	v60, v21, _ =	vpop (xrf1)  }
0x4d7: {  	v61 =	vsel vm0, v45, v35;
	v63, v62, _ =	vpop (xrf1);
	(xrf1) =	vsort.dscd.msk.f32 $0xffff, v22, v2  }
0x4d8: {  	v38, v41, _ =	vpop (xrf1);
	(xrf1) =	vsort.ascd.msk.f32 $0xffff, v33, v61  }
0x4d9: {  	v33, v34, _ =	vpop (xrf1)  }
0x4da: {  	v48 =	vsel vm0, v40, v39;
	v51 =	vsel vm0, v46, v44;
	v40, v52, _ =	vpop (xrf1)  }
0x4db: {  	v25 =	vsel vm0, v53, v25;
	v28 =	vsel vm0, v54, v55;
	(xrf1) =	vsort.ascd.msk.f32 $0xffff, v48, v51;
	v22, v39, _ =	vpop (xrf1)  }
0x4dc: {  	v35 =	vsel vm0, v63, v49;
	v36 =	vsel vm0, v62, v50;
	(xrf1) =	vsort.dscd.msk.f32 $0xffff, v25, v28;
	v54, v53, _ =	vpop (xrf1)  }
0x4dd: {  	v55 =	vmul.f32 $1.442695020e+00, v60;
	(xrf1) =	vsort.dscd.msk.f32 $0xffff, v35, v36;
	v22 =	vsel vm0, v59, v22;
	v56 =	vsel vm0, v58, v39;
	v57, v58, _ =	vpop (xrf1)  }
0x4de: {  	(erf) = vrcp.f32 v27;
	v61 =	vpop (erf);
	(xrf1) =	vsort.ascd.msk.f32 $0xffff, v22, v56;
	v26 =	vsel vm0, v57, v26;
	v60 =	vsel vm0, v58, v47  }
0x4df: {  	(erf) = vpow2.f32 v55;
	v59, _, _ =	vpop (xrf2);
	(xrf1) =	vsort.dscd.msk.f32 $0xffff, v26, v60  }
0x4e0: {  	v62, _, _ =	vpop (xrf2)  }
0x4e1: {  	v22 =	vnsel vm0, $0x0, v30;
	v28 =	vsel vm0, v54, v38;
	v63, v46, _ =	vpop (xrf1)  }
0x4e2: {  	v25 =	vnsel vm0, $0x0, v61;
	v34 =	vsel vm0, v34, v52;
	(xrf2) =	vadd.scan.msk.f32 $0xffff, v22;
	v48, v47, _ =	vpop (xrf1)  }
0x4e3: {  	v33 =	vsel vm0, v33, v40;
	v49 =	vsel vm0, v53, v41;
	v27 =	vbroadcast v59, $0xF;
	(xrf2) =	vadd.scan.msk.f32 $0xffff, v25;
	v50, v51, _ =	vpop (xrf1)  }
0x4e4: {  	(xrf1) =	vsort.ascd.msk.f32 $0xffff, v28, v49;
	v28, v36, _ =	vpop (xrf1)  }
0x4e5: {  	(xrf2) =	vadd.scan.msk.f32 $0xffff, v13;
	v52, v53, _ =	vpop (xrf1)  }
0x4e6: {  	(erf) = vrcp.f32 v27;
	v24 =	vsel vm0, v50, v48;
	v35 =	vsel vm0, v51, v47;
	(xrf1) =	vsort.dscd.msk.f32 $0xffff, v33, v34;
	v33, v34, _ =	vpop (xrf1)  }
0x4e7: {  	v26 =	vbroadcast v62, $0xF;
	v27 =	vpop (erf);
	(xrf1) =	vsort.dscd.msk.f32 $0xffff, v24, v35;
	v54 =	vsel vm0, v28, v33;
	v55 =	vsel vm0, v36, v34  }
0x4e8: {  	v31 =	vsel vm0, v32, v31;
	v56 =	vsel vm0, v43, v42;
	v57 =	vpop (erf);
	(xrf1) =	vsort.dscd.msk.f32 $0xffff, v54, v55  }
0x4e9: {  	(erf) = vrcp.f32 v26;
	v59 =	vsel vm0, v52, v63;
	v60 =	vsel vm0, v53, v46;
	v58, v34, _ =	vpop (xrf1);
	(xrf1) =	vsort.dscd.msk.f32 $0xffff, v31, v56  }
0x4ea: {  	v61, v62, _ =	vpop (xrf1);
	(xrf1) =	vsort.ascd.msk.f32 $0xffff, v59, v60  }
0x4eb: {  	v63, v24, _ =	vpop (xrf1)  }
0x4ec: {  	v26 =	vnsel vm0, $0x0, v57;
	v39, v40, _ =	vpop (xrf1)  }
0x4ed: {  	(xrf2) =	vadd.scan.msk.f32 $0xffff, v26;
	v28 =	vsel vm0, v61, v58;
	v41 =	vsel vm0, v62, v34;
	v30, v34, _ =	vpop (xrf1)  }
0x4ee: {  	v42, _, _ =	vpop (xrf2);
	(xrf1) =	vsort.dscd.msk.f32 $0xffff, v28, v41;
	v43 =	vsel vm0, v30, v39;
	v44 =	vsel vm0, v34, v40  }
0x4ef: {  	v45, _, _ =	vpop (xrf2);
	(xrf1) =	vsort.dscd.msk.f32 $0xffff, v43, v44  }
0x4f0: {  	v46 =	vbroadcast v45, $0xF;
	v47, _, _ =	vpop (xrf2);
	(xrf1) =	vsort.dscd.msk.f32 $0xffff, v17, v18  }
0x4f1: {  	(erf) = vrcp.f32 v23;
	v28 =	vpop (erf)  }
0x4f2: {  	(erf) = vrcp.f32 v46;
	v23 =	vpop (erf)  }
0x4f3: {  	v48, v30, _ =	vpop (xrf1)  }
0x4f4: {  	v49 =	vbroadcast v42, $0xF;
	v33, v34, _ =	vpop (xrf1)  }
0x4f5: {  	v50 =	vbroadcast v47, $0xF;
	v51, v18, _ =	vpop (xrf1)  }
0x4f6: {  	v31 =	vmul.f32 $1.442695020e+00, v63;
	(erf) = vrcp.f32 v49;
	v52, v17, _ =	vpop (xrf1)  }
0x4f7: {  	(erf) = vrcp.f32 v50;
	v54, v53, _ =	vpop (xrf1)  }
0x4f8: {  	(erf) = vpow2.f32 v31;
	v29 =	vsel vm0, v33, v48;
	v30 =	vsel vm0, v34, v30;
	v55, v56, _ =	vpop (xrf1)  }
0x4f9: {  	v57, _, _ =	vpop (xrf2);
	(xrf1) =	vsort.dscd.msk.f32 $0xffff, v29, v30;
	v58 =	vsel vm0, v54, v55;
	v59 =	vsel vm0, v53, v56  }
0x4fa: {  	v31 =	vpop (erf);
	(xrf1) =	vsort.dscd.msk.f32 $0xffff, v58, v59  }
0x4fb: {  	v29 =	vpop (erf)  }
0x4fc: {  	v34 =	vbroadcast v57, $0xF;
	v60, v33, _ =	vpop (xrf1)  }
0x4fd: {  	v61, v37, _ =	vpop (xrf1)  }
0x4fe: {  	v62, v63, _ =	vpop (xrf1)  }
0x4ff: {  	v36 =	vmul.f32 $1.442695020e+00, v51;
	v40 =	vpop (erf);
	v16 =	vsel vm0, v63, v16;
	v15 =	vsel vm0, v62, v15  }
0x500: {  	(erf) = vrcp.f32 v34;
	v32 =	vmul.f32 $1.442695020e+00, v52;
	v34 =	vpop (erf);
	(xrf1) =	vsort.dscd.msk.f32 $0xffff, v15, v16  }
0x501: {  	(erf) = vpow2.f32 v36;
	v43 =	vpop (erf);
	v44 =	vmul.f32 $1.442695020e+00, v60  }
0x502: {  	(erf) = vpow2.f32 v32;
	v15 =	vnsel vm0, $0x0, v43  }
0x503: {  	(erf) = vpow2.f32 v44;
	(xrf2) =	vadd.scan.msk.f32 $0xffff, v15;
	_ =	sdelay $0x1  }
0x504: {  	v45 =	vmul.f32 $1.442695020e+00, v61;
	_ =	sdelay $0x1  }
0x505: {  	(erf) = vpow2.f32 v45;
	v46, v30, _ =	vpop (xrf1)  }
0x506: {  	v16 =	vmul.f32 $1.442695020e+00, v46;
	v47, v35, _ =	vpop (xrf1)  }
0x507: {  	v36 =	vpop (erf);
	v32 =	vmul.f32 $1.442695020e+00, v47  }
0x508: {  	v48 =	vpop (erf);
	(erf) = vpow2.f32 v16  }
0x509: {  	v49 =	vpop (erf);
	(erf) = vpow2.f32 v32  }
0x50a: {  	v50 =	vpop (erf);
	v32 =	vnsel vm0, $0x0, v48  }
0x50b: {  	v38 =	vnsel vm0, $0x0, v50;
	(xrf2) =	vadd.scan.msk.f32 $0xffff, v32;
	v51, _, _ =	vpop (xrf2)  }
0x50c: {  	v39 =	vbroadcast v51, $0xF;
	(xrf2) =	vadd.scan.msk.f32 $0xffff, v38;
	v52, v42, _ =	vpop (xrf1)  }
0x50d: {  	v54 =	vadd.s32 s6, v4;
	v41 =	vmul.f32 $1.442695020e+00, v52  }
0x50e: {  	v53 =	vpop (erf);
	(erf) = vrcp.f32 v39  }
0x50f: {  	v39 =	vnsel vm0, $0x0, v53;
	(erf) = vpow2.f32 v41  }
0x510: {  	v14 =	vmul.f32 v27, v14;
	(xrf2) =	vadd.scan.msk.f32 $0xffff, v39  }
0x511: {  	v55 =	vpop (erf)  }
0x512: {  	v58 =	vadd.s32 s1, v4;
	[tilespmem:v54+s25+$0x0] =	vst.idx.msk $0xff, v14;
	v43 =	vnsel vm0, $0x0, v55;
	v57 =	vpop (erf)  }
0x513: {  	[tilespmem:v54+s22+$0x0] =	vst.idx.msk $0xff, v7;
	v7 =	vadd.s32 s5, v4;
	(xrf2) =	vadd.scan.msk.f32 $0xffff, v43;
	v27 =	vnsel vm0, $0x0, v57  }
0x514: {  	(xrf2) =	vadd.scan.msk.f32 $0xffff, v27  }
0x515: {  	v62 =	vmul.f32 v23, v20;
	v59, _, _ =	vpop (xrf2)  }
0x516: {  	v11 =	vmul.f32 v31, v11;
	v44 =	vadd.s32 s26, v4;
	v16 =	vnsel vm0, $0x0, v49;
	v61, _, _ =	vpop (xrf2)  }
0x517: {  	v56 =	vadd.s32 s7, v4;
	[tilespmem:v58+s25+$0x0] =	vst.idx.msk $0xff, v62;
	(xrf2) =	vadd.scan.msk.f32 $0xffff, v16;
	v63 =	vpop (erf)  }
0x518: {  	v60 =	vmul.f32 v28, v19;
	[tilespmem:v7+s25+$0x0] =	vst.idx.msk $0xff, v11;
	v48 =	vadd.s32 s31, v4;
	v19 =	vbroadcast v61, $0xF;
	v41 =	vpop (erf)  }
0x519: {  	[tilespmem:v7+s22+$0x0] =	vst.idx.msk $0xff, v5;
	v5 =	vmul.f32 v40, v22;
	v23 =	vnsel vm0, $0x0, v41  }
0x51a: {  	[tilespmem:v58+s22+$0x0] =	vst.idx.msk $0xff, v9;
	v47, _, _ =	vpop (xrf2);
	(erf) = vrcp.f32 v19;
	(xrf2) =	vadd.scan.msk.f32 $0xffff, v23  }
0x51b: {  	v28 =	vadd.s32 s30, v4;
	[tilespmem:v44+s25+$0x0] =	vst.idx.msk $0xff, v5;
	v5 =	vmul.f32 v34, v13;
	v9 =	vbroadcast v47, $0xF  }
0x51c: {  	[tilespmem:v56+s25+$0x0] =	vst.idx.msk $0xff, v60;
	v49 =	vmul.f32 v29, v25;
	v51 =	vadd.s32 s28, v4  }
0x51d: {  	[tilespmem:v48+s25+$0x0] =	vst.idx.msk $0xff, v5;
	v50 =	vbroadcast v59, $0xF;
	v7, _, _ =	vpop (xrf2);
	(erf) = vrcp.f32 v9  }
0x51e: {  	[tilespmem:v48+s22+$0x0] =	vst.idx.msk $0xff, v6;
	v6 =	vmul.f32 v36, v26;
	v7 =	vbroadcast v7, $0xF;
	v52, _, _ =	vpop (xrf2)  }
0x51f: {  	[tilespmem:v56+s22+$0x0] =	vst.idx.msk $0xff, v10;
	v5 =	vadd.s32 s9, v4;
	(erf) = vrcp.f32 v50;
	v53 =	vbroadcast v52, $0xF  }
0x520: {  	[tilespmem:v28+s25+$0x0] =	vst.idx.msk $0xff, v49  }
0x521: {  	[tilespmem:v51+s25+$0x0] =	vst.idx.msk $0xff, v6;
	v6 =	vmul.f32 v63, v15;
	v54, _, _ =	vpop (xrf2);
	(erf) = vrcp.f32 v53  }
0x522: {  	[tilespmem:v44+s22+$0x0] =	vst.idx.msk $0xff, v8;
	v55 =	vadd.s32 s10, v4;
	v56 =	vbroadcast v54, $0xF;
	(erf) = vrcp.f32 v7  }
0x523: {  	[tilespmem:v28+s22+$0x0] =	vst.idx.msk $0xff, v12;
	v7 =	vpop (erf)  }
0x524: {  	v57 =	vadd.s32 s16, v4;
	[tilespmem:v5+s25+$0x0] =	vst.idx.msk $0xff, v6;
	(erf) = vrcp.f32 v56;
	v6 =	vmul.f32 v7, v38;
	v58, _, _ =	vpop (xrf2)  }
0x525: {  	[tilespmem:v51+s22+$0x0] =	vst.idx.msk $0xff, v21;
	v7 =	vbroadcast v58, $0xF  }
0x526: {  	v59 =	vadd.s32 s8, v4;
	[tilespmem:v5+s22+$0x0] =	vst.idx.msk $0xff, v24;
	v5 =	vpop (erf)  }
0x527: {  	[tilespmem:v55+s25+$0x0] =	vst.idx.msk $0xff, v6;
	v5 =	vmul.f32 v5, v39;
	(erf) = vrcp.f32 v7  }
0x528: {  	[tilespmem:v55+s22+$0x0] =	vst.idx.msk $0xff, v33;
	v6 =	vpop (erf);
	v7 =	vadd.s32 s3, v4  }
0x529: {  	[tilespmem:v57+s25+$0x0] =	vst.idx.msk $0xff, v5;
	v5 =	vmul.f32 v6, v32;
	v6 =	vadd.s32 s29, v4  }
0x52a: {  	[tilespmem:v57+s22+$0x0] =	vst.idx.msk $0xff, v37;
	v60 =	vpop (erf)  }
0x52b: {  	[tilespmem:v59+s25+$0x0] =	vst.idx.msk $0xff, v5;
	v5 =	vadd.s32 s4, v4;
	v8 =	vmul.f32 v60, v27;
	v61 =	vpop (erf)  }
0x52c: {  	[tilespmem:v59+s22+$0x0] =	vst.idx.msk $0xff, v18;
	v9 =	vmul.f32 v61, v43  }
0x52d: {  	v62 =	vpop (erf);
	[tilespmem:v7+s25+$0x0] =	vst.idx.msk $0xff, v8  }
0x52e: {  	v63 =	vadd.s32 s0, v4;
	v8 =	vmul.f32 v62, v16;
	[tilespmem:v6+s25+$0x0] =	vst.idx.msk $0xff, v9  }
0x52f: {  	[tilespmem:v7+s22+$0x0] =	vst.idx.msk $0xff, v35  }
0x530: {  	[tilespmem:v5+s25+$0x0] =	vst.idx.msk $0xff, v8;
	v7 =	vpop (erf)  }
0x531: {  	[tilespmem:v5+s22+$0x0] =	vst.idx.msk $0xff, v17;
	v5 =	vmul.f32 v7, v23  }
0x532: {  	[tilespmem:v6+s22+$0x0] =	vst.idx.msk $0xff, v30  }
0x533: {  	[tilespmem:v63+s25+$0x0] =	vst.idx.msk $0xff, v5  }
0x534: {  	[tilespmem:v63+s22+$0x0] =	vst.idx.msk $0xff, v42  }
0x535: {  	s9 =	simm.s32 $0x0;
	s26 =	rddreg [dreg:$0xe]  }
0x536: {  	[hbm4b:s26+s9] =	stream.linear.scatter [tilespmem:s25], [sflag:$0x4], $0x800, $0x38;
	[tilespmem:$0x12000] =	vst v63  }
0x537: {  	s29 =	simm.s32 $0x3;
	s28 =	rddreg [dreg:$0xf]  }
0x538: {  	[hbm4b:s28+s9] =	stream.linear.scatter [tilespmem:s22], [sflag:$0x4], $0x800, $0x38;
	[tilespmem:$0x12000] =	vst v63  }
0x539: {  	_ =	swait.ge [sflag:s29], $0x800  }
0x53a: {  	[sflag:s29] =	ssyncset.done $0x0  }
0x53b: {  	[sflag:s29] =	ssyncadd.s32 $0xFFFFF800  }
0x53c: {  	_ =	swait.ge [sflag:s29], $0x800  }
0x53d: {  	[sflag:s29] =	ssyncset.done $0x0  }
0x53e: {  	s30 =	simm.s32 $0x4;
	[sflag:s29] =	ssyncadd.s32 $0xFFFFF800  }
0x53f: {  	_ =	swait.ge [sflag:s30], $0x800  }
0x540: {  	[sflag:s30] =	ssyncset.done $0x0  }
0x541: {  	[sflag:s30] =	ssyncadd.s32 $0xFFFFF800  }
0x542: {  	_ =	swait.ge [sflag:s30], $0x800  }
0x543: {  	s2 =	rddreg [dreg:$0x11]  }
0x544: {  	s31 =	rddreg [dreg:$0x10];
	s2 =	sadd.s32 $0x1, s2  }
0x545: {  	p0 =	sne.s32 s2, s31  }
.Ltmp4:
0x546: {  	_ = 	snop;
	(pc) =	sbr.rel @p0 .LBB2_1-.Ltmp4, $3  }
0x547: {  	_ =	sdelay $0x1  }
0x548: {  	[sflag:s30] =	ssyncset.done $0x0  }
0x549: {  	s22 =	simm.s32 $0x2;
	[sflag:s30] =	ssyncadd.s32 $0xFFFFF800  }
0x54a: {  	_ =	sfence.sel $0x180000  }
0x54b: {  	[bflag:$0x0] =	sbarrier.arrive $0xFFFF  }
0x54c: {  	_ =	strace $0x90000047  }
0x54d: {  	s0 =	stileid.u32;
	[bflag:$0x2] =	sbarrier.arrive $0xFFFF  }
0x54e: {  	p0 =	sne.s32 s0, $0x0;
	s0 =	rddreg [dreg:$0x3]  }
0x54f: {  	s0 =	sadd.s32 @!p0 $0x100000, s0  }
0x550: {  	[sflag:s0] =	ssyncadd.tile.s32 @!p0 $0x1;
	_ =	shalt  }
.Lfunc_end2:
_tile_overlayer_lowered:
.L_overlay_start_2:
0x551: {  	(tag) =	ssettag $0x2  }
0x552: {  	s0 =	rddreg [dreg:$0x0];
	s2 =	stileid.u32  }
0x553: {  	s1 =	rddreg [dreg:$0x1];
	p0 =	sne.s32 s2, $0x0  }
0x554: {  	s3 =	rddreg [dreg:$0x2];
	[bflag:$0x3] =	sbarrier.arrive $0xFFFF;
	s2 =	simm.s32 @!p0 $0x1C05  }
0x555: {  	[timem:s3], [sflag:s2] =	dma.local @!p0 [hbm:s0], s1  }
0x556: {  	s0 =	simm.s32 @!p0 $0x5  }
0x557: {  	_ =	swait.ge @!p0 [sflag:s0], s1  }
0x558: {  	s1 =	ssub.s32 @!p0 $0x0, s1;
	[sflag:s0] =	ssyncset.done @!p0 $0x0  }
0x559: {  	[sflag:s0] =	ssyncadd.s32 @!p0 s1  }
0x55a: {  	[bflag:$0x3] =	sbarrier.arrive $0xFFFF  }
0x55b: {  	_ =	shalt  }

</sc_bundles>
